<compile_context>
chip_gen: v7x
topology: tpu7x:2x2x1
jax: 0.10.2.dev20260603
libtpu: 0.0.44.dev20260713+nightly
codegen_flags: <defaults>
</compile_context>

<pallas_src>
import functools

import jax
import jax.numpy as jnp
from jax import lax
from jax.experimental import pallas as pl
from jax.experimental.pallas import tpu as pltpu
from jax.experimental.pallas import tpu_sc as plsc

N = 10000
E = 160000
G = 20
NPG = 500
SLOPE = 0.1

NC = 2
NS = 16
NW = NC * NS
EPW = E // NW
NP = 10240
RPS = NP // NS
ZR = 128
EBW = 500
NTR = E // EBW
TPT = NTR // NW


def _lrelu(v):
    return jnp.where(v >= 0, v, SLOPE * v)


def _zero_acc(zbuf, acc, s, d):
    def zrow(i, carry):
        for j in range(d // 16):
            zbuf[i, pl.ds(j * 16, 16)] = jnp.zeros((16,), jnp.float32)
        return carry

    lax.fori_loop(0, ZR, zrow, 0)
    for j in range(RPS // ZR):
        pltpu.sync_copy(zbuf, acc.at[pl.ds(s * RPS + j * ZR, ZR)])


def _flush_acc(acc, out_hbm, c, s):
    pltpu.sync_copy(acc.at[pl.ds(s * RPS, RPS)],
                    out_hbm.at[pl.ds(c * NP + s * RPS, RPS)])


def _make_scatter(d):
    nbuf = 3 if d <= 32 else 2
    mesh = plsc.VectorSubcoreMesh(core_axis_name="c", subcore_axis_name="s")

    @functools.partial(
        pl.kernel,
        out_type=jax.ShapeDtypeStruct((2 * NP, d), jnp.float32),
        mesh=mesh,
        compiler_params=pltpu.CompilerParams(use_tc_tiling_on_sc=False),
        scratch_types=(
            [pltpu.VMEM((TPT, EBW), jnp.int32),
             pltpu.VMEM((TPT, EBW), jnp.int32)]
            + [pltpu.VMEM((EBW, d), jnp.float32) for _ in range(nbuf)]
            + [pltpu.VMEM((ZR, d), jnp.float32),
               pltpu.VMEM_SHARED((NP, d), jnp.float32)]
            + [pltpu.SemaphoreType.DMA for _ in range(2 * nbuf)]
        ),
    )
    def k(g_hbm, rowm_hbm, colm_hbm, out_hbm, rowb, colb, *rest):
        msg = rest[:nbuf]
        zbuf = rest[nbuf]
        acc = rest[nbuf + 1]
        gsem = rest[nbuf + 2:2 * nbuf + 2]
        ssem = rest[2 * nbuf + 2:]
        c = lax.axis_index("c")
        s = lax.axis_index("s")
        wid = s * NC + c

        _zero_acc(zbuf, acc, s, d)

        br = wid * TPT
        pltpu.sync_copy(rowm_hbm.at[pl.ds(br, TPT)], rowb)
        pltpu.sync_copy(colm_hbm.at[pl.ds(br, TPT)], colb)
        plsc.subcore_barrier()

        def start_g(st, b):
            pltpu.async_copy(g_hbm.at[rowb.at[st]], msg[b], gsem[b])

        def start_s(st, b):
            pltpu.async_copy(msg[b], acc.at[colb.at[st]], ssem[b], add=True)

        def wait(b, sems):
            pltpu.make_async_copy(g_hbm.at[pl.ds(0, EBW)], msg[b],
                                  sems[b]).wait()

        for b in range(nbuf - 1):
            start_g(b, b)

        def ring(t, carry):
            for b in range(nbuf):
                st = nbuf * t + b

                @pl.when(st < TPT)
                def _():
                    wait(b, gsem)

                    @pl.when(st + nbuf - 1 < TPT)
                    def _():
                        @pl.when(st >= 1)
                        def _():
                            wait((b + nbuf - 1) % nbuf, ssem)

                        start_g(st + nbuf - 1, (b + nbuf - 1) % nbuf)

                    start_s(st, b)
            return carry

        lax.fori_loop(0, (TPT + nbuf - 1) // nbuf, ring, 0)
        for j in range(nbuf):
            wait((TPT - nbuf + j) % nbuf, ssem)

        plsc.subcore_barrier()
        _flush_acc(acc, out_hbm, c, s)

    return k


def _make_deg():
    d = 16
    mesh = plsc.VectorSubcoreMesh(core_axis_name="c", subcore_axis_name="s")

    @functools.partial(
        pl.kernel,
        out_type=jax.ShapeDtypeStruct((2 * NP, d), jnp.float32),
        mesh=mesh,
        compiler_params=pltpu.CompilerParams(use_tc_tiling_on_sc=False),
        scratch_types=[
            pltpu.VMEM((TPT, EBW), jnp.int32),
            pltpu.VMEM((EBW, d), jnp.float32),
            pltpu.VMEM((ZR, d), jnp.float32),
            pltpu.VMEM_SHARED((NP, d), jnp.float32),
        ],
    )
    def k(colm_hbm, out_hbm, colb, ones, zbuf, acc):
        c = lax.axis_index("c")
        s = lax.axis_index("s")
        wid = s * NC + c

        def orow(i, carry):
            ones[i, pl.ds(0, 16)] = jnp.ones((16,), jnp.float32)
            return carry

        lax.fori_loop(0, EBW, orow, 0)
        _zero_acc(zbuf, acc, s, d)

        br = wid * TPT
        pltpu.sync_copy(colm_hbm.at[pl.ds(br, TPT)], colb)
        plsc.subcore_barrier()

        def step(st, carry):
            pltpu.sync_copy(ones, acc.at[colb.at[st]], add=True)
            return carry

        lax.fori_loop(0, TPT, step, 0)

        plsc.subcore_barrier()
        _flush_acc(acc, out_hbm, c, s)

    return k


_deg = _make_deg()
_scatter32 = _make_scatter(32)
_scatter64 = _make_scatter(64)


_R = 1024


def _prep_body(p0, p1, x, w, dinv_ref, g_ref):
    deg = p0[:, 0:1] + p1[:, 0:1]
    dinv = jnp.where(deg > 0, lax.rsqrt(deg), 0.0)
    dinv_ref[...] = dinv
    g_ref[...] = dinv * jnp.dot(x[...], w[...],
                                preferred_element_type=jnp.float32)


def _prep(p0, p1, x, w):
    din, dw = x.shape[1], w.shape[1]
    return pl.pallas_call(
        _prep_body,
        grid=(-(-N // _R),),
        in_specs=[
            pl.BlockSpec((_R, 16), lambda i: (i, 0)),
            pl.BlockSpec((_R, 16), lambda i: (i + NP // _R, 0)),
            pl.BlockSpec((_R, din), lambda i: (i, 0)),
            pl.BlockSpec((din, dw), lambda i: (0, 0)),
        ],
        out_specs=[
            pl.BlockSpec((_R, 1), lambda i: (i, 0)),
            pl.BlockSpec((_R, dw), lambda i: (i, 0)),
        ],
        out_shape=[
            jax.ShapeDtypeStruct((N, 1), jnp.float32),
            jax.ShapeDtypeStruct((N, dw), jnp.float32),
        ],
    )(p0, p1, x, w)


def _mid_body(q0, q1, dinv, b, w, g_ref):
    a = dinv[...] * (q0[...] + q1[...]) + b[...]
    a = _lrelu(a)
    g_ref[...] = dinv[...] * jnp.dot(a, w[...],
                                     preferred_element_type=jnp.float32)


def _mid(q0, q1, dinv, b, w):
    d, dw = w.shape
    return pl.pallas_call(
        _mid_body,
        grid=(-(-N // _R),),
        in_specs=[
            pl.BlockSpec((_R, d), lambda i: (i, 0)),
            pl.BlockSpec((_R, d), lambda i: (i + NP // _R, 0)),
            pl.BlockSpec((_R, 1), lambda i: (i, 0)),
            pl.BlockSpec((1, d), lambda i: (0, 0)),
            pl.BlockSpec((d, dw), lambda i: (0, 0)),
        ],
        out_specs=pl.BlockSpec((_R, dw), lambda i: (i, 0)),
        out_shape=jax.ShapeDtypeStruct((N, dw), jnp.float32),
    )(q0, q1, dinv, b, w)


def _final_body(q0, q1, dinv, b2, m0, mb0, m1, mb1, m2, mb2, h_ref, vp_ref):
    h = dinv[...] * (q0[...] + q1[...]) + b2[...]
    h_ref[...] = h
    t = _lrelu(jnp.dot(h, m0[...], preferred_element_type=jnp.float32) + mb0[...])
    t = _lrelu(jnp.dot(t, m1[...], preferred_element_type=jnp.float32) + mb1[...])
    vp_ref[...] = jnp.dot(t, m2[...], preferred_element_type=jnp.float32) + mb2[...]


def _final(q0, q1, dinv, b2, m0, mb0, m1, mb1, m2, mb2):
    return pl.pallas_call(
        _final_body,
        grid=(-(-N // _R),),
        in_specs=[
            pl.BlockSpec((_R, 64), lambda i: (i, 0)),
            pl.BlockSpec((_R, 64), lambda i: (i + NP // _R, 0)),
            pl.BlockSpec((_R, 1), lambda i: (i, 0)),
            pl.BlockSpec((1, 64), lambda i: (0, 0)),
            pl.BlockSpec((64, 64), lambda i: (0, 0)),
            pl.BlockSpec((1, 64), lambda i: (0, 0)),
            pl.BlockSpec((64, 64), lambda i: (0, 0)),
            pl.BlockSpec((1, 64), lambda i: (0, 0)),
            pl.BlockSpec((64, 4), lambda i: (0, 0)),
            pl.BlockSpec((1, 4), lambda i: (0, 0)),
        ],
        out_specs=[
            pl.BlockSpec((_R, 64), lambda i: (i, 0)),
            pl.BlockSpec((_R, 4), lambda i: (i, 0)),
        ],
        out_shape=[
            jax.ShapeDtypeStruct((N, 64), jnp.float32),
            jax.ShapeDtypeStruct((N, 4), jnp.float32),
        ],
    )(q0, q1, dinv, b2, m0, mb0, m1, mb1, m2, mb2)


_OB = 400
_VD = NPG * 4


def _outer_body(vr, vc, o_ref):
    o_ref[0] = vr[0] * vc[0]


def _outer(vcol, vrow):
    return pl.pallas_call(
        _outer_body,
        grid=(G,),
        in_specs=[
            pl.BlockSpec((1, _VD, 1), lambda k: (k, 0, 0)),
            pl.BlockSpec((1, 1, _VD), lambda k: (k, 0, 0)),
        ],
        out_specs=pl.BlockSpec((1, _VD, _VD), lambda k: (k, 0, 0)),
        out_shape=jax.ShapeDtypeStruct((G, _VD, _VD), jnp.float32),
        compiler_params=pltpu.CompilerParams(
            vmem_limit_bytes=100 * 1024 * 1024),
    )(vcol, vrow)


@jax.jit
def kernel(x, edge_index, ptr, W0, b0, W1, b1, W2, b2, M0, mb0, M1, mb1, M2, mb2):
    rowm = edge_index[0].reshape(NTR, EBW)
    colm = edge_index[1].reshape(NTR, EBW)

    degp = _deg(colm)
    dinv, g0 = _prep(degp, degp, x, W0)

    p = _scatter32(g0, rowm, colm)
    g1 = _mid(p, p, dinv, b0.reshape(1, -1), W1)

    p = _scatter32(g1, rowm, colm)
    g2 = _mid(p, p, dinv, b1.reshape(1, -1), W2)

    p = _scatter64(g2, rowm, colm)
    h, vp = _final(p, p, dinv, b2.reshape(1, -1),
                   M0, mb0.reshape(1, -1), M1, mb1.reshape(1, -1),
                   M2, mb2.reshape(1, -1))

    Xs = _outer(vp.reshape(G, _VD, 1), vp.reshape(G, 1, _VD))
    return h, Xs

# --- scband reference (transcript-rebuilt; emitter-appended) ---
"""Pipeline reference for scband-primal-model-82575041232931 (READ-ONLY COPY).

The authoritative reference and input builder live on the scoring server;
editing this copy changes nothing except your own understanding.
"""

import jax, jax.numpy as jnp
import numpy as np

N_NODES = 10000
N_EDGES = 160000
N_GRAPHS = 20
NPG = 500
RELU_SLOPE = 0.1


def _lrelu(x):
    return jnp.where(x >= 0, x, RELU_SLOPE * x)


def _gcn(x, row, col, W, b):
    # GCNConv with add_self_loops=False: D^-1/2 A D^-1/2 X W + b
    n = x.shape[0]
    deg = jnp.zeros((n,), x.dtype).at[col].add(1.0)
    dinv = jnp.where(deg > 0, deg ** -0.5, 0.0)
    norm = dinv[row] * dinv[col]
    h = x @ W
    msg = h[row] * norm[:, None]
    out = jnp.zeros((n, W.shape[1]), x.dtype).at[col].add(msg)
    return out + b


def setup_inputs(seed: int = 0) -> dict:
    key = jax.random.key(seed)
    ks = jax.random.split(key, 20)
    inp = {}
    inp["x"] = jax.random.normal(ks[0], (N_NODES, 16), jnp.float32)
    inp["edge_index"] = jax.random.randint(ks[1], (2, N_EDGES), 0, N_NODES, dtype=jnp.int32)
    inp["ptr"] = jnp.arange(N_GRAPHS + 1, dtype=jnp.int32) * NPG
    dims = [(16, 32), (32, 32), (32, 64)]
    for i, (di, do) in enumerate(dims):
        inp[f"W{i}"] = jax.random.normal(ks[2 + i], (di, do), jnp.float32) * (1.0 / np.sqrt(di))
        inp[f"b{i}"] = jnp.zeros((do,), jnp.float32)
    mdims = [(64, 64), (64, 64), (64, 4)]
    for i, (di, do) in enumerate(mdims):
        inp[f"M{i}"] = jax.random.normal(ks[8 + i], (di, do), jnp.float32) * (1.0 / np.sqrt(di))
        inp[f"mb{i}"] = jnp.zeros((do,), jnp.float32)
    return inp


def reference(x, edge_index, ptr, W0, b0, W1, b1, W2, b2, M0, mb0, M1, mb1, M2, mb2):
    row, col = edge_index[0], edge_index[1]
    # message-passing stack (eval mode: dropout is identity)
    h = _gcn(x, row, col, W0, b0)
    h = _lrelu(h)
    h = _gcn(h, row, col, W1, b1)
    h = _lrelu(h)
    h = _gcn(h, row, col, W2, b2)
    # factor branch: per-graph node MLP then rank-1 factorization X = v^T v
    Xs = []
    for k in range(N_GRAPHS):
        xk = jax.lax.dynamic_slice_in_dim(h, k * NPG, NPG, axis=0)
        vp = _lrelu(xk @ M0 + mb0)
        vp = _lrelu(vp @ M1 + mb1)
        vp = vp @ M2 + mb2
        v = vp.reshape(1, -1)
        Xs.append(v.T @ v)
    return (h, jnp.stack(Xs))

if __name__ == "__main__":
    import jax
    _d = setup_inputs()
    print(jax.jit(kernel)(*tuple(_d.values())))

</pallas_src>

<mosaic_0001>
#map = affine_map<(d0, d1) -> (0, 0)>
module attributes {stable_mosaic.version = 14 : i64} {
  func.func @k(%arg0: i32, %arg1: i32, %arg2: memref<320x500xi32, #tpu.memory_space<hbm>>, %arg3: memref<20480x16xf32, #tpu.memory_space<hbm>>, %arg4: memref<10x500xi32, #tpu.memory_space<vmem>>, %arg5: memref<500x16xf32, #tpu.memory_space<vmem>>, %arg6: memref<128x16xf32, #tpu.memory_space<vmem>>, %arg7: memref<10240x16xf32, #tpu.memory_space<vmem_shared>>) attributes {dimension_semantics = [#tpu.dimension_semantics<core_parallel>, #tpu.dimension_semantics<subcore_parallel>], iteration_bounds = array<i64: 2, 16>, scalar_prefetch = 0 : i64, scratch_operands = 4 : i64, tpu.core_type = #tpu.core_type<sc_vector_subcore>, window_params = [{transform_indices = #map}, {transform_indices = #map}]} {
    %mul3A = arith.constant 2 : i32
    %mul3A_0 = arith.muli %arg1, %mul3A : i32
    %add3A = arith.addi %mul3A_0, %arg0 : i32
    %scan3A = arith.constant 0 : i32
    %scan3A_1 = arith.constant 0 : i32
    %scan3A_2 = arith.constant 500 : i32
    %scan3A_3 = arith.addi %scan3A_1, %scan3A_2 : i32
    %scan3A_4 = arith.constant 1 : i32
    scf.for %scan3A_48 = %scan3A_1 to %scan3A_3 step %scan3A_4  : i32 {
      %broadcast_in_dim3A = arith.constant 1.000000e+00 : f32
      %broadcast_in_dim3A_49 = vector.broadcast %broadcast_in_dim3A : f32 to vector<16xf32>
      %swap3A = arith.index_cast %scan3A_48 : i32 to index
      %swap3A_50 = arith.constant 0 : index
      %swap3A_51 = tpu.vector_load %arg5[%swap3A, %swap3A_50] {strides = array<i32>} : memref<500x16xf32, #tpu.memory_space<vmem>>, vector<1x16xf32>,
      %swap3A_52 = vector.shape_cast %swap3A_51 : vector<1x16xf32> to vector<16xf32>
      %swap3A_53 = vector.shape_cast %broadcast_in_dim3A_49 : vector<16xf32> to vector<1x16xf32>
      tpu.vector_store %arg5[%swap3A, %swap3A_50], %swap3A_53 {strides = array<i32>} : memref<500x16xf32, #tpu.memory_space<vmem>>, vector<1x16xf32>,
    }
    %scan3A_5 = arith.constant 500 : i32
    %scan3A_6 = arith.constant 0 : i32
    %scan3A_7 = arith.constant 0 : i32
    %scan3A_8 = arith.constant 128 : i32
    %scan3A_9 = arith.addi %scan3A_7, %scan3A_8 : i32
    %scan3A_10 = arith.constant 1 : i32
    scf.for %scan3A_48 = %scan3A_7 to %scan3A_9 step %scan3A_10  : i32 {
      %broadcast_in_dim3A = arith.constant 0.000000e+00 : f32
      %broadcast_in_dim3A_49 = vector.broadcast %broadcast_in_dim3A : f32 to vector<16xf32>
      %swap3A = arith.index_cast %scan3A_48 : i32 to index
      %swap3A_50 = arith.constant 0 : index
      %swap3A_51 = tpu.vector_load %arg6[%swap3A, %swap3A_50] {strides = array<i32>} : memref<128x16xf32, #tpu.memory_space<vmem>>, vector<1x16xf32>,
      %swap3A_52 = vector.shape_cast %swap3A_51 : vector<1x16xf32> to vector<16xf32>
      %swap3A_53 = vector.shape_cast %broadcast_in_dim3A_49 : vector<16xf32> to vector<1x16xf32>
      tpu.vector_store %arg6[%swap3A, %swap3A_50], %swap3A_53 {strides = array<i32>} : memref<128x16xf32, #tpu.memory_space<vmem>>, vector<1x16xf32>,
    }
    %scan3A_11 = arith.constant 128 : i32
    %mul3A_12 = arith.constant 640 : i32
    %mul3A_13 = arith.muli %arg1, %mul3A_12 : i32
    %add3A_14 = arith.constant 0 : i32
    %add3A_15 = arith.addi %mul3A_13, %add3A_14 : i32
    "tpu.region"() ({
      %run_scoped3A = tpu.sem_alloc : memref<!tpu.dma_semaphore, #tpu.memory_space<semaphore_mem>>
      %dma_start3A = arith.constant 0 : i32
      %dma_start3A_48 = tpu.memref_slice %arg7[%add3A_15, %dma_start3A] : memref<10240x16xf32, #tpu.memory_space<vmem_shared>> -> memref<128x16xf32, #tpu.memory_space<vmem_shared>>
      %dma_start3A_49 = arith.constant 0 : i32
      %dma_start3A_50 = tpu.memref_slice %arg7[%add3A_15, %dma_start3A_49] : memref<10240x16xf32, #tpu.memory_space<vmem_shared>> -> memref<128x16xf32, #tpu.memory_space<vmem_shared>>
      tpu.enqueue_dma source(%arg6 : memref<128x16xf32, #tpu.memory_space<vmem>>) target(%dma_start3A_50 : memref<128x16xf32, #tpu.memory_space<vmem_shared>>) target_semaphore(%run_scoped3A : memref<!tpu.dma_semaphore, #tpu.memory_space<semaphore_mem>>)
      %dma_wait3A = arith.constant 0 : i32
      %dma_wait3A_51 = tpu.memref_slice %arg7[%add3A_15, %dma_wait3A] : memref<10240x16xf32, #tpu.memory_space<vmem_shared>> -> memref<128x16xf32, #tpu.memory_space<vmem_shared>>
      %dma_wait3A_52 = arith.constant 0 : i32
      %dma_wait3A_53 = tpu.memref_slice %arg7[%add3A_15, %dma_wait3A_52] : memref<10240x16xf32, #tpu.memory_space<vmem_shared>> -> memref<128x16xf32, #tpu.memory_space<vmem_shared>>
      tpu.wait_dma2 semaphore(%run_scoped3A : memref<!tpu.dma_semaphore, #tpu.memory_space<semaphore_mem>>) src(%arg6 : memref<128x16xf32, #tpu.memory_space<vmem>>) dst(%dma_wait3A_53 : memref<128x16xf32, #tpu.memory_space<vmem_shared>>)
      tpu.yield
    }) : () -> ()
    %mul3A_16 = arith.constant 640 : i32
    %mul3A_17 = arith.muli %arg1, %mul3A_16 : i32
    %add3A_18 = arith.constant 128 : i32
    %add3A_19 = arith.addi %mul3A_17, %add3A_18 : i32
    "tpu.region"() ({
      %run_scoped3A = tpu.sem_alloc : memref<!tpu.dma_semaphore, #tpu.memory_space<semaphore_mem>>
      %dma_start3A = arith.constant 0 : i32
      %dma_start3A_48 = tpu.memref_slice %arg7[%add3A_19, %dma_start3A] : memref<10240x16xf32, #tpu.memory_space<vmem_shared>> -> memref<128x16xf32, #tpu.memory_space<vmem_shared>>
      %dma_start3A_49 = arith.constant 0 : i32
      %dma_start3A_50 = tpu.memref_slice %arg7[%add3A_19, %dma_start3A_49] : memref<10240x16xf32, #tpu.memory_space<vmem_shared>> -> memref<128x16xf32, #tpu.memory_space<vmem_shared>>
      tpu.enqueue_dma source(%arg6 : memref<128x16xf32, #tpu.memory_space<vmem>>) target(%dma_start3A_50 : memref<128x16xf32, #tpu.memory_space<vmem_shared>>) target_semaphore(%run_scoped3A : memref<!tpu.dma_semaphore, #tpu.memory_space<semaphore_mem>>)
      %dma_wait3A = arith.constant 0 : i32
      %dma_wait3A_51 = tpu.memref_slice %arg7[%add3A_19, %dma_wait3A] : memref<10240x16xf32, #tpu.memory_space<vmem_shared>> -> memref<128x16xf32, #tpu.memory_space<vmem_shared>>
      %dma_wait3A_52 = arith.constant 0 : i32
      %dma_wait3A_53 = tpu.memref_slice %arg7[%add3A_19, %dma_wait3A_52] : memref<10240x16xf32, #tpu.memory_space<vmem_shared>> -> memref<128x16xf32, #tpu.memory_space<vmem_shared>>
      tpu.wait_dma2 semaphore(%run_scoped3A : memref<!tpu.dma_semaphore, #tpu.memory_space<semaphore_mem>>) src(%arg6 : memref<128x16xf32, #tpu.memory_space<vmem>>) dst(%dma_wait3A_53 : memref<128x16xf32, #tpu.memory_space<vmem_shared>>)
      tpu.yield
    }) : () -> ()
    %mul3A_20 = arith.constant 640 : i32
    %mul3A_21 = arith.muli %arg1, %mul3A_20 : i32
    %add3A_22 = arith.constant 256 : i32
    %add3A_23 = arith.addi %mul3A_21, %add3A_22 : i32
    "tpu.region"() ({
      %run_scoped3A = tpu.sem_alloc : memref<!tpu.dma_semaphore, #tpu.memory_space<semaphore_mem>>
      %dma_start3A = arith.constant 0 : i32
      %dma_start3A_48 = tpu.memref_slice %arg7[%add3A_23, %dma_start3A] : memref<10240x16xf32, #tpu.memory_space<vmem_shared>> -> memref<128x16xf32, #tpu.memory_space<vmem_shared>>
      %dma_start3A_49 = arith.constant 0 : i32
      %dma_start3A_50 = tpu.memref_slice %arg7[%add3A_23, %dma_start3A_49] : memref<10240x16xf32, #tpu.memory_space<vmem_shared>> -> memref<128x16xf32, #tpu.memory_space<vmem_shared>>
      tpu.enqueue_dma source(%arg6 : memref<128x16xf32, #tpu.memory_space<vmem>>) target(%dma_start3A_50 : memref<128x16xf32, #tpu.memory_space<vmem_shared>>) target_semaphore(%run_scoped3A : memref<!tpu.dma_semaphore, #tpu.memory_space<semaphore_mem>>)
      %dma_wait3A = arith.constant 0 : i32
      %dma_wait3A_51 = tpu.memref_slice %arg7[%add3A_23, %dma_wait3A] : memref<10240x16xf32, #tpu.memory_space<vmem_shared>> -> memref<128x16xf32, #tpu.memory_space<vmem_shared>>
      %dma_wait3A_52 = arith.constant 0 : i32
      %dma_wait3A_53 = tpu.memref_slice %arg7[%add3A_23, %dma_wait3A_52] : memref<10240x16xf32, #tpu.memory_space<vmem_shared>> -> memref<128x16xf32, #tpu.memory_space<vmem_shared>>
      tpu.wait_dma2 semaphore(%run_scoped3A : memref<!tpu.dma_semaphore, #tpu.memory_space<semaphore_mem>>) src(%arg6 : memref<128x16xf32, #tpu.memory_space<vmem>>) dst(%dma_wait3A_53 : memref<128x16xf32, #tpu.memory_space<vmem_shared>>)
      tpu.yield
    }) : () -> ()
    %mul3A_24 = arith.constant 640 : i32
    %mul3A_25 = arith.muli %arg1, %mul3A_24 : i32
    %add3A_26 = arith.constant 384 : i32
    %add3A_27 = arith.addi %mul3A_25, %add3A_26 : i32
    "tpu.region"() ({
      %run_scoped3A = tpu.sem_alloc : memref<!tpu.dma_semaphore, #tpu.memory_space<semaphore_mem>>
      %dma_start3A = arith.constant 0 : i32
      %dma_start3A_48 = tpu.memref_slice %arg7[%add3A_27, %dma_start3A] : memref<10240x16xf32, #tpu.memory_space<vmem_shared>> -> memref<128x16xf32, #tpu.memory_space<vmem_shared>>
      %dma_start3A_49 = arith.constant 0 : i32
      %dma_start3A_50 = tpu.memref_slice %arg7[%add3A_27, %dma_start3A_49] : memref<10240x16xf32, #tpu.memory_space<vmem_shared>> -> memref<128x16xf32, #tpu.memory_space<vmem_shared>>
      tpu.enqueue_dma source(%arg6 : memref<128x16xf32, #tpu.memory_space<vmem>>) target(%dma_start3A_50 : memref<128x16xf32, #tpu.memory_space<vmem_shared>>) target_semaphore(%run_scoped3A : memref<!tpu.dma_semaphore, #tpu.memory_space<semaphore_mem>>)
      %dma_wait3A = arith.constant 0 : i32
      %dma_wait3A_51 = tpu.memref_slice %arg7[%add3A_27, %dma_wait3A] : memref<10240x16xf32, #tpu.memory_space<vmem_shared>> -> memref<128x16xf32, #tpu.memory_space<vmem_shared>>
      %dma_wait3A_52 = arith.constant 0 : i32
      %dma_wait3A_53 = tpu.memref_slice %arg7[%add3A_27, %dma_wait3A_52] : memref<10240x16xf32, #tpu.memory_space<vmem_shared>> -> memref<128x16xf32, #tpu.memory_space<vmem_shared>>
      tpu.wait_dma2 semaphore(%run_scoped3A : memref<!tpu.dma_semaphore, #tpu.memory_space<semaphore_mem>>) src(%arg6 : memref<128x16xf32, #tpu.memory_space<vmem>>) dst(%dma_wait3A_53 : memref<128x16xf32, #tpu.memory_space<vmem_shared>>)
      tpu.yield
    }) : () -> ()
    %mul3A_28 = arith.constant 640 : i32
    %mul3A_29 = arith.muli %arg1, %mul3A_28 : i32
    %add3A_30 = arith.constant 512 : i32
    %add3A_31 = arith.addi %mul3A_29, %add3A_30 : i32
    "tpu.region"() ({
      %run_scoped3A = tpu.sem_alloc : memref<!tpu.dma_semaphore, #tpu.memory_space<semaphore_mem>>
      %dma_start3A = arith.constant 0 : i32
      %dma_start3A_48 = tpu.memref_slice %arg7[%add3A_31, %dma_start3A] : memref<10240x16xf32, #tpu.memory_space<vmem_shared>> -> memref<128x16xf32, #tpu.memory_space<vmem_shared>>
      %dma_start3A_49 = arith.constant 0 : i32
      %dma_start3A_50 = tpu.memref_slice %arg7[%add3A_31, %dma_start3A_49] : memref<10240x16xf32, #tpu.memory_space<vmem_shared>> -> memref<128x16xf32, #tpu.memory_space<vmem_shared>>
      tpu.enqueue_dma source(%arg6 : memref<128x16xf32, #tpu.memory_space<vmem>>) target(%dma_start3A_50 : memref<128x16xf32, #tpu.memory_space<vmem_shared>>) target_semaphore(%run_scoped3A : memref<!tpu.dma_semaphore, #tpu.memory_space<semaphore_mem>>)
      %dma_wait3A = arith.constant 0 : i32
      %dma_wait3A_51 = tpu.memref_slice %arg7[%add3A_31, %dma_wait3A] : memref<10240x16xf32, #tpu.memory_space<vmem_shared>> -> memref<128x16xf32, #tpu.memory_space<vmem_shared>>
      %dma_wait3A_52 = arith.constant 0 : i32
      %dma_wait3A_53 = tpu.memref_slice %arg7[%add3A_31, %dma_wait3A_52] : memref<10240x16xf32, #tpu.memory_space<vmem_shared>> -> memref<128x16xf32, #tpu.memory_space<vmem_shared>>
      tpu.wait_dma2 semaphore(%run_scoped3A : memref<!tpu.dma_semaphore, #tpu.memory_space<semaphore_mem>>) src(%arg6 : memref<128x16xf32, #tpu.memory_space<vmem>>) dst(%dma_wait3A_53 : memref<128x16xf32, #tpu.memory_space<vmem_shared>>)
      tpu.yield
    }) : () -> ()
    %mul3A_32 = arith.constant 10 : i32
    %mul3A_33 = arith.muli %add3A, %mul3A_32 : i32
    "tpu.region"() ({
      %run_scoped3A = tpu.sem_alloc : memref<!tpu.dma_semaphore, #tpu.memory_space<semaphore_mem>>
      %dma_start3A = arith.constant 0 : i32
      %dma_start3A_48 = tpu.memref_slice %arg2[%mul3A_33, %dma_start3A] : memref<320x500xi32, #tpu.memory_space<hbm>> -> memref<10x500xi32, #tpu.memory_space<hbm>>
      %dma_start3A_49 = arith.constant 0 : i32
      %dma_start3A_50 = tpu.memref_slice %arg2[%mul3A_33, %dma_start3A_49] : memref<320x500xi32, #tpu.memory_space<hbm>> -> memref<10x500xi32, #tpu.memory_space<hbm>>
      tpu.enqueue_dma source(%dma_start3A_50 : memref<10x500xi32, #tpu.memory_space<hbm>>) target(%arg4 : memref<10x500xi32, #tpu.memory_space<vmem>>) target_semaphore(%run_scoped3A : memref<!tpu.dma_semaphore, #tpu.memory_space<semaphore_mem>>)
      %dma_wait3A = arith.constant 0 : i32
      %dma_wait3A_51 = tpu.memref_slice %arg2[%mul3A_33, %dma_wait3A] : memref<320x500xi32, #tpu.memory_space<hbm>> -> memref<10x500xi32, #tpu.memory_space<hbm>>
      %dma_wait3A_52 = arith.constant 0 : i32
      %dma_wait3A_53 = tpu.memref_slice %arg2[%mul3A_33, %dma_wait3A_52] : memref<320x500xi32, #tpu.memory_space<hbm>> -> memref<10x500xi32, #tpu.memory_space<hbm>>
      tpu.wait_dma2 semaphore(%run_scoped3A : memref<!tpu.dma_semaphore, #tpu.memory_space<semaphore_mem>>) src(%dma_wait3A_53 : memref<10x500xi32, #tpu.memory_space<hbm>>) dst(%arg4 : memref<10x500xi32, #tpu.memory_space<vmem>>)
      tpu.yield
    }) : () -> ()
    %barrier3A = arith.constant 0 : index
    tpu.barrier barrier_id(%barrier3A)
    %scan3A_34 = arith.constant 0 : i32
    %scan3A_35 = arith.constant 0 : i32
    %scan3A_36 = arith.constant 10 : i32
    %scan3A_37 = arith.addi %scan3A_35, %scan3A_36 : i32
    %scan3A_38 = arith.constant 1 : i32
    scf.for %scan3A_48 = %scan3A_35 to %scan3A_37 step %scan3A_38  : i32 {
      "tpu.region"() ({
        %run_scoped3A = tpu.sem_alloc : memref<!tpu.dma_semaphore, #tpu.memory_space<semaphore_mem>>
        %dma_start3A = arith.constant 0 : i32
        %dma_start3A_49 = tpu.memref_slice %arg4[%scan3A_48, %dma_start3A] : memref<10x500xi32, #tpu.memory_space<vmem>> -> memref<1x500xi32, #tpu.memory_space<vmem>>
        %dma_start3A_50 = tpu.memref_squeeze %dma_start3A_49 : memref<1x500xi32, #tpu.memory_space<vmem>> -> memref<500xi32, #tpu.memory_space<vmem>>
        %dma_start3A_51 = arith.constant 0 : i32
        %dma_start3A_52 = arith.constant 0 : i32
        %dma_start3A_53 = tpu.memref_slice %arg7[%dma_start3A_51, %dma_start3A_52] : memref<10240x16xf32, #tpu.memory_space<vmem_shared>> -> memref<10240x16xf32, #tpu.memory_space<vmem_shared>>
        tpu.enqueue_indirect_dma source(%arg5 : memref<500x16xf32, #tpu.memory_space<vmem>>) target(%dma_start3A_53 : memref<10240x16xf32, #tpu.memory_space<vmem_shared>>) offsets(%dma_start3A_50 : memref<500xi32, #tpu.memory_space<vmem>>) semaphore(%run_scoped3A : memref<!tpu.dma_semaphore, #tpu.memory_space<semaphore_mem>>) {add = true}
        %dma_wait3A = arith.constant 0 : i32
        %dma_wait3A_54 = tpu.memref_slice %arg4[%scan3A_48, %dma_wait3A] : memref<10x500xi32, #tpu.memory_space<vmem>> -> memref<1x500xi32, #tpu.memory_space<vmem>>
        %dma_wait3A_55 = tpu.memref_squeeze %dma_wait3A_54 : memref<1x500xi32, #tpu.memory_space<vmem>> -> memref<500xi32, #tpu.memory_space<vmem>>
        %dma_wait3A_56 = arith.constant 0 : i32
        %dma_wait3A_57 = arith.constant 0 : i32
        %dma_wait3A_58 = tpu.memref_slice %arg7[%dma_wait3A_56, %dma_wait3A_57] : memref<10240x16xf32, #tpu.memory_space<vmem_shared>> -> memref<10240x16xf32, #tpu.memory_space<vmem_shared>>
        tpu.wait_indirect_dma semaphore(%run_scoped3A : memref<!tpu.dma_semaphore, #tpu.memory_space<semaphore_mem>>) src(%arg5 : memref<500x16xf32, #tpu.memory_space<vmem>>) dst(%dma_wait3A_58 : memref<10240x16xf32, #tpu.memory_space<vmem_shared>>)
        tpu.yield
      }) : () -> ()
    }
    %scan3A_39 = arith.constant 10 : i32
    %barrier3A_40 = arith.constant 0 : index
    tpu.barrier barrier_id(%barrier3A_40)
    %mul3A_41 = arith.constant 640 : i32
    %mul3A_42 = arith.muli %arg1, %mul3A_41 : i32
    %mul3A_43 = arith.constant 10240 : i32
    %mul3A_44 = arith.muli %arg0, %mul3A_43 : i32
    %mul3A_45 = arith.constant 640 : i32
    %mul3A_46 = arith.muli %arg1, %mul3A_45 : i32
    %add3A_47 = arith.addi %mul3A_44, %mul3A_46 : i32
    "tpu.region"() ({
      %run_scoped3A = tpu.sem_alloc : memref<!tpu.dma_semaphore, #tpu.memory_space<semaphore_mem>>
      %dma_start3A = arith.constant 0 : i32
      %dma_start3A_48 = tpu.memref_slice %arg3[%add3A_47, %dma_start3A] : memref<20480x16xf32, #tpu.memory_space<hbm>> -> memref<640x16xf32, #tpu.memory_space<hbm>>
      %dma_start3A_49 = arith.constant 0 : i32
      %dma_start3A_50 = tpu.memref_slice %arg7[%mul3A_42, %dma_start3A_49] : memref<10240x16xf32, #tpu.memory_space<vmem_shared>> -> memref<640x16xf32, #tpu.memory_space<vmem_shared>>
      tpu.enqueue_dma source(%dma_start3A_50 : memref<640x16xf32, #tpu.memory_space<vmem_shared>>) target(%dma_start3A_48 : memref<640x16xf32, #tpu.memory_space<hbm>>) target_semaphore(%run_scoped3A : memref<!tpu.dma_semaphore, #tpu.memory_space<semaphore_mem>>)
      %dma_wait3A = arith.constant 0 : i32
      %dma_wait3A_51 = tpu.memref_slice %arg3[%add3A_47, %dma_wait3A] : memref<20480x16xf32, #tpu.memory_space<hbm>> -> memref<640x16xf32, #tpu.memory_space<hbm>>
      %dma_wait3A_52 = arith.constant 0 : i32
      %dma_wait3A_53 = tpu.memref_slice %arg7[%mul3A_42, %dma_wait3A_52] : memref<10240x16xf32, #tpu.memory_space<vmem_shared>> -> memref<640x16xf32, #tpu.memory_space<vmem_shared>>
      tpu.wait_dma2 semaphore(%run_scoped3A : memref<!tpu.dma_semaphore, #tpu.memory_space<semaphore_mem>>) src(%dma_wait3A_53 : memref<640x16xf32, #tpu.memory_space<vmem_shared>>) dst(%dma_wait3A_51 : memref<640x16xf32, #tpu.memory_space<hbm>>)
      tpu.yield
    }) : () -> ()
    return
  }
}

#map = affine_map<(d0, d1) -> (0, 0)>
module attributes {stable_mosaic.version = 14 : i64} {
  func.func @k(%arg0: i32, %arg1: i32, %arg2: memref<10000x32xf32, #tpu.memory_space<hbm>>, %arg3: memref<320x500xi32, #tpu.memory_space<hbm>>, %arg4: memref<320x500xi32, #tpu.memory_space<hbm>>, %arg5: memref<20480x32xf32, #tpu.memory_space<hbm>>, %arg6: memref<10x500xi32, #tpu.memory_space<vmem>>, %arg7: memref<10x500xi32, #tpu.memory_space<vmem>>, %arg8: memref<500x32xf32, #tpu.memory_space<vmem>>, %arg9: memref<500x32xf32, #tpu.memory_space<vmem>>, %arg10: memref<500x32xf32, #tpu.memory_space<vmem>>, %arg11: memref<128x32xf32, #tpu.memory_space<vmem>>, %arg12: memref<10240x32xf32, #tpu.memory_space<vmem_shared>>, %arg13: memref<!tpu.dma_semaphore, #tpu.memory_space<semaphore_mem>>, %arg14: memref<!tpu.dma_semaphore, #tpu.memory_space<semaphore_mem>>, %arg15: memref<!tpu.dma_semaphore, #tpu.memory_space<semaphore_mem>>, %arg16: memref<!tpu.dma_semaphore, #tpu.memory_space<semaphore_mem>>, %arg17: memref<!tpu.dma_semaphore, #tpu.memory_space<semaphore_mem>>, %arg18: memref<!tpu.dma_semaphore, #tpu.memory_space<semaphore_mem>>) attributes {dimension_semantics = [#tpu.dimension_semantics<core_parallel>, #tpu.dimension_semantics<subcore_parallel>], iteration_bounds = array<i64: 2, 16>, scalar_prefetch = 0 : i64, scratch_operands = 13 : i64, tpu.core_type = #tpu.core_type<sc_vector_subcore>, window_params = [{transform_indices = #map}, {transform_indices = #map}, {transform_indices = #map}, {transform_indices = #map}]} {
    %mul3A = arith.constant 2 : i32
    %mul3A_0 = arith.muli %arg1, %mul3A : i32
    %add3A = arith.addi %mul3A_0, %arg0 : i32
    %scan3A = arith.constant 0 : i32
    %scan3A_1 = arith.constant 0 : i32
    %scan3A_2 = arith.constant 128 : i32
    %scan3A_3 = arith.addi %scan3A_1, %scan3A_2 : i32
    %scan3A_4 = arith.constant 1 : i32
    scf.for %scan3A_72 = %scan3A_1 to %scan3A_3 step %scan3A_4  : i32 {
      %broadcast_in_dim3A = arith.constant 0.000000e+00 : f32
      %broadcast_in_dim3A_73 = vector.broadcast %broadcast_in_dim3A : f32 to vector<16xf32>
      %swap3A = arith.index_cast %scan3A_72 : i32 to index
      %swap3A_74 = arith.constant 0 : index
      %swap3A_75 = tpu.vector_load %arg11[%swap3A, %swap3A_74] {strides = array<i32>} : memref<128x32xf32, #tpu.memory_space<vmem>>, vector<1x16xf32>,
      %swap3A_76 = vector.shape_cast %swap3A_75 : vector<1x16xf32> to vector<16xf32>
      %swap3A_77 = vector.shape_cast %broadcast_in_dim3A_73 : vector<16xf32> to vector<1x16xf32>
      tpu.vector_store %arg11[%swap3A, %swap3A_74], %swap3A_77 {strides = array<i32>} : memref<128x32xf32, #tpu.memory_space<vmem>>, vector<1x16xf32>,
      %broadcast_in_dim3A_78 = arith.constant 0.000000e+00 : f32
      %broadcast_in_dim3A_79 = vector.broadcast %broadcast_in_dim3A_78 : f32 to vector<16xf32>
      %swap3A_80 = arith.index_cast %scan3A_72 : i32 to index
      %swap3A_81 = arith.constant 16 : index
      %swap3A_82 = tpu.vector_load %arg11[%swap3A_80, %swap3A_81] {strides = array<i32>} : memref<128x32xf32, #tpu.memory_space<vmem>>, vector<1x16xf32>,
      %swap3A_83 = vector.shape_cast %swap3A_82 : vector<1x16xf32> to vector<16xf32>
      %swap3A_84 = vector.shape_cast %broadcast_in_dim3A_79 : vector<16xf32> to vector<1x16xf32>
      tpu.vector_store %arg11[%swap3A_80, %swap3A_81], %swap3A_84 {strides = array<i32>} : memref<128x32xf32, #tpu.memory_space<vmem>>, vector<1x16xf32>,
    }
    %scan3A_5 = arith.constant 128 : i32
    %mul3A_6 = arith.constant 640 : i32
    %mul3A_7 = arith.muli %arg1, %mul3A_6 : i32
    %add3A_8 = arith.constant 0 : i32
    %add3A_9 = arith.addi %mul3A_7, %add3A_8 : i32
    "tpu.region"() ({
      %run_scoped3A = tpu.sem_alloc : memref<!tpu.dma_semaphore, #tpu.memory_space<semaphore_mem>>
      %dma_start3A_72 = arith.constant 0 : i32
      %dma_start3A_73 = tpu.memref_slice %arg12[%add3A_9, %dma_start3A_72] : memref<10240x32xf32, #tpu.memory_space<vmem_shared>> -> memref<128x32xf32, #tpu.memory_space<vmem_shared>>
      %dma_start3A_74 = arith.constant 0 : i32
      %dma_start3A_75 = tpu.memref_slice %arg12[%add3A_9, %dma_start3A_74] : memref<10240x32xf32, #tpu.memory_space<vmem_shared>> -> memref<128x32xf32, #tpu.memory_space<vmem_shared>>
      tpu.enqueue_dma source(%arg11 : memref<128x32xf32, #tpu.memory_space<vmem>>) target(%dma_start3A_75 : memref<128x32xf32, #tpu.memory_space<vmem_shared>>) target_semaphore(%run_scoped3A : memref<!tpu.dma_semaphore, #tpu.memory_space<semaphore_mem>>)
      %dma_wait3A_76 = arith.constant 0 : i32
      %dma_wait3A_77 = tpu.memref_slice %arg12[%add3A_9, %dma_wait3A_76] : memref<10240x32xf32, #tpu.memory_space<vmem_shared>> -> memref<128x32xf32, #tpu.memory_space<vmem_shared>>
      %dma_wait3A_78 = arith.constant 0 : i32
      %dma_wait3A_79 = tpu.memref_slice %arg12[%add3A_9, %dma_wait3A_78] : memref<10240x32xf32, #tpu.memory_space<vmem_shared>> -> memref<128x32xf32, #tpu.memory_space<vmem_shared>>
      tpu.wait_dma2 semaphore(%run_scoped3A : memref<!tpu.dma_semaphore, #tpu.memory_space<semaphore_mem>>) src(%arg11 : memref<128x32xf32, #tpu.memory_space<vmem>>) dst(%dma_wait3A_79 : memref<128x32xf32, #tpu.memory_space<vmem_shared>>)
      tpu.yield
    }) : () -> ()
    %mul3A_10 = arith.constant 640 : i32
    %mul3A_11 = arith.muli %arg1, %mul3A_10 : i32
    %add3A_12 = arith.constant 128 : i32
    %add3A_13 = arith.addi %mul3A_11, %add3A_12 : i32
    "tpu.region"() ({
      %run_scoped3A = tpu.sem_alloc : memref<!tpu.dma_semaphore, #tpu.memory_space<semaphore_mem>>
      %dma_start3A_72 = arith.constant 0 : i32
      %dma_start3A_73 = tpu.memref_slice %arg12[%add3A_13, %dma_start3A_72] : memref<10240x32xf32, #tpu.memory_space<vmem_shared>> -> memref<128x32xf32, #tpu.memory_space<vmem_shared>>
      %dma_start3A_74 = arith.constant 0 : i32
      %dma_start3A_75 = tpu.memref_slice %arg12[%add3A_13, %dma_start3A_74] : memref<10240x32xf32, #tpu.memory_space<vmem_shared>> -> memref<128x32xf32, #tpu.memory_space<vmem_shared>>
      tpu.enqueue_dma source(%arg11 : memref<128x32xf32, #tpu.memory_space<vmem>>) target(%dma_start3A_75 : memref<128x32xf32, #tpu.memory_space<vmem_shared>>) target_semaphore(%run_scoped3A : memref<!tpu.dma_semaphore, #tpu.memory_space<semaphore_mem>>)
      %dma_wait3A_76 = arith.constant 0 : i32
      %dma_wait3A_77 = tpu.memref_slice %arg12[%add3A_13, %dma_wait3A_76] : memref<10240x32xf32, #tpu.memory_space<vmem_shared>> -> memref<128x32xf32, #tpu.memory_space<vmem_shared>>
      %dma_wait3A_78 = arith.constant 0 : i32
      %dma_wait3A_79 = tpu.memref_slice %arg12[%add3A_13, %dma_wait3A_78] : memref<10240x32xf32, #tpu.memory_space<vmem_shared>> -> memref<128x32xf32, #tpu.memory_space<vmem_shared>>
      tpu.wait_dma2 semaphore(%run_scoped3A : memref<!tpu.dma_semaphore, #tpu.memory_space<semaphore_mem>>) src(%arg11 : memref<128x32xf32, #tpu.memory_space<vmem>>) dst(%dma_wait3A_79 : memref<128x32xf32, #tpu.memory_space<vmem_shared>>)
      tpu.yield
    }) : () -> ()
    %mul3A_14 = arith.constant 640 : i32
    %mul3A_15 = arith.muli %arg1, %mul3A_14 : i32
    %add3A_16 = arith.constant 256 : i32
    %add3A_17 = arith.addi %mul3A_15, %add3A_16 : i32
    "tpu.region"() ({
      %run_scoped3A = tpu.sem_alloc : memref<!tpu.dma_semaphore, #tpu.memory_space<semaphore_mem>>
      %dma_start3A_72 = arith.constant 0 : i32
      %dma_start3A_73 = tpu.memref_slice %arg12[%add3A_17, %dma_start3A_72] : memref<10240x32xf32, #tpu.memory_space<vmem_shared>> -> memref<128x32xf32, #tpu.memory_space<vmem_shared>>
      %dma_start3A_74 = arith.constant 0 : i32
      %dma_start3A_75 = tpu.memref_slice %arg12[%add3A_17, %dma_start3A_74] : memref<10240x32xf32, #tpu.memory_space<vmem_shared>> -> memref<128x32xf32, #tpu.memory_space<vmem_shared>>
      tpu.enqueue_dma source(%arg11 : memref<128x32xf32, #tpu.memory_space<vmem>>) target(%dma_start3A_75 : memref<128x32xf32, #tpu.memory_space<vmem_shared>>) target_semaphore(%run_scoped3A : memref<!tpu.dma_semaphore, #tpu.memory_space<semaphore_mem>>)
      %dma_wait3A_76 = arith.constant 0 : i32
      %dma_wait3A_77 = tpu.memref_slice %arg12[%add3A_17, %dma_wait3A_76] : memref<10240x32xf32, #tpu.memory_space<vmem_shared>> -> memref<128x32xf32, #tpu.memory_space<vmem_shared>>
      %dma_wait3A_78 = arith.constant 0 : i32
      %dma_wait3A_79 = tpu.memref_slice %arg12[%add3A_17, %dma_wait3A_78] : memref<10240x32xf32, #tpu.memory_space<vmem_shared>> -> memref<128x32xf32, #tpu.memory_space<vmem_shared>>
      tpu.wait_dma2 semaphore(%run_scoped3A : memref<!tpu.dma_semaphore, #tpu.memory_space<semaphore_mem>>) src(%arg11 : memref<128x32xf32, #tpu.memory_space<vmem>>) dst(%dma_wait3A_79 : memref<128x32xf32, #tpu.memory_space<vmem_shared>>)
      tpu.yield
    }) : () -> ()
    %mul3A_18 = arith.constant 640 : i32
    %mul3A_19 = arith.muli %arg1, %mul3A_18 : i32
    %add3A_20 = arith.constant 384 : i32
    %add3A_21 = arith.addi %mul3A_19, %add3A_20 : i32
    "tpu.region"() ({
      %run_scoped3A = tpu.sem_alloc : memref<!tpu.dma_semaphore, #tpu.memory_space<semaphore_mem>>
      %dma_start3A_72 = arith.constant 0 : i32
      %dma_start3A_73 = tpu.memref_slice %arg12[%add3A_21, %dma_start3A_72] : memref<10240x32xf32, #tpu.memory_space<vmem_shared>> -> memref<128x32xf32, #tpu.memory_space<vmem_shared>>
      %dma_start3A_74 = arith.constant 0 : i32
      %dma_start3A_75 = tpu.memref_slice %arg12[%add3A_21, %dma_start3A_74] : memref<10240x32xf32, #tpu.memory_space<vmem_shared>> -> memref<128x32xf32, #tpu.memory_space<vmem_shared>>
      tpu.enqueue_dma source(%arg11 : memref<128x32xf32, #tpu.memory_space<vmem>>) target(%dma_start3A_75 : memref<128x32xf32, #tpu.memory_space<vmem_shared>>) target_semaphore(%run_scoped3A : memref<!tpu.dma_semaphore, #tpu.memory_space<semaphore_mem>>)
      %dma_wait3A_76 = arith.constant 0 : i32
      %dma_wait3A_77 = tpu.memref_slice %arg12[%add3A_21, %dma_wait3A_76] : memref<10240x32xf32, #tpu.memory_space<vmem_shared>> -> memref<128x32xf32, #tpu.memory_space<vmem_shared>>
      %dma_wait3A_78 = arith.constant 0 : i32
      %dma_wait3A_79 = tpu.memref_slice %arg12[%add3A_21, %dma_wait3A_78] : memref<10240x32xf32, #tpu.memory_space<vmem_shared>> -> memref<128x32xf32, #tpu.memory_space<vmem_shared>>
      tpu.wait_dma2 semaphore(%run_scoped3A : memref<!tpu.dma_semaphore, #tpu.memory_space<semaphore_mem>>) src(%arg11 : memref<128x32xf32, #tpu.memory_space<vmem>>) dst(%dma_wait3A_79 : memref<128x32xf32, #tpu.memory_space<vmem_shared>>)
      tpu.yield
    }) : () -> ()
    %mul3A_22 = arith.constant 640 : i32
    %mul3A_23 = arith.muli %arg1, %mul3A_22 : i32
    %add3A_24 = arith.constant 512 : i32
    %add3A_25 = arith.addi %mul3A_23, %add3A_24 : i32
    "tpu.region"() ({
      %run_scoped3A = tpu.sem_alloc : memref<!tpu.dma_semaphore, #tpu.memory_space<semaphore_mem>>
      %dma_start3A_72 = arith.constant 0 : i32
      %dma_start3A_73 = tpu.memref_slice %arg12[%add3A_25, %dma_start3A_72] : memref<10240x32xf32, #tpu.memory_space<vmem_shared>> -> memref<128x32xf32, #tpu.memory_space<vmem_shared>>
      %dma_start3A_74 = arith.constant 0 : i32
      %dma_start3A_75 = tpu.memref_slice %arg12[%add3A_25, %dma_start3A_74] : memref<10240x32xf32, #tpu.memory_space<vmem_shared>> -> memref<128x32xf32, #tpu.memory_space<vmem_shared>>
      tpu.enqueue_dma source(%arg11 : memref<128x32xf32, #tpu.memory_space<vmem>>) target(%dma_start3A_75 : memref<128x32xf32, #tpu.memory_space<vmem_shared>>) target_semaphore(%run_scoped3A : memref<!tpu.dma_semaphore, #tpu.memory_space<semaphore_mem>>)
      %dma_wait3A_76 = arith.constant 0 : i32
      %dma_wait3A_77 = tpu.memref_slice %arg12[%add3A_25, %dma_wait3A_76] : memref<10240x32xf32, #tpu.memory_space<vmem_shared>> -> memref<128x32xf32, #tpu.memory_space<vmem_shared>>
      %dma_wait3A_78 = arith.constant 0 : i32
      %dma_wait3A_79 = tpu.memref_slice %arg12[%add3A_25, %dma_wait3A_78] : memref<10240x32xf32, #tpu.memory_space<vmem_shared>> -> memref<128x32xf32, #tpu.memory_space<vmem_shared>>
      tpu.wait_dma2 semaphore(%run_scoped3A : memref<!tpu.dma_semaphore, #tpu.memory_space<semaphore_mem>>) src(%arg11 : memref<128x32xf32, #tpu.memory_space<vmem>>) dst(%dma_wait3A_79 : memref<128x32xf32, #tpu.memory_space<vmem_shared>>)
      tpu.yield
    }) : () -> ()
    %mul3A_26 = arith.constant 10 : i32
    %mul3A_27 = arith.muli %add3A, %mul3A_26 : i32
    "tpu.region"() ({
      %run_scoped3A = tpu.sem_alloc : memref<!tpu.dma_semaphore, #tpu.memory_space<semaphore_mem>>
      %dma_start3A_72 = arith.constant 0 : i32
      %dma_start3A_73 = tpu.memref_slice %arg3[%mul3A_27, %dma_start3A_72] : memref<320x500xi32, #tpu.memory_space<hbm>> -> memref<10x500xi32, #tpu.memory_space<hbm>>
      %dma_start3A_74 = arith.constant 0 : i32
      %dma_start3A_75 = tpu.memref_slice %arg3[%mul3A_27, %dma_start3A_74] : memref<320x500xi32, #tpu.memory_space<hbm>> -> memref<10x500xi32, #tpu.memory_space<hbm>>
      tpu.enqueue_dma source(%dma_start3A_75 : memref<10x500xi32, #tpu.memory_space<hbm>>) target(%arg6 : memref<10x500xi32, #tpu.memory_space<vmem>>) target_semaphore(%run_scoped3A : memref<!tpu.dma_semaphore, #tpu.memory_space<semaphore_mem>>)
      %dma_wait3A_76 = arith.constant 0 : i32
      %dma_wait3A_77 = tpu.memref_slice %arg3[%mul3A_27, %dma_wait3A_76] : memref<320x500xi32, #tpu.memory_space<hbm>> -> memref<10x500xi32, #tpu.memory_space<hbm>>
      %dma_wait3A_78 = arith.constant 0 : i32
      %dma_wait3A_79 = tpu.memref_slice %arg3[%mul3A_27, %dma_wait3A_78] : memref<320x500xi32, #tpu.memory_space<hbm>> -> memref<10x500xi32, #tpu.memory_space<hbm>>
      tpu.wait_dma2 semaphore(%run_scoped3A : memref<!tpu.dma_semaphore, #tpu.memory_space<semaphore_mem>>) src(%dma_wait3A_79 : memref<10x500xi32, #tpu.memory_space<hbm>>) dst(%arg6 : memref<10x500xi32, #tpu.memory_space<vmem>>)
      tpu.yield
    }) : () -> ()
    "tpu.region"() ({
      %run_scoped3A = tpu.sem_alloc : memref<!tpu.dma_semaphore, #tpu.memory_space<semaphore_mem>>
      %dma_start3A_72 = arith.constant 0 : i32
      %dma_start3A_73 = tpu.memref_slice %arg4[%mul3A_27, %dma_start3A_72] : memref<320x500xi32, #tpu.memory_space<hbm>> -> memref<10x500xi32, #tpu.memory_space<hbm>>
      %dma_start3A_74 = arith.constant 0 : i32
      %dma_start3A_75 = tpu.memref_slice %arg4[%mul3A_27, %dma_start3A_74] : memref<320x500xi32, #tpu.memory_space<hbm>> -> memref<10x500xi32, #tpu.memory_space<hbm>>
      tpu.enqueue_dma source(%dma_start3A_75 : memref<10x500xi32, #tpu.memory_space<hbm>>) target(%arg7 : memref<10x500xi32, #tpu.memory_space<vmem>>) target_semaphore(%run_scoped3A : memref<!tpu.dma_semaphore, #tpu.memory_space<semaphore_mem>>)
      %dma_wait3A_76 = arith.constant 0 : i32
      %dma_wait3A_77 = tpu.memref_slice %arg4[%mul3A_27, %dma_wait3A_76] : memref<320x500xi32, #tpu.memory_space<hbm>> -> memref<10x500xi32, #tpu.memory_space<hbm>>
      %dma_wait3A_78 = arith.constant 0 : i32
      %dma_wait3A_79 = tpu.memref_slice %arg4[%mul3A_27, %dma_wait3A_78] : memref<320x500xi32, #tpu.memory_space<hbm>> -> memref<10x500xi32, #tpu.memory_space<hbm>>
      tpu.wait_dma2 semaphore(%run_scoped3A : memref<!tpu.dma_semaphore, #tpu.memory_space<semaphore_mem>>) src(%dma_wait3A_79 : memref<10x500xi32, #tpu.memory_space<hbm>>) dst(%arg7 : memref<10x500xi32, #tpu.memory_space<vmem>>)
      tpu.yield
    }) : () -> ()
    %barrier3A = arith.constant 0 : index
    tpu.barrier barrier_id(%barrier3A)
    %dma_start3A = arith.constant 0 : i32
    %dma_start3A_28 = arith.constant 0 : i32
    %dma_start3A_29 = tpu.memref_slice %arg6[%dma_start3A, %dma_start3A_28] : memref<10x500xi32, #tpu.memory_space<vmem>> -> memref<1x500xi32, #tpu.memory_space<vmem>>
    %dma_start3A_30 = tpu.memref_squeeze %dma_start3A_29 : memref<1x500xi32, #tpu.memory_space<vmem>> -> memref<500xi32, #tpu.memory_space<vmem>>
    %dma_start3A_31 = arith.constant 0 : i32
    %dma_start3A_32 = arith.constant 0 : i32
    %dma_start3A_33 = tpu.memref_slice %arg2[%dma_start3A_31, %dma_start3A_32] : memref<10000x32xf32, #tpu.memory_space<hbm>> -> memref<10000x32xf32, #tpu.memory_space<hbm>>
    tpu.enqueue_indirect_dma source(%dma_start3A_33 : memref<10000x32xf32, #tpu.memory_space<hbm>>) target(%arg8 : memref<500x32xf32, #tpu.memory_space<vmem>>) offsets(%dma_start3A_30 : memref<500xi32, #tpu.memory_space<vmem>>) semaphore(%arg13 : memref<!tpu.dma_semaphore, #tpu.memory_space<semaphore_mem>>)
    %dma_start3A_34 = arith.constant 1 : i32
    %dma_start3A_35 = arith.constant 0 : i32
    %dma_start3A_36 = tpu.memref_slice %arg6[%dma_start3A_34, %dma_start3A_35] : memref<10x500xi32, #tpu.memory_space<vmem>> -> memref<1x500xi32, #tpu.memory_space<vmem>>
    %dma_start3A_37 = tpu.memref_squeeze %dma_start3A_36 : memref<1x500xi32, #tpu.memory_space<vmem>> -> memref<500xi32, #tpu.memory_space<vmem>>
    %dma_start3A_38 = arith.constant 0 : i32
    %dma_start3A_39 = arith.constant 0 : i32
    %dma_start3A_40 = tpu.memref_slice %arg2[%dma_start3A_38, %dma_start3A_39] : memref<10000x32xf32, #tpu.memory_space<hbm>> -> memref<10000x32xf32, #tpu.memory_space<hbm>>
    tpu.enqueue_indirect_dma source(%dma_start3A_40 : memref<10000x32xf32, #tpu.memory_space<hbm>>) target(%arg9 : memref<500x32xf32, #tpu.memory_space<vmem>>) offsets(%dma_start3A_37 : memref<500xi32, #tpu.memory_space<vmem>>) semaphore(%arg14 : memref<!tpu.dma_semaphore, #tpu.memory_space<semaphore_mem>>)
    %scan3A_41 = arith.constant 0 : i32
    %scan3A_42 = arith.constant 0 : i32
    %scan3A_43 = arith.constant 4 : i32
    %scan3A_44 = arith.addi %scan3A_42, %scan3A_43 : i32
    %scan3A_45 = arith.constant 1 : i32
    scf.for %scan3A_72 = %scan3A_42 to %scan3A_44 step %scan3A_45  : i32 {
      %mul3A_73 = arith.constant 3 : i32
      %mul3A_74 = arith.muli %mul3A_73, %scan3A_72 : i32
      %add3A_75 = arith.constant 0 : i32
      %add3A_76 = arith.addi %mul3A_74, %add3A_75 : i32
      %lt3A = arith.constant 10 : i32
      %lt3A_77 = arith.cmpi slt, %add3A_76, %lt3A : i32
      %convert_element_type3A = arith.extui %lt3A_77 : i1 to i32
      %cond3A = arith.constant 0 : i32
      %cond3A_78 = arith.cmpi ne, %convert_element_type3A, %cond3A : i32
      scf.if %cond3A_78 {
        %dma_wait3A_97 = arith.constant 0 : i32
        %dma_wait3A_98 = arith.constant 0 : i32
        %dma_wait3A_99 = tpu.memref_slice %arg2[%dma_wait3A_97, %dma_wait3A_98] : memref<10000x32xf32, #tpu.memory_space<hbm>> -> memref<500x32xf32, #tpu.memory_space<hbm>>
        %dma_wait3A_100 = arith.constant 0 : i32
        %dma_wait3A_101 = arith.constant 0 : i32
        %dma_wait3A_102 = tpu.memref_slice %arg2[%dma_wait3A_100, %dma_wait3A_101] : memref<10000x32xf32, #tpu.memory_space<hbm>> -> memref<500x32xf32, #tpu.memory_space<hbm>>
        tpu.wait_dma2 semaphore(%arg13 : memref<!tpu.dma_semaphore, #tpu.memory_space<semaphore_mem>>) src(%dma_wait3A_102 : memref<500x32xf32, #tpu.memory_space<hbm>>) dst(%arg8 : memref<500x32xf32, #tpu.memory_space<vmem>>)
        %add3A_103 = arith.constant 3 : i32
        %add3A_104 = arith.addi %add3A_76, %add3A_103 : i32
        %sub3A = arith.constant 1 : i32
        %sub3A_105 = arith.subi %add3A_104, %sub3A : i32
        %lt3A_106 = arith.constant 10 : i32
        %lt3A_107 = arith.cmpi slt, %sub3A_105, %lt3A_106 : i32
        %convert_element_type3A_108 = arith.extui %lt3A_107 : i1 to i32
        %cond3A_109 = arith.constant 0 : i32
        %cond3A_110 = arith.cmpi ne, %convert_element_type3A_108, %cond3A_109 : i32
        scf.if %cond3A_110 {
          %ge3A = arith.constant 1 : i32
          %ge3A_117 = arith.cmpi sge, %add3A_76, %ge3A : i32
          %convert_element_type3A_118 = arith.extui %ge3A_117 : i1 to i32
          %cond3A_119 = arith.constant 0 : i32
          %cond3A_120 = arith.cmpi ne, %convert_element_type3A_118, %cond3A_119 : i32
          scf.if %cond3A_120 {
            %dma_wait3A_131 = arith.constant 0 : i32
            %dma_wait3A_132 = arith.constant 0 : i32
            %dma_wait3A_133 = tpu.memref_slice %arg2[%dma_wait3A_131, %dma_wait3A_132] : memref<10000x32xf32, #tpu.memory_space<hbm>> -> memref<500x32xf32, #tpu.memory_space<hbm>>
            %dma_wait3A_134 = arith.constant 0 : i32
            %dma_wait3A_135 = arith.constant 0 : i32
            %dma_wait3A_136 = tpu.memref_slice %arg2[%dma_wait3A_134, %dma_wait3A_135] : memref<10000x32xf32, #tpu.memory_space<hbm>> -> memref<500x32xf32, #tpu.memory_space<hbm>>
            tpu.wait_dma2 semaphore(%arg18 : memref<!tpu.dma_semaphore, #tpu.memory_space<semaphore_mem>>) src(%dma_wait3A_136 : memref<500x32xf32, #tpu.memory_space<hbm>>) dst(%arg10 : memref<500x32xf32, #tpu.memory_space<vmem>>)
          } else {
          }
          %add3A_121 = arith.constant 3 : i32
          %add3A_122 = arith.addi %add3A_76, %add3A_121 : i32
          %sub3A_123 = arith.constant 1 : i32
          %sub3A_124 = arith.subi %add3A_122, %sub3A_123 : i32
          %dma_start3A_125 = arith.constant 0 : i32
          %dma_start3A_126 = tpu.memref_slice %arg6[%sub3A_124, %dma_start3A_125] : memref<10x500xi32, #tpu.memory_space<vmem>> -> memref<1x500xi32, #tpu.memory_space<vmem>>
          %dma_start3A_127 = tpu.memref_squeeze %dma_start3A_126 : memref<1x500xi32, #tpu.memory_space<vmem>> -> memref<500xi32, #tpu.memory_space<vmem>>
          %dma_start3A_128 = arith.constant 0 : i32
          %dma_start3A_129 = arith.constant 0 : i32
          %dma_start3A_130 = tpu.memref_slice %arg2[%dma_start3A_128, %dma_start3A_129] : memref<10000x32xf32, #tpu.memory_space<hbm>> -> memref<10000x32xf32, #tpu.memory_space<hbm>>
          tpu.enqueue_indirect_dma source(%dma_start3A_130 : memref<10000x32xf32, #tpu.memory_space<hbm>>) target(%arg10 : memref<500x32xf32, #tpu.memory_space<vmem>>) offsets(%dma_start3A_127 : memref<500xi32, #tpu.memory_space<vmem>>) semaphore(%arg15 : memref<!tpu.dma_semaphore, #tpu.memory_space<semaphore_mem>>)
        } else {
        }
        %dma_start3A_111 = arith.constant 0 : i32
        %dma_start3A_112 = tpu.memref_slice %arg7[%add3A_76, %dma_start3A_111] : memref<10x500xi32, #tpu.memory_space<vmem>> -> memref<1x500xi32, #tpu.memory_space<vmem>>
        %dma_start3A_113 = tpu.memref_squeeze %dma_start3A_112 : memref<1x500xi32, #tpu.memory_space<vmem>> -> memref<500xi32, #tpu.memory_space<vmem>>
        %dma_start3A_114 = arith.constant 0 : i32
        %dma_start3A_115 = arith.constant 0 : i32
        %dma_start3A_116 = tpu.memref_slice %arg12[%dma_start3A_114, %dma_start3A_115] : memref<10240x32xf32, #tpu.memory_space<vmem_shared>> -> memref<10240x32xf32, #tpu.memory_space<vmem_shared>>
        tpu.enqueue_indirect_dma source(%arg8 : memref<500x32xf32, #tpu.memory_space<vmem>>) target(%dma_start3A_116 : memref<10240x32xf32, #tpu.memory_space<vmem_shared>>) offsets(%dma_start3A_113 : memref<500xi32, #tpu.memory_space<vmem>>) semaphore(%arg16 : memref<!tpu.dma_semaphore, #tpu.memory_space<semaphore_mem>>) {add = true}
      } else {
      }
      %mul3A_79 = arith.constant 3 : i32
      %mul3A_80 = arith.muli %mul3A_79, %scan3A_72 : i32
      %add3A_81 = arith.constant 1 : i32
      %add3A_82 = arith.addi %mul3A_80, %add3A_81 : i32
      %lt3A_83 = arith.constant 10 : i32
      %lt3A_84 = arith.cmpi slt, %add3A_82, %lt3A_83 : i32
      %convert_element_type3A_85 = arith.extui %lt3A_84 : i1 to i32
      %cond3A_86 = arith.constant 0 : i32
      %cond3A_87 = arith.cmpi ne, %convert_element_type3A_85, %cond3A_86 : i32
      scf.if %cond3A_87 {
        %dma_wait3A_97 = arith.constant 0 : i32
        %dma_wait3A_98 = arith.constant 0 : i32
        %dma_wait3A_99 = tpu.memref_slice %arg2[%dma_wait3A_97, %dma_wait3A_98] : memref<10000x32xf32, #tpu.memory_space<hbm>> -> memref<500x32xf32, #tpu.memory_space<hbm>>
        %dma_wait3A_100 = arith.constant 0 : i32
        %dma_wait3A_101 = arith.constant 0 : i32
        %dma_wait3A_102 = tpu.memref_slice %arg2[%dma_wait3A_100, %dma_wait3A_101] : memref<10000x32xf32, #tpu.memory_space<hbm>> -> memref<500x32xf32, #tpu.memory_space<hbm>>
        tpu.wait_dma2 semaphore(%arg14 : memref<!tpu.dma_semaphore, #tpu.memory_space<semaphore_mem>>) src(%dma_wait3A_102 : memref<500x32xf32, #tpu.memory_space<hbm>>) dst(%arg9 : memref<500x32xf32, #tpu.memory_space<vmem>>)
        %add3A_103 = arith.constant 3 : i32
        %add3A_104 = arith.addi %add3A_82, %add3A_103 : i32
        %sub3A = arith.constant 1 : i32
        %sub3A_105 = arith.subi %add3A_104, %sub3A : i32
        %lt3A_106 = arith.constant 10 : i32
        %lt3A_107 = arith.cmpi slt, %sub3A_105, %lt3A_106 : i32
        %convert_element_type3A_108 = arith.extui %lt3A_107 : i1 to i32
        %cond3A_109 = arith.constant 0 : i32
        %cond3A_110 = arith.cmpi ne, %convert_element_type3A_108, %cond3A_109 : i32
        scf.if %cond3A_110 {
          %ge3A = arith.constant 1 : i32
          %ge3A_117 = arith.cmpi sge, %add3A_82, %ge3A : i32
          %convert_element_type3A_118 = arith.extui %ge3A_117 : i1 to i32
          %cond3A_119 = arith.constant 0 : i32
          %cond3A_120 = arith.cmpi ne, %convert_element_type3A_118, %cond3A_119 : i32
          scf.if %cond3A_120 {
            %dma_wait3A_131 = arith.constant 0 : i32
            %dma_wait3A_132 = arith.constant 0 : i32
            %dma_wait3A_133 = tpu.memref_slice %arg2[%dma_wait3A_131, %dma_wait3A_132] : memref<10000x32xf32, #tpu.memory_space<hbm>> -> memref<500x32xf32, #tpu.memory_space<hbm>>
            %dma_wait3A_134 = arith.constant 0 : i32
            %dma_wait3A_135 = arith.constant 0 : i32
            %dma_wait3A_136 = tpu.memref_slice %arg2[%dma_wait3A_134, %dma_wait3A_135] : memref<10000x32xf32, #tpu.memory_space<hbm>> -> memref<500x32xf32, #tpu.memory_space<hbm>>
            tpu.wait_dma2 semaphore(%arg16 : memref<!tpu.dma_semaphore, #tpu.memory_space<semaphore_mem>>) src(%dma_wait3A_136 : memref<500x32xf32, #tpu.memory_space<hbm>>) dst(%arg8 : memref<500x32xf32, #tpu.memory_space<vmem>>)
          } else {
          }
          %add3A_121 = arith.constant 3 : i32
          %add3A_122 = arith.addi %add3A_82, %add3A_121 : i32
          %sub3A_123 = arith.constant 1 : i32
          %sub3A_124 = arith.subi %add3A_122, %sub3A_123 : i32
          %dma_start3A_125 = arith.constant 0 : i32
          %dma_start3A_126 = tpu.memref_slice %arg6[%sub3A_124, %dma_start3A_125] : memref<10x500xi32, #tpu.memory_space<vmem>> -> memref<1x500xi32, #tpu.memory_space<vmem>>
          %dma_start3A_127 = tpu.memref_squeeze %dma_start3A_126 : memref<1x500xi32, #tpu.memory_space<vmem>> -> memref<500xi32, #tpu.memory_space<vmem>>
          %dma_start3A_128 = arith.constant 0 : i32
          %dma_start3A_129 = arith.constant 0 : i32
          %dma_start3A_130 = tpu.memref_slice %arg2[%dma_start3A_128, %dma_start3A_129] : memref<10000x32xf32, #tpu.memory_space<hbm>> -> memref<10000x32xf32, #tpu.memory_space<hbm>>
          tpu.enqueue_indirect_dma source(%dma_start3A_130 : memref<10000x32xf32, #tpu.memory_space<hbm>>) target(%arg8 : memref<500x32xf32, #tpu.memory_space<vmem>>) offsets(%dma_start3A_127 : memref<500xi32, #tpu.memory_space<vmem>>) semaphore(%arg13 : memref<!tpu.dma_semaphore, #tpu.memory_space<semaphore_mem>>)
        } else {
        }
        %dma_start3A_111 = arith.constant 0 : i32
        %dma_start3A_112 = tpu.memref_slice %arg7[%add3A_82, %dma_start3A_111] : memref<10x500xi32, #tpu.memory_space<vmem>> -> memref<1x500xi32, #tpu.memory_space<vmem>>
        %dma_start3A_113 = tpu.memref_squeeze %dma_start3A_112 : memref<1x500xi32, #tpu.memory_space<vmem>> -> memref<500xi32, #tpu.memory_space<vmem>>
        %dma_start3A_114 = arith.constant 0 : i32
        %dma_start3A_115 = arith.constant 0 : i32
        %dma_start3A_116 = tpu.memref_slice %arg12[%dma_start3A_114, %dma_start3A_115] : memref<10240x32xf32, #tpu.memory_space<vmem_shared>> -> memref<10240x32xf32, #tpu.memory_space<vmem_shared>>
        tpu.enqueue_indirect_dma source(%arg9 : memref<500x32xf32, #tpu.memory_space<vmem>>) target(%dma_start3A_116 : memref<10240x32xf32, #tpu.memory_space<vmem_shared>>) offsets(%dma_start3A_113 : memref<500xi32, #tpu.memory_space<vmem>>) semaphore(%arg17 : memref<!tpu.dma_semaphore, #tpu.memory_space<semaphore_mem>>) {add = true}
      } else {
      }
      %mul3A_88 = arith.constant 3 : i32
      %mul3A_89 = arith.muli %mul3A_88, %scan3A_72 : i32
      %add3A_90 = arith.constant 2 : i32
      %add3A_91 = arith.addi %mul3A_89, %add3A_90 : i32
      %lt3A_92 = arith.constant 10 : i32
      %lt3A_93 = arith.cmpi slt, %add3A_91, %lt3A_92 : i32
      %convert_element_type3A_94 = arith.extui %lt3A_93 : i1 to i32
      %cond3A_95 = arith.constant 0 : i32
      %cond3A_96 = arith.cmpi ne, %convert_element_type3A_94, %cond3A_95 : i32
      scf.if %cond3A_96 {
        %dma_wait3A_97 = arith.constant 0 : i32
        %dma_wait3A_98 = arith.constant 0 : i32
        %dma_wait3A_99 = tpu.memref_slice %arg2[%dma_wait3A_97, %dma_wait3A_98] : memref<10000x32xf32, #tpu.memory_space<hbm>> -> memref<500x32xf32, #tpu.memory_space<hbm>>
        %dma_wait3A_100 = arith.constant 0 : i32
        %dma_wait3A_101 = arith.constant 0 : i32
        %dma_wait3A_102 = tpu.memref_slice %arg2[%dma_wait3A_100, %dma_wait3A_101] : memref<10000x32xf32, #tpu.memory_space<hbm>> -> memref<500x32xf32, #tpu.memory_space<hbm>>
        tpu.wait_dma2 semaphore(%arg15 : memref<!tpu.dma_semaphore, #tpu.memory_space<semaphore_mem>>) src(%dma_wait3A_102 : memref<500x32xf32, #tpu.memory_space<hbm>>) dst(%arg10 : memref<500x32xf32, #tpu.memory_space<vmem>>)
        %add3A_103 = arith.constant 3 : i32
        %add3A_104 = arith.addi %add3A_91, %add3A_103 : i32
        %sub3A = arith.constant 1 : i32
        %sub3A_105 = arith.subi %add3A_104, %sub3A : i32
        %lt3A_106 = arith.constant 10 : i32
        %lt3A_107 = arith.cmpi slt, %sub3A_105, %lt3A_106 : i32
        %convert_element_type3A_108 = arith.extui %lt3A_107 : i1 to i32
        %cond3A_109 = arith.constant 0 : i32
        %cond3A_110 = arith.cmpi ne, %convert_element_type3A_108, %cond3A_109 : i32
        scf.if %cond3A_110 {
          %ge3A = arith.constant 1 : i32
          %ge3A_117 = arith.cmpi sge, %add3A_91, %ge3A : i32
          %convert_element_type3A_118 = arith.extui %ge3A_117 : i1 to i32
          %cond3A_119 = arith.constant 0 : i32
          %cond3A_120 = arith.cmpi ne, %convert_element_type3A_118, %cond3A_119 : i32
          scf.if %cond3A_120 {
            %dma_wait3A_131 = arith.constant 0 : i32
            %dma_wait3A_132 = arith.constant 0 : i32
            %dma_wait3A_133 = tpu.memref_slice %arg2[%dma_wait3A_131, %dma_wait3A_132] : memref<10000x32xf32, #tpu.memory_space<hbm>> -> memref<500x32xf32, #tpu.memory_space<hbm>>
            %dma_wait3A_134 = arith.constant 0 : i32
            %dma_wait3A_135 = arith.constant 0 : i32
            %dma_wait3A_136 = tpu.memref_slice %arg2[%dma_wait3A_134, %dma_wait3A_135] : memref<10000x32xf32, #tpu.memory_space<hbm>> -> memref<500x32xf32, #tpu.memory_space<hbm>>
            tpu.wait_dma2 semaphore(%arg17 : memref<!tpu.dma_semaphore, #tpu.memory_space<semaphore_mem>>) src(%dma_wait3A_136 : memref<500x32xf32, #tpu.memory_space<hbm>>) dst(%arg9 : memref<500x32xf32, #tpu.memory_space<vmem>>)
          } else {
          }
          %add3A_121 = arith.constant 3 : i32
          %add3A_122 = arith.addi %add3A_91, %add3A_121 : i32
          %sub3A_123 = arith.constant 1 : i32
          %sub3A_124 = arith.subi %add3A_122, %sub3A_123 : i32
          %dma_start3A_125 = arith.constant 0 : i32
          %dma_start3A_126 = tpu.memref_slice %arg6[%sub3A_124, %dma_start3A_125] : memref<10x500xi32, #tpu.memory_space<vmem>> -> memref<1x500xi32, #tpu.memory_space<vmem>>
          %dma_start3A_127 = tpu.memref_squeeze %dma_start3A_126 : memref<1x500xi32, #tpu.memory_space<vmem>> -> memref<500xi32, #tpu.memory_space<vmem>>
          %dma_start3A_128 = arith.constant 0 : i32
          %dma_start3A_129 = arith.constant 0 : i32
          %dma_start3A_130 = tpu.memref_slice %arg2[%dma_start3A_128, %dma_start3A_129] : memref<10000x32xf32, #tpu.memory_space<hbm>> -> memref<10000x32xf32, #tpu.memory_space<hbm>>
          tpu.enqueue_indirect_dma source(%dma_start3A_130 : memref<10000x32xf32, #tpu.memory_space<hbm>>) target(%arg9 : memref<500x32xf32, #tpu.memory_space<vmem>>) offsets(%dma_start3A_127 : memref<500xi32, #tpu.memory_space<vmem>>) semaphore(%arg14 : memref<!tpu.dma_semaphore, #tpu.memory_space<semaphore_mem>>)
        } else {
        }
        %dma_start3A_111 = arith.constant 0 : i32
        %dma_start3A_112 = tpu.memref_slice %arg7[%add3A_91, %dma_start3A_111] : memref<10x500xi32, #tpu.memory_space<vmem>> -> memref<1x500xi32, #tpu.memory_space<vmem>>
        %dma_start3A_113 = tpu.memref_squeeze %dma_start3A_112 : memref<1x500xi32, #tpu.memory_space<vmem>> -> memref<500xi32, #tpu.memory_space<vmem>>
        %dma_start3A_114 = arith.constant 0 : i32
        %dma_start3A_115 = arith.constant 0 : i32
        %dma_start3A_116 = tpu.memref_slice %arg12[%dma_start3A_114, %dma_start3A_115] : memref<10240x32xf32, #tpu.memory_space<vmem_shared>> -> memref<10240x32xf32, #tpu.memory_space<vmem_shared>>
        tpu.enqueue_indirect_dma source(%arg10 : memref<500x32xf32, #tpu.memory_space<vmem>>) target(%dma_start3A_116 : memref<10240x32xf32, #tpu.memory_space<vmem_shared>>) offsets(%dma_start3A_113 : memref<500xi32, #tpu.memory_space<vmem>>) semaphore(%arg18 : memref<!tpu.dma_semaphore, #tpu.memory_space<semaphore_mem>>) {add = true}
      } else {
      }
    }
    %scan3A_46 = arith.constant 4 : i32
    %dma_wait3A = arith.constant 0 : i32
    %dma_wait3A_47 = arith.constant 0 : i32
    %dma_wait3A_48 = tpu.memref_slice %arg2[%dma_wait3A, %dma_wait3A_47] : memref<10000x32xf32, #tpu.memory_space<hbm>> -> memref<500x32xf32, #tpu.memory_space<hbm>>
    %dma_wait3A_49 = arith.constant 0 : i32
    %dma_wait3A_50 = arith.constant 0 : i32
    %dma_wait3A_51 = tpu.memref_slice %arg2[%dma_wait3A_49, %dma_wait3A_50] : memref<10000x32xf32, #tpu.memory_space<hbm>> -> memref<500x32xf32, #tpu.memory_space<hbm>>
    tpu.wait_dma2 semaphore(%arg17 : memref<!tpu.dma_semaphore, #tpu.memory_space<semaphore_mem>>) src(%dma_wait3A_51 : memref<500x32xf32, #tpu.memory_space<hbm>>) dst(%arg9 : memref<500x32xf32, #tpu.memory_space<vmem>>)
    %dma_wait3A_52 = arith.constant 0 : i32
    %dma_wait3A_53 = arith.constant 0 : i32
    %dma_wait3A_54 = tpu.memref_slice %arg2[%dma_wait3A_52, %dma_wait3A_53] : memref<10000x32xf32, #tpu.memory_space<hbm>> -> memref<500x32xf32, #tpu.memory_space<hbm>>
    %dma_wait3A_55 = arith.constant 0 : i32
    %dma_wait3A_56 = arith.constant 0 : i32
    %dma_wait3A_57 = tpu.memref_slice %arg2[%dma_wait3A_55, %dma_wait3A_56] : memref<10000x32xf32, #tpu.memory_space<hbm>> -> memref<500x32xf32, #tpu.memory_space<hbm>>
    tpu.wait_dma2 semaphore(%arg18 : memref<!tpu.dma_semaphore, #tpu.memory_space<semaphore_mem>>) src(%dma_wait3A_57 : memref<500x32xf32, #tpu.memory_space<hbm>>) dst(%arg10 : memref<500x32xf32, #tpu.memory_space<vmem>>)
    %dma_wait3A_58 = arith.constant 0 : i32
    %dma_wait3A_59 = arith.constant 0 : i32
    %dma_wait3A_60 = tpu.memref_slice %arg2[%dma_wait3A_58, %dma_wait3A_59] : memref<10000x32xf32, #tpu.memory_space<hbm>> -> memref<500x32xf32, #tpu.memory_space<hbm>>
    %dma_wait3A_61 = arith.constant 0 : i32
    %dma_wait3A_62 = arith.constant 0 : i32
    %dma_wait3A_63 = tpu.memref_slice %arg2[%dma_wait3A_61, %dma_wait3A_62] : memref<10000x32xf32, #tpu.memory_space<hbm>> -> memref<500x32xf32, #tpu.memory_space<hbm>>
    tpu.wait_dma2 semaphore(%arg16 : memref<!tpu.dma_semaphore, #tpu.memory_space<semaphore_mem>>) src(%dma_wait3A_63 : memref<500x32xf32, #tpu.memory_space<hbm>>) dst(%arg8 : memref<500x32xf32, #tpu.memory_space<vmem>>)
    %barrier3A_64 = arith.constant 0 : index
    tpu.barrier barrier_id(%barrier3A_64)
    %mul3A_65 = arith.constant 640 : i32
    %mul3A_66 = arith.muli %arg1, %mul3A_65 : i32
    %mul3A_67 = arith.constant 10240 : i32
    %mul3A_68 = arith.muli %arg0, %mul3A_67 : i32
    %mul3A_69 = arith.constant 640 : i32
    %mul3A_70 = arith.muli %arg1, %mul3A_69 : i32
    %add3A_71 = arith.addi %mul3A_68, %mul3A_70 : i32
    "tpu.region"() ({
      %run_scoped3A = tpu.sem_alloc : memref<!tpu.dma_semaphore, #tpu.memory_space<semaphore_mem>>
      %dma_start3A_72 = arith.constant 0 : i32
      %dma_start3A_73 = tpu.memref_slice %arg5[%add3A_71, %dma_start3A_72] : memref<20480x32xf32, #tpu.memory_space<hbm>> -> memref<640x32xf32, #tpu.memory_space<hbm>>
      %dma_start3A_74 = arith.constant 0 : i32
      %dma_start3A_75 = tpu.memref_slice %arg12[%mul3A_66, %dma_start3A_74] : memref<10240x32xf32, #tpu.memory_space<vmem_shared>> -> memref<640x32xf32, #tpu.memory_space<vmem_shared>>
      tpu.enqueue_dma source(%dma_start3A_75 : memref<640x32xf32, #tpu.memory_space<vmem_shared>>) target(%dma_start3A_73 : memref<640x32xf32, #tpu.memory_space<hbm>>) target_semaphore(%run_scoped3A : memref<!tpu.dma_semaphore, #tpu.memory_space<semaphore_mem>>)
      %dma_wait3A_76 = arith.constant 0 : i32
      %dma_wait3A_77 = tpu.memref_slice %arg5[%add3A_71, %dma_wait3A_76] : memref<20480x32xf32, #tpu.memory_space<hbm>> -> memref<640x32xf32, #tpu.memory_space<hbm>>
      %dma_wait3A_78 = arith.constant 0 : i32
      %dma_wait3A_79 = tpu.memref_slice %arg12[%mul3A_66, %dma_wait3A_78] : memref<10240x32xf32, #tpu.memory_space<vmem_shared>> -> memref<640x32xf32, #tpu.memory_space<vmem_shared>>
      tpu.wait_dma2 semaphore(%run_scoped3A : memref<!tpu.dma_semaphore, #tpu.memory_space<semaphore_mem>>) src(%dma_wait3A_79 : memref<640x32xf32, #tpu.memory_space<vmem_shared>>) dst(%dma_wait3A_77 : memref<640x32xf32, #tpu.memory_space<hbm>>)
      tpu.yield
    }) : () -> ()
    return
  }
}

#map = affine_map<(d0, d1) -> (0, 0)>
module attributes {stable_mosaic.version = 14 : i64} {
  func.func @k(%arg0: i32, %arg1: i32, %arg2: memref<10000x64xf32, #tpu.memory_space<hbm>>, %arg3: memref<320x500xi32, #tpu.memory_space<hbm>>, %arg4: memref<320x500xi32, #tpu.memory_space<hbm>>, %arg5: memref<20480x64xf32, #tpu.memory_space<hbm>>, %arg6: memref<10x500xi32, #tpu.memory_space<vmem>>, %arg7: memref<10x500xi32, #tpu.memory_space<vmem>>, %arg8: memref<500x64xf32, #tpu.memory_space<vmem>>, %arg9: memref<500x64xf32, #tpu.memory_space<vmem>>, %arg10: memref<128x64xf32, #tpu.memory_space<vmem>>, %arg11: memref<10240x64xf32, #tpu.memory_space<vmem_shared>>, %arg12: memref<!tpu.dma_semaphore, #tpu.memory_space<semaphore_mem>>, %arg13: memref<!tpu.dma_semaphore, #tpu.memory_space<semaphore_mem>>, %arg14: memref<!tpu.dma_semaphore, #tpu.memory_space<semaphore_mem>>, %arg15: memref<!tpu.dma_semaphore, #tpu.memory_space<semaphore_mem>>) attributes {dimension_semantics = [#tpu.dimension_semantics<core_parallel>, #tpu.dimension_semantics<subcore_parallel>], iteration_bounds = array<i64: 2, 16>, scalar_prefetch = 0 : i64, scratch_operands = 10 : i64, tpu.core_type = #tpu.core_type<sc_vector_subcore>, window_params = [{transform_indices = #map}, {transform_indices = #map}, {transform_indices = #map}, {transform_indices = #map}]} {
    %mul3A = arith.constant 2 : i32
    %mul3A_0 = arith.muli %arg1, %mul3A : i32
    %add3A = arith.addi %mul3A_0, %arg0 : i32
    %scan3A = arith.constant 0 : i32
    %scan3A_1 = arith.constant 0 : i32
    %scan3A_2 = arith.constant 128 : i32
    %scan3A_3 = arith.addi %scan3A_1, %scan3A_2 : i32
    %scan3A_4 = arith.constant 1 : i32
    scf.for %scan3A_59 = %scan3A_1 to %scan3A_3 step %scan3A_4  : i32 {
      %broadcast_in_dim3A = arith.constant 0.000000e+00 : f32
      %broadcast_in_dim3A_60 = vector.broadcast %broadcast_in_dim3A : f32 to vector<16xf32>
      %swap3A = arith.index_cast %scan3A_59 : i32 to index
      %swap3A_61 = arith.constant 0 : index
      %swap3A_62 = tpu.vector_load %arg10[%swap3A, %swap3A_61] {strides = array<i32>} : memref<128x64xf32, #tpu.memory_space<vmem>>, vector<1x16xf32>,
      %swap3A_63 = vector.shape_cast %swap3A_62 : vector<1x16xf32> to vector<16xf32>
      %swap3A_64 = vector.shape_cast %broadcast_in_dim3A_60 : vector<16xf32> to vector<1x16xf32>
      tpu.vector_store %arg10[%swap3A, %swap3A_61], %swap3A_64 {strides = array<i32>} : memref<128x64xf32, #tpu.memory_space<vmem>>, vector<1x16xf32>,
      %broadcast_in_dim3A_65 = arith.constant 0.000000e+00 : f32
      %broadcast_in_dim3A_66 = vector.broadcast %broadcast_in_dim3A_65 : f32 to vector<16xf32>
      %swap3A_67 = arith.index_cast %scan3A_59 : i32 to index
      %swap3A_68 = arith.constant 16 : index
      %swap3A_69 = tpu.vector_load %arg10[%swap3A_67, %swap3A_68] {strides = array<i32>} : memref<128x64xf32, #tpu.memory_space<vmem>>, vector<1x16xf32>,
      %swap3A_70 = vector.shape_cast %swap3A_69 : vector<1x16xf32> to vector<16xf32>
      %swap3A_71 = vector.shape_cast %broadcast_in_dim3A_66 : vector<16xf32> to vector<1x16xf32>
      tpu.vector_store %arg10[%swap3A_67, %swap3A_68], %swap3A_71 {strides = array<i32>} : memref<128x64xf32, #tpu.memory_space<vmem>>, vector<1x16xf32>,
      %broadcast_in_dim3A_72 = arith.constant 0.000000e+00 : f32
      %broadcast_in_dim3A_73 = vector.broadcast %broadcast_in_dim3A_72 : f32 to vector<16xf32>
      %swap3A_74 = arith.index_cast %scan3A_59 : i32 to index
      %swap3A_75 = arith.constant 32 : index
      %swap3A_76 = tpu.vector_load %arg10[%swap3A_74, %swap3A_75] {strides = array<i32>} : memref<128x64xf32, #tpu.memory_space<vmem>>, vector<1x16xf32>,
      %swap3A_77 = vector.shape_cast %swap3A_76 : vector<1x16xf32> to vector<16xf32>
      %swap3A_78 = vector.shape_cast %broadcast_in_dim3A_73 : vector<16xf32> to vector<1x16xf32>
      tpu.vector_store %arg10[%swap3A_74, %swap3A_75], %swap3A_78 {strides = array<i32>} : memref<128x64xf32, #tpu.memory_space<vmem>>, vector<1x16xf32>,
      %broadcast_in_dim3A_79 = arith.constant 0.000000e+00 : f32
      %broadcast_in_dim3A_80 = vector.broadcast %broadcast_in_dim3A_79 : f32 to vector<16xf32>
      %swap3A_81 = arith.index_cast %scan3A_59 : i32 to index
      %swap3A_82 = arith.constant 48 : index
      %swap3A_83 = tpu.vector_load %arg10[%swap3A_81, %swap3A_82] {strides = array<i32>} : memref<128x64xf32, #tpu.memory_space<vmem>>, vector<1x16xf32>,
      %swap3A_84 = vector.shape_cast %swap3A_83 : vector<1x16xf32> to vector<16xf32>
      %swap3A_85 = vector.shape_cast %broadcast_in_dim3A_80 : vector<16xf32> to vector<1x16xf32>
      tpu.vector_store %arg10[%swap3A_81, %swap3A_82], %swap3A_85 {strides = array<i32>} : memref<128x64xf32, #tpu.memory_space<vmem>>, vector<1x16xf32>,
    }
    %scan3A_5 = arith.constant 128 : i32
    %mul3A_6 = arith.constant 640 : i32
    %mul3A_7 = arith.muli %arg1, %mul3A_6 : i32
    %add3A_8 = arith.constant 0 : i32
    %add3A_9 = arith.addi %mul3A_7, %add3A_8 : i32
    "tpu.region"() ({
      %run_scoped3A = tpu.sem_alloc : memref<!tpu.dma_semaphore, #tpu.memory_space<semaphore_mem>>
      %dma_start3A_59 = arith.constant 0 : i32
      %dma_start3A_60 = tpu.memref_slice %arg11[%add3A_9, %dma_start3A_59] : memref<10240x64xf32, #tpu.memory_space<vmem_shared>> -> memref<128x64xf32, #tpu.memory_space<vmem_shared>>
      %dma_start3A_61 = arith.constant 0 : i32
      %dma_start3A_62 = tpu.memref_slice %arg11[%add3A_9, %dma_start3A_61] : memref<10240x64xf32, #tpu.memory_space<vmem_shared>> -> memref<128x64xf32, #tpu.memory_space<vmem_shared>>
      tpu.enqueue_dma source(%arg10 : memref<128x64xf32, #tpu.memory_space<vmem>>) target(%dma_start3A_62 : memref<128x64xf32, #tpu.memory_space<vmem_shared>>) target_semaphore(%run_scoped3A : memref<!tpu.dma_semaphore, #tpu.memory_space<semaphore_mem>>)
      %dma_wait3A_63 = arith.constant 0 : i32
      %dma_wait3A_64 = tpu.memref_slice %arg11[%add3A_9, %dma_wait3A_63] : memref<10240x64xf32, #tpu.memory_space<vmem_shared>> -> memref<128x64xf32, #tpu.memory_space<vmem_shared>>
      %dma_wait3A_65 = arith.constant 0 : i32
      %dma_wait3A_66 = tpu.memref_slice %arg11[%add3A_9, %dma_wait3A_65] : memref<10240x64xf32, #tpu.memory_space<vmem_shared>> -> memref<128x64xf32, #tpu.memory_space<vmem_shared>>
      tpu.wait_dma2 semaphore(%run_scoped3A : memref<!tpu.dma_semaphore, #tpu.memory_space<semaphore_mem>>) src(%arg10 : memref<128x64xf32, #tpu.memory_space<vmem>>) dst(%dma_wait3A_66 : memref<128x64xf32, #tpu.memory_space<vmem_shared>>)
      tpu.yield
    }) : () -> ()
    %mul3A_10 = arith.constant 640 : i32
    %mul3A_11 = arith.muli %arg1, %mul3A_10 : i32
    %add3A_12 = arith.constant 128 : i32
    %add3A_13 = arith.addi %mul3A_11, %add3A_12 : i32
    "tpu.region"() ({
      %run_scoped3A = tpu.sem_alloc : memref<!tpu.dma_semaphore, #tpu.memory_space<semaphore_mem>>
      %dma_start3A_59 = arith.constant 0 : i32
      %dma_start3A_60 = tpu.memref_slice %arg11[%add3A_13, %dma_start3A_59] : memref<10240x64xf32, #tpu.memory_space<vmem_shared>> -> memref<128x64xf32, #tpu.memory_space<vmem_shared>>
      %dma_start3A_61 = arith.constant 0 : i32
      %dma_start3A_62 = tpu.memref_slice %arg11[%add3A_13, %dma_start3A_61] : memref<10240x64xf32, #tpu.memory_space<vmem_shared>> -> memref<128x64xf32, #tpu.memory_space<vmem_shared>>
      tpu.enqueue_dma source(%arg10 : memref<128x64xf32, #tpu.memory_space<vmem>>) target(%dma_start3A_62 : memref<128x64xf32, #tpu.memory_space<vmem_shared>>) target_semaphore(%run_scoped3A : memref<!tpu.dma_semaphore, #tpu.memory_space<semaphore_mem>>)
      %dma_wait3A_63 = arith.constant 0 : i32
      %dma_wait3A_64 = tpu.memref_slice %arg11[%add3A_13, %dma_wait3A_63] : memref<10240x64xf32, #tpu.memory_space<vmem_shared>> -> memref<128x64xf32, #tpu.memory_space<vmem_shared>>
      %dma_wait3A_65 = arith.constant 0 : i32
      %dma_wait3A_66 = tpu.memref_slice %arg11[%add3A_13, %dma_wait3A_65] : memref<10240x64xf32, #tpu.memory_space<vmem_shared>> -> memref<128x64xf32, #tpu.memory_space<vmem_shared>>
      tpu.wait_dma2 semaphore(%run_scoped3A : memref<!tpu.dma_semaphore, #tpu.memory_space<semaphore_mem>>) src(%arg10 : memref<128x64xf32, #tpu.memory_space<vmem>>) dst(%dma_wait3A_66 : memref<128x64xf32, #tpu.memory_space<vmem_shared>>)
      tpu.yield
    }) : () -> ()
    %mul3A_14 = arith.constant 640 : i32
    %mul3A_15 = arith.muli %arg1, %mul3A_14 : i32
    %add3A_16 = arith.constant 256 : i32
    %add3A_17 = arith.addi %mul3A_15, %add3A_16 : i32
    "tpu.region"() ({
      %run_scoped3A = tpu.sem_alloc : memref<!tpu.dma_semaphore, #tpu.memory_space<semaphore_mem>>
      %dma_start3A_59 = arith.constant 0 : i32
      %dma_start3A_60 = tpu.memref_slice %arg11[%add3A_17, %dma_start3A_59] : memref<10240x64xf32, #tpu.memory_space<vmem_shared>> -> memref<128x64xf32, #tpu.memory_space<vmem_shared>>
      %dma_start3A_61 = arith.constant 0 : i32
      %dma_start3A_62 = tpu.memref_slice %arg11[%add3A_17, %dma_start3A_61] : memref<10240x64xf32, #tpu.memory_space<vmem_shared>> -> memref<128x64xf32, #tpu.memory_space<vmem_shared>>
      tpu.enqueue_dma source(%arg10 : memref<128x64xf32, #tpu.memory_space<vmem>>) target(%dma_start3A_62 : memref<128x64xf32, #tpu.memory_space<vmem_shared>>) target_semaphore(%run_scoped3A : memref<!tpu.dma_semaphore, #tpu.memory_space<semaphore_mem>>)
      %dma_wait3A_63 = arith.constant 0 : i32
      %dma_wait3A_64 = tpu.memref_slice %arg11[%add3A_17, %dma_wait3A_63] : memref<10240x64xf32, #tpu.memory_space<vmem_shared>> -> memref<128x64xf32, #tpu.memory_space<vmem_shared>>
      %dma_wait3A_65 = arith.constant 0 : i32
      %dma_wait3A_66 = tpu.memref_slice %arg11[%add3A_17, %dma_wait3A_65] : memref<10240x64xf32, #tpu.memory_space<vmem_shared>> -> memref<128x64xf32, #tpu.memory_space<vmem_shared>>
      tpu.wait_dma2 semaphore(%run_scoped3A : memref<!tpu.dma_semaphore, #tpu.memory_space<semaphore_mem>>) src(%arg10 : memref<128x64xf32, #tpu.memory_space<vmem>>) dst(%dma_wait3A_66 : memref<128x64xf32, #tpu.memory_space<vmem_shared>>)
      tpu.yield
    }) : () -> ()
    %mul3A_18 = arith.constant 640 : i32
    %mul3A_19 = arith.muli %arg1, %mul3A_18 : i32
    %add3A_20 = arith.constant 384 : i32
    %add3A_21 = arith.addi %mul3A_19, %add3A_20 : i32
    "tpu.region"() ({
      %run_scoped3A = tpu.sem_alloc : memref<!tpu.dma_semaphore, #tpu.memory_space<semaphore_mem>>
      %dma_start3A_59 = arith.constant 0 : i32
      %dma_start3A_60 = tpu.memref_slice %arg11[%add3A_21, %dma_start3A_59] : memref<10240x64xf32, #tpu.memory_space<vmem_shared>> -> memref<128x64xf32, #tpu.memory_space<vmem_shared>>
      %dma_start3A_61 = arith.constant 0 : i32
      %dma_start3A_62 = tpu.memref_slice %arg11[%add3A_21, %dma_start3A_61] : memref<10240x64xf32, #tpu.memory_space<vmem_shared>> -> memref<128x64xf32, #tpu.memory_space<vmem_shared>>
      tpu.enqueue_dma source(%arg10 : memref<128x64xf32, #tpu.memory_space<vmem>>) target(%dma_start3A_62 : memref<128x64xf32, #tpu.memory_space<vmem_shared>>) target_semaphore(%run_scoped3A : memref<!tpu.dma_semaphore, #tpu.memory_space<semaphore_mem>>)
      %dma_wait3A_63 = arith.constant 0 : i32
      %dma_wait3A_64 = tpu.memref_slice %arg11[%add3A_21, %dma_wait3A_63] : memref<10240x64xf32, #tpu.memory_space<vmem_shared>> -> memref<128x64xf32, #tpu.memory_space<vmem_shared>>
      %dma_wait3A_65 = arith.constant 0 : i32
      %dma_wait3A_66 = tpu.memref_slice %arg11[%add3A_21, %dma_wait3A_65] : memref<10240x64xf32, #tpu.memory_space<vmem_shared>> -> memref<128x64xf32, #tpu.memory_space<vmem_shared>>
      tpu.wait_dma2 semaphore(%run_scoped3A : memref<!tpu.dma_semaphore, #tpu.memory_space<semaphore_mem>>) src(%arg10 : memref<128x64xf32, #tpu.memory_space<vmem>>) dst(%dma_wait3A_66 : memref<128x64xf32, #tpu.memory_space<vmem_shared>>)
      tpu.yield
    }) : () -> ()
    %mul3A_22 = arith.constant 640 : i32
    %mul3A_23 = arith.muli %arg1, %mul3A_22 : i32
    %add3A_24 = arith.constant 512 : i32
    %add3A_25 = arith.addi %mul3A_23, %add3A_24 : i32
    "tpu.region"() ({
      %run_scoped3A = tpu.sem_alloc : memref<!tpu.dma_semaphore, #tpu.memory_space<semaphore_mem>>
      %dma_start3A_59 = arith.constant 0 : i32
      %dma_start3A_60 = tpu.memref_slice %arg11[%add3A_25, %dma_start3A_59] : memref<10240x64xf32, #tpu.memory_space<vmem_shared>> -> memref<128x64xf32, #tpu.memory_space<vmem_shared>>
      %dma_start3A_61 = arith.constant 0 : i32
      %dma_start3A_62 = tpu.memref_slice %arg11[%add3A_25, %dma_start3A_61] : memref<10240x64xf32, #tpu.memory_space<vmem_shared>> -> memref<128x64xf32, #tpu.memory_space<vmem_shared>>
      tpu.enqueue_dma source(%arg10 : memref<128x64xf32, #tpu.memory_space<vmem>>) target(%dma_start3A_62 : memref<128x64xf32, #tpu.memory_space<vmem_shared>>) target_semaphore(%run_scoped3A : memref<!tpu.dma_semaphore, #tpu.memory_space<semaphore_mem>>)
      %dma_wait3A_63 = arith.constant 0 : i32
      %dma_wait3A_64 = tpu.memref_slice %arg11[%add3A_25, %dma_wait3A_63] : memref<10240x64xf32, #tpu.memory_space<vmem_shared>> -> memref<128x64xf32, #tpu.memory_space<vmem_shared>>
      %dma_wait3A_65 = arith.constant 0 : i32
      %dma_wait3A_66 = tpu.memref_slice %arg11[%add3A_25, %dma_wait3A_65] : memref<10240x64xf32, #tpu.memory_space<vmem_shared>> -> memref<128x64xf32, #tpu.memory_space<vmem_shared>>
      tpu.wait_dma2 semaphore(%run_scoped3A : memref<!tpu.dma_semaphore, #tpu.memory_space<semaphore_mem>>) src(%arg10 : memref<128x64xf32, #tpu.memory_space<vmem>>) dst(%dma_wait3A_66 : memref<128x64xf32, #tpu.memory_space<vmem_shared>>)
      tpu.yield
    }) : () -> ()
    %mul3A_26 = arith.constant 10 : i32
    %mul3A_27 = arith.muli %add3A, %mul3A_26 : i32
    "tpu.region"() ({
      %run_scoped3A = tpu.sem_alloc : memref<!tpu.dma_semaphore, #tpu.memory_space<semaphore_mem>>
      %dma_start3A_59 = arith.constant 0 : i32
      %dma_start3A_60 = tpu.memref_slice %arg3[%mul3A_27, %dma_start3A_59] : memref<320x500xi32, #tpu.memory_space<hbm>> -> memref<10x500xi32, #tpu.memory_space<hbm>>
      %dma_start3A_61 = arith.constant 0 : i32
      %dma_start3A_62 = tpu.memref_slice %arg3[%mul3A_27, %dma_start3A_61] : memref<320x500xi32, #tpu.memory_space<hbm>> -> memref<10x500xi32, #tpu.memory_space<hbm>>
      tpu.enqueue_dma source(%dma_start3A_62 : memref<10x500xi32, #tpu.memory_space<hbm>>) target(%arg6 : memref<10x500xi32, #tpu.memory_space<vmem>>) target_semaphore(%run_scoped3A : memref<!tpu.dma_semaphore, #tpu.memory_space<semaphore_mem>>)
      %dma_wait3A_63 = arith.constant 0 : i32
      %dma_wait3A_64 = tpu.memref_slice %arg3[%mul3A_27, %dma_wait3A_63] : memref<320x500xi32, #tpu.memory_space<hbm>> -> memref<10x500xi32, #tpu.memory_space<hbm>>
      %dma_wait3A_65 = arith.constant 0 : i32
      %dma_wait3A_66 = tpu.memref_slice %arg3[%mul3A_27, %dma_wait3A_65] : memref<320x500xi32, #tpu.memory_space<hbm>> -> memref<10x500xi32, #tpu.memory_space<hbm>>
      tpu.wait_dma2 semaphore(%run_scoped3A : memref<!tpu.dma_semaphore, #tpu.memory_space<semaphore_mem>>) src(%dma_wait3A_66 : memref<10x500xi32, #tpu.memory_space<hbm>>) dst(%arg6 : memref<10x500xi32, #tpu.memory_space<vmem>>)
      tpu.yield
    }) : () -> ()
    "tpu.region"() ({
      %run_scoped3A = tpu.sem_alloc : memref<!tpu.dma_semaphore, #tpu.memory_space<semaphore_mem>>
      %dma_start3A_59 = arith.constant 0 : i32
      %dma_start3A_60 = tpu.memref_slice %arg4[%mul3A_27, %dma_start3A_59] : memref<320x500xi32, #tpu.memory_space<hbm>> -> memref<10x500xi32, #tpu.memory_space<hbm>>
      %dma_start3A_61 = arith.constant 0 : i32
      %dma_start3A_62 = tpu.memref_slice %arg4[%mul3A_27, %dma_start3A_61] : memref<320x500xi32, #tpu.memory_space<hbm>> -> memref<10x500xi32, #tpu.memory_space<hbm>>
      tpu.enqueue_dma source(%dma_start3A_62 : memref<10x500xi32, #tpu.memory_space<hbm>>) target(%arg7 : memref<10x500xi32, #tpu.memory_space<vmem>>) target_semaphore(%run_scoped3A : memref<!tpu.dma_semaphore, #tpu.memory_space<semaphore_mem>>)
      %dma_wait3A_63 = arith.constant 0 : i32
      %dma_wait3A_64 = tpu.memref_slice %arg4[%mul3A_27, %dma_wait3A_63] : memref<320x500xi32, #tpu.memory_space<hbm>> -> memref<10x500xi32, #tpu.memory_space<hbm>>
      %dma_wait3A_65 = arith.constant 0 : i32
      %dma_wait3A_66 = tpu.memref_slice %arg4[%mul3A_27, %dma_wait3A_65] : memref<320x500xi32, #tpu.memory_space<hbm>> -> memref<10x500xi32, #tpu.memory_space<hbm>>
      tpu.wait_dma2 semaphore(%run_scoped3A : memref<!tpu.dma_semaphore, #tpu.memory_space<semaphore_mem>>) src(%dma_wait3A_66 : memref<10x500xi32, #tpu.memory_space<hbm>>) dst(%arg7 : memref<10x500xi32, #tpu.memory_space<vmem>>)
      tpu.yield
    }) : () -> ()
    %barrier3A = arith.constant 0 : index
    tpu.barrier barrier_id(%barrier3A)
    %dma_start3A = arith.constant 0 : i32
    %dma_start3A_28 = arith.constant 0 : i32
    %dma_start3A_29 = tpu.memref_slice %arg6[%dma_start3A, %dma_start3A_28] : memref<10x500xi32, #tpu.memory_space<vmem>> -> memref<1x500xi32, #tpu.memory_space<vmem>>
    %dma_start3A_30 = tpu.memref_squeeze %dma_start3A_29 : memref<1x500xi32, #tpu.memory_space<vmem>> -> memref<500xi32, #tpu.memory_space<vmem>>
    %dma_start3A_31 = arith.constant 0 : i32
    %dma_start3A_32 = arith.constant 0 : i32
    %dma_start3A_33 = tpu.memref_slice %arg2[%dma_start3A_31, %dma_start3A_32] : memref<10000x64xf32, #tpu.memory_space<hbm>> -> memref<10000x64xf32, #tpu.memory_space<hbm>>
    tpu.enqueue_indirect_dma source(%dma_start3A_33 : memref<10000x64xf32, #tpu.memory_space<hbm>>) target(%arg8 : memref<500x64xf32, #tpu.memory_space<vmem>>) offsets(%dma_start3A_30 : memref<500xi32, #tpu.memory_space<vmem>>) semaphore(%arg12 : memref<!tpu.dma_semaphore, #tpu.memory_space<semaphore_mem>>)
    %scan3A_34 = arith.constant 0 : i32
    %scan3A_35 = arith.constant 0 : i32
    %scan3A_36 = arith.constant 5 : i32
    %scan3A_37 = arith.addi %scan3A_35, %scan3A_36 : i32
    %scan3A_38 = arith.constant 1 : i32
    scf.for %scan3A_59 = %scan3A_35 to %scan3A_37 step %scan3A_38  : i32 {
      %mul3A_60 = arith.constant 2 : i32
      %mul3A_61 = arith.muli %mul3A_60, %scan3A_59 : i32
      %add3A_62 = arith.constant 0 : i32
      %add3A_63 = arith.addi %mul3A_61, %add3A_62 : i32
      %lt3A = arith.constant 10 : i32
      %lt3A_64 = arith.cmpi slt, %add3A_63, %lt3A : i32
      %convert_element_type3A = arith.extui %lt3A_64 : i1 to i32
      %cond3A = arith.constant 0 : i32
      %cond3A_65 = arith.cmpi ne, %convert_element_type3A, %cond3A : i32
      scf.if %cond3A_65 {
        %dma_wait3A_75 = arith.constant 0 : i32
        %dma_wait3A_76 = arith.constant 0 : i32
        %dma_wait3A_77 = tpu.memref_slice %arg2[%dma_wait3A_75, %dma_wait3A_76] : memref<10000x64xf32, #tpu.memory_space<hbm>> -> memref<500x64xf32, #tpu.memory_space<hbm>>
        %dma_wait3A_78 = arith.constant 0 : i32
        %dma_wait3A_79 = arith.constant 0 : i32
        %dma_wait3A_80 = tpu.memref_slice %arg2[%dma_wait3A_78, %dma_wait3A_79] : memref<10000x64xf32, #tpu.memory_space<hbm>> -> memref<500x64xf32, #tpu.memory_space<hbm>>
        tpu.wait_dma2 semaphore(%arg12 : memref<!tpu.dma_semaphore, #tpu.memory_space<semaphore_mem>>) src(%dma_wait3A_80 : memref<500x64xf32, #tpu.memory_space<hbm>>) dst(%arg8 : memref<500x64xf32, #tpu.memory_space<vmem>>)
        %add3A_81 = arith.constant 2 : i32
        %add3A_82 = arith.addi %add3A_63, %add3A_81 : i32
        %sub3A = arith.constant 1 : i32
        %sub3A_83 = arith.subi %add3A_82, %sub3A : i32
        %lt3A_84 = arith.constant 10 : i32
        %lt3A_85 = arith.cmpi slt, %sub3A_83, %lt3A_84 : i32
        %convert_element_type3A_86 = arith.extui %lt3A_85 : i1 to i32
        %cond3A_87 = arith.constant 0 : i32
        %cond3A_88 = arith.cmpi ne, %convert_element_type3A_86, %cond3A_87 : i32
        scf.if %cond3A_88 {
          %ge3A = arith.constant 1 : i32
          %ge3A_95 = arith.cmpi sge, %add3A_63, %ge3A : i32
          %convert_element_type3A_96 = arith.extui %ge3A_95 : i1 to i32
          %cond3A_97 = arith.constant 0 : i32
          %cond3A_98 = arith.cmpi ne, %convert_element_type3A_96, %cond3A_97 : i32
          scf.if %cond3A_98 {
            %dma_wait3A_109 = arith.constant 0 : i32
            %dma_wait3A_110 = arith.constant 0 : i32
            %dma_wait3A_111 = tpu.memref_slice %arg2[%dma_wait3A_109, %dma_wait3A_110] : memref<10000x64xf32, #tpu.memory_space<hbm>> -> memref<500x64xf32, #tpu.memory_space<hbm>>
            %dma_wait3A_112 = arith.constant 0 : i32
            %dma_wait3A_113 = arith.constant 0 : i32
            %dma_wait3A_114 = tpu.memref_slice %arg2[%dma_wait3A_112, %dma_wait3A_113] : memref<10000x64xf32, #tpu.memory_space<hbm>> -> memref<500x64xf32, #tpu.memory_space<hbm>>
            tpu.wait_dma2 semaphore(%arg15 : memref<!tpu.dma_semaphore, #tpu.memory_space<semaphore_mem>>) src(%dma_wait3A_114 : memref<500x64xf32, #tpu.memory_space<hbm>>) dst(%arg9 : memref<500x64xf32, #tpu.memory_space<vmem>>)
          } else {
          }
          %add3A_99 = arith.constant 2 : i32
          %add3A_100 = arith.addi %add3A_63, %add3A_99 : i32
          %sub3A_101 = arith.constant 1 : i32
          %sub3A_102 = arith.subi %add3A_100, %sub3A_101 : i32
          %dma_start3A_103 = arith.constant 0 : i32
          %dma_start3A_104 = tpu.memref_slice %arg6[%sub3A_102, %dma_start3A_103] : memref<10x500xi32, #tpu.memory_space<vmem>> -> memref<1x500xi32, #tpu.memory_space<vmem>>
          %dma_start3A_105 = tpu.memref_squeeze %dma_start3A_104 : memref<1x500xi32, #tpu.memory_space<vmem>> -> memref<500xi32, #tpu.memory_space<vmem>>
          %dma_start3A_106 = arith.constant 0 : i32
          %dma_start3A_107 = arith.constant 0 : i32
          %dma_start3A_108 = tpu.memref_slice %arg2[%dma_start3A_106, %dma_start3A_107] : memref<10000x64xf32, #tpu.memory_space<hbm>> -> memref<10000x64xf32, #tpu.memory_space<hbm>>
          tpu.enqueue_indirect_dma source(%dma_start3A_108 : memref<10000x64xf32, #tpu.memory_space<hbm>>) target(%arg9 : memref<500x64xf32, #tpu.memory_space<vmem>>) offsets(%dma_start3A_105 : memref<500xi32, #tpu.memory_space<vmem>>) semaphore(%arg13 : memref<!tpu.dma_semaphore, #tpu.memory_space<semaphore_mem>>)
        } else {
        }
        %dma_start3A_89 = arith.constant 0 : i32
        %dma_start3A_90 = tpu.memref_slice %arg7[%add3A_63, %dma_start3A_89] : memref<10x500xi32, #tpu.memory_space<vmem>> -> memref<1x500xi32, #tpu.memory_space<vmem>>
        %dma_start3A_91 = tpu.memref_squeeze %dma_start3A_90 : memref<1x500xi32, #tpu.memory_space<vmem>> -> memref<500xi32, #tpu.memory_space<vmem>>
        %dma_start3A_92 = arith.constant 0 : i32
        %dma_start3A_93 = arith.constant 0 : i32
        %dma_start3A_94 = tpu.memref_slice %arg11[%dma_start3A_92, %dma_start3A_93] : memref<10240x64xf32, #tpu.memory_space<vmem_shared>> -> memref<10240x64xf32, #tpu.memory_space<vmem_shared>>
        tpu.enqueue_indirect_dma source(%arg8 : memref<500x64xf32, #tpu.memory_space<vmem>>) target(%dma_start3A_94 : memref<10240x64xf32, #tpu.memory_space<vmem_shared>>) offsets(%dma_start3A_91 : memref<500xi32, #tpu.memory_space<vmem>>) semaphore(%arg14 : memref<!tpu.dma_semaphore, #tpu.memory_space<semaphore_mem>>) {add = true}
      } else {
      }
      %mul3A_66 = arith.constant 2 : i32
      %mul3A_67 = arith.muli %mul3A_66, %scan3A_59 : i32
      %add3A_68 = arith.constant 1 : i32
      %add3A_69 = arith.addi %mul3A_67, %add3A_68 : i32
      %lt3A_70 = arith.constant 10 : i32
      %lt3A_71 = arith.cmpi slt, %add3A_69, %lt3A_70 : i32
      %convert_element_type3A_72 = arith.extui %lt3A_71 : i1 to i32
      %cond3A_73 = arith.constant 0 : i32
      %cond3A_74 = arith.cmpi ne, %convert_element_type3A_72, %cond3A_73 : i32
      scf.if %cond3A_74 {
        %dma_wait3A_75 = arith.constant 0 : i32
        %dma_wait3A_76 = arith.constant 0 : i32
        %dma_wait3A_77 = tpu.memref_slice %arg2[%dma_wait3A_75, %dma_wait3A_76] : memref<10000x64xf32, #tpu.memory_space<hbm>> -> memref<500x64xf32, #tpu.memory_space<hbm>>
        %dma_wait3A_78 = arith.constant 0 : i32
        %dma_wait3A_79 = arith.constant 0 : i32
        %dma_wait3A_80 = tpu.memref_slice %arg2[%dma_wait3A_78, %dma_wait3A_79] : memref<10000x64xf32, #tpu.memory_space<hbm>> -> memref<500x64xf32, #tpu.memory_space<hbm>>
        tpu.wait_dma2 semaphore(%arg13 : memref<!tpu.dma_semaphore, #tpu.memory_space<semaphore_mem>>) src(%dma_wait3A_80 : memref<500x64xf32, #tpu.memory_space<hbm>>) dst(%arg9 : memref<500x64xf32, #tpu.memory_space<vmem>>)
        %add3A_81 = arith.constant 2 : i32
        %add3A_82 = arith.addi %add3A_69, %add3A_81 : i32
        %sub3A = arith.constant 1 : i32
        %sub3A_83 = arith.subi %add3A_82, %sub3A : i32
        %lt3A_84 = arith.constant 10 : i32
        %lt3A_85 = arith.cmpi slt, %sub3A_83, %lt3A_84 : i32
        %convert_element_type3A_86 = arith.extui %lt3A_85 : i1 to i32
        %cond3A_87 = arith.constant 0 : i32
        %cond3A_88 = arith.cmpi ne, %convert_element_type3A_86, %cond3A_87 : i32
        scf.if %cond3A_88 {
          %ge3A = arith.constant 1 : i32
          %ge3A_95 = arith.cmpi sge, %add3A_69, %ge3A : i32
          %convert_element_type3A_96 = arith.extui %ge3A_95 : i1 to i32
          %cond3A_97 = arith.constant 0 : i32
          %cond3A_98 = arith.cmpi ne, %convert_element_type3A_96, %cond3A_97 : i32
          scf.if %cond3A_98 {
            %dma_wait3A_109 = arith.constant 0 : i32
            %dma_wait3A_110 = arith.constant 0 : i32
            %dma_wait3A_111 = tpu.memref_slice %arg2[%dma_wait3A_109, %dma_wait3A_110] : memref<10000x64xf32, #tpu.memory_space<hbm>> -> memref<500x64xf32, #tpu.memory_space<hbm>>
            %dma_wait3A_112 = arith.constant 0 : i32
            %dma_wait3A_113 = arith.constant 0 : i32
            %dma_wait3A_114 = tpu.memref_slice %arg2[%dma_wait3A_112, %dma_wait3A_113] : memref<10000x64xf32, #tpu.memory_space<hbm>> -> memref<500x64xf32, #tpu.memory_space<hbm>>
            tpu.wait_dma2 semaphore(%arg14 : memref<!tpu.dma_semaphore, #tpu.memory_space<semaphore_mem>>) src(%dma_wait3A_114 : memref<500x64xf32, #tpu.memory_space<hbm>>) dst(%arg8 : memref<500x64xf32, #tpu.memory_space<vmem>>)
          } else {
          }
          %add3A_99 = arith.constant 2 : i32
          %add3A_100 = arith.addi %add3A_69, %add3A_99 : i32
          %sub3A_101 = arith.constant 1 : i32
          %sub3A_102 = arith.subi %add3A_100, %sub3A_101 : i32
          %dma_start3A_103 = arith.constant 0 : i32
          %dma_start3A_104 = tpu.memref_slice %arg6[%sub3A_102, %dma_start3A_103] : memref<10x500xi32, #tpu.memory_space<vmem>> -> memref<1x500xi32, #tpu.memory_space<vmem>>
          %dma_start3A_105 = tpu.memref_squeeze %dma_start3A_104 : memref<1x500xi32, #tpu.memory_space<vmem>> -> memref<500xi32, #tpu.memory_space<vmem>>
          %dma_start3A_106 = arith.constant 0 : i32
          %dma_start3A_107 = arith.constant 0 : i32
          %dma_start3A_108 = tpu.memref_slice %arg2[%dma_start3A_106, %dma_start3A_107] : memref<10000x64xf32, #tpu.memory_space<hbm>> -> memref<10000x64xf32, #tpu.memory_space<hbm>>
          tpu.enqueue_indirect_dma source(%dma_start3A_108 : memref<10000x64xf32, #tpu.memory_space<hbm>>) target(%arg8 : memref<500x64xf32, #tpu.memory_space<vmem>>) offsets(%dma_start3A_105 : memref<500xi32, #tpu.memory_space<vmem>>) semaphore(%arg12 : memref<!tpu.dma_semaphore, #tpu.memory_space<semaphore_mem>>)
        } else {
        }
        %dma_start3A_89 = arith.constant 0 : i32
        %dma_start3A_90 = tpu.memref_slice %arg7[%add3A_69, %dma_start3A_89] : memref<10x500xi32, #tpu.memory_space<vmem>> -> memref<1x500xi32, #tpu.memory_space<vmem>>
        %dma_start3A_91 = tpu.memref_squeeze %dma_start3A_90 : memref<1x500xi32, #tpu.memory_space<vmem>> -> memref<500xi32, #tpu.memory_space<vmem>>
        %dma_start3A_92 = arith.constant 0 : i32
        %dma_start3A_93 = arith.constant 0 : i32
        %dma_start3A_94 = tpu.memref_slice %arg11[%dma_start3A_92, %dma_start3A_93] : memref<10240x64xf32, #tpu.memory_space<vmem_shared>> -> memref<10240x64xf32, #tpu.memory_space<vmem_shared>>
        tpu.enqueue_indirect_dma source(%arg9 : memref<500x64xf32, #tpu.memory_space<vmem>>) target(%dma_start3A_94 : memref<10240x64xf32, #tpu.memory_space<vmem_shared>>) offsets(%dma_start3A_91 : memref<500xi32, #tpu.memory_space<vmem>>) semaphore(%arg15 : memref<!tpu.dma_semaphore, #tpu.memory_space<semaphore_mem>>) {add = true}
      } else {
      }
    }
    %scan3A_39 = arith.constant 5 : i32
    %dma_wait3A = arith.constant 0 : i32
    %dma_wait3A_40 = arith.constant 0 : i32
    %dma_wait3A_41 = tpu.memref_slice %arg2[%dma_wait3A, %dma_wait3A_40] : memref<10000x64xf32, #tpu.memory_space<hbm>> -> memref<500x64xf32, #tpu.memory_space<hbm>>
    %dma_wait3A_42 = arith.constant 0 : i32
    %dma_wait3A_43 = arith.constant 0 : i32
    %dma_wait3A_44 = tpu.memref_slice %arg2[%dma_wait3A_42, %dma_wait3A_43] : memref<10000x64xf32, #tpu.memory_space<hbm>> -> memref<500x64xf32, #tpu.memory_space<hbm>>
    tpu.wait_dma2 semaphore(%arg14 : memref<!tpu.dma_semaphore, #tpu.memory_space<semaphore_mem>>) src(%dma_wait3A_44 : memref<500x64xf32, #tpu.memory_space<hbm>>) dst(%arg8 : memref<500x64xf32, #tpu.memory_space<vmem>>)
    %dma_wait3A_45 = arith.constant 0 : i32
    %dma_wait3A_46 = arith.constant 0 : i32
    %dma_wait3A_47 = tpu.memref_slice %arg2[%dma_wait3A_45, %dma_wait3A_46] : memref<10000x64xf32, #tpu.memory_space<hbm>> -> memref<500x64xf32, #tpu.memory_space<hbm>>
    %dma_wait3A_48 = arith.constant 0 : i32
    %dma_wait3A_49 = arith.constant 0 : i32
    %dma_wait3A_50 = tpu.memref_slice %arg2[%dma_wait3A_48, %dma_wait3A_49] : memref<10000x64xf32, #tpu.memory_space<hbm>> -> memref<500x64xf32, #tpu.memory_space<hbm>>
    tpu.wait_dma2 semaphore(%arg15 : memref<!tpu.dma_semaphore, #tpu.memory_space<semaphore_mem>>) src(%dma_wait3A_50 : memref<500x64xf32, #tpu.memory_space<hbm>>) dst(%arg9 : memref<500x64xf32, #tpu.memory_space<vmem>>)
    %barrier3A_51 = arith.constant 0 : index
    tpu.barrier barrier_id(%barrier3A_51)
    %mul3A_52 = arith.constant 640 : i32
    %mul3A_53 = arith.muli %arg1, %mul3A_52 : i32
    %mul3A_54 = arith.constant 10240 : i32
    %mul3A_55 = arith.muli %arg0, %mul3A_54 : i32
    %mul3A_56 = arith.constant 640 : i32
    %mul3A_57 = arith.muli %arg1, %mul3A_56 : i32
    %add3A_58 = arith.addi %mul3A_55, %mul3A_57 : i32
    "tpu.region"() ({
      %run_scoped3A = tpu.sem_alloc : memref<!tpu.dma_semaphore, #tpu.memory_space<semaphore_mem>>
      %dma_start3A_59 = arith.constant 0 : i32
      %dma_start3A_60 = tpu.memref_slice %arg5[%add3A_58, %dma_start3A_59] : memref<20480x64xf32, #tpu.memory_space<hbm>> -> memref<640x64xf32, #tpu.memory_space<hbm>>
      %dma_start3A_61 = arith.constant 0 : i32
      %dma_start3A_62 = tpu.memref_slice %arg11[%mul3A_53, %dma_start3A_61] : memref<10240x64xf32, #tpu.memory_space<vmem_shared>> -> memref<640x64xf32, #tpu.memory_space<vmem_shared>>
      tpu.enqueue_dma source(%dma_start3A_62 : memref<640x64xf32, #tpu.memory_space<vmem_shared>>) target(%dma_start3A_60 : memref<640x64xf32, #tpu.memory_space<hbm>>) target_semaphore(%run_scoped3A : memref<!tpu.dma_semaphore, #tpu.memory_space<semaphore_mem>>)
      %dma_wait3A_63 = arith.constant 0 : i32
      %dma_wait3A_64 = tpu.memref_slice %arg5[%add3A_58, %dma_wait3A_63] : memref<20480x64xf32, #tpu.memory_space<hbm>> -> memref<640x64xf32, #tpu.memory_space<hbm>>
      %dma_wait3A_65 = arith.constant 0 : i32
      %dma_wait3A_66 = tpu.memref_slice %arg11[%mul3A_53, %dma_wait3A_65] : memref<10240x64xf32, #tpu.memory_space<vmem_shared>> -> memref<640x64xf32, #tpu.memory_space<vmem_shared>>
      tpu.wait_dma2 semaphore(%run_scoped3A : memref<!tpu.dma_semaphore, #tpu.memory_space<semaphore_mem>>) src(%dma_wait3A_66 : memref<640x64xf32, #tpu.memory_space<vmem_shared>>) dst(%dma_wait3A_64 : memref<640x64xf32, #tpu.memory_space<hbm>>)
      tpu.yield
    }) : () -> ()
    return
  }
}

#map = affine_map<(d0, d1) -> (0, 0)>
module attributes {stable_mosaic.version = 14 : i64} {
  func.func @k(%arg0: i32, %arg1: i32, %arg2: memref<10000x32xf32, #tpu.memory_space<hbm>>, %arg3: memref<320x500xi32, #tpu.memory_space<hbm>>, %arg4: memref<320x500xi32, #tpu.memory_space<hbm>>, %arg5: memref<20480x32xf32, #tpu.memory_space<hbm>>, %arg6: memref<10x500xi32, #tpu.memory_space<vmem>>, %arg7: memref<10x500xi32, #tpu.memory_space<vmem>>, %arg8: memref<500x32xf32, #tpu.memory_space<vmem>>, %arg9: memref<500x32xf32, #tpu.memory_space<vmem>>, %arg10: memref<500x32xf32, #tpu.memory_space<vmem>>, %arg11: memref<128x32xf32, #tpu.memory_space<vmem>>, %arg12: memref<10240x32xf32, #tpu.memory_space<vmem_shared>>, %arg13: memref<!tpu.dma_semaphore, #tpu.memory_space<semaphore_mem>>, %arg14: memref<!tpu.dma_semaphore, #tpu.memory_space<semaphore_mem>>, %arg15: memref<!tpu.dma_semaphore, #tpu.memory_space<semaphore_mem>>, %arg16: memref<!tpu.dma_semaphore, #tpu.memory_space<semaphore_mem>>, %arg17: memref<!tpu.dma_semaphore, #tpu.memory_space<semaphore_mem>>, %arg18: memref<!tpu.dma_semaphore, #tpu.memory_space<semaphore_mem>>) attributes {dimension_semantics = [#tpu.dimension_semantics<core_parallel>, #tpu.dimension_semantics<subcore_parallel>], iteration_bounds = array<i64: 2, 16>, scalar_prefetch = 0 : i64, scratch_operands = 13 : i64, tpu.core_type = #tpu.core_type<sc_vector_subcore>, window_params = [{transform_indices = #map}, {transform_indices = #map}, {transform_indices = #map}, {transform_indices = #map}]} {
    %mul3A = arith.constant 2 : i32
    %mul3A_0 = arith.muli %arg1, %mul3A : i32
    %add3A = arith.addi %mul3A_0, %arg0 : i32
    %scan3A = arith.constant 0 : i32
    %scan3A_1 = arith.constant 0 : i32
    %scan3A_2 = arith.constant 128 : i32
    %scan3A_3 = arith.addi %scan3A_1, %scan3A_2 : i32
    %scan3A_4 = arith.constant 1 : i32
    scf.for %scan3A_72 = %scan3A_1 to %scan3A_3 step %scan3A_4  : i32 {
      %broadcast_in_dim3A = arith.constant 0.000000e+00 : f32
      %broadcast_in_dim3A_73 = vector.broadcast %broadcast_in_dim3A : f32 to vector<16xf32>
      %swap3A = arith.index_cast %scan3A_72 : i32 to index
      %swap3A_74 = arith.constant 0 : index
      %swap3A_75 = tpu.vector_load %arg11[%swap3A, %swap3A_74] {strides = array<i32>} : memref<128x32xf32, #tpu.memory_space<vmem>>, vector<1x16xf32>,
      %swap3A_76 = vector.shape_cast %swap3A_75 : vector<1x16xf32> to vector<16xf32>
      %swap3A_77 = vector.shape_cast %broadcast_in_dim3A_73 : vector<16xf32> to vector<1x16xf32>
      tpu.vector_store %arg11[%swap3A, %swap3A_74], %swap3A_77 {strides = array<i32>} : memref<128x32xf32, #tpu.memory_space<vmem>>, vector<1x16xf32>,
      %broadcast_in_dim3A_78 = arith.constant 0.000000e+00 : f32
      %broadcast_in_dim3A_79 = vector.broadcast %broadcast_in_dim3A_78 : f32 to vector<16xf32>
      %swap3A_80 = arith.index_cast %scan3A_72 : i32 to index
      %swap3A_81 = arith.constant 16 : index
      %swap3A_82 = tpu.vector_load %arg11[%swap3A_80, %swap3A_81] {strides = array<i32>} : memref<128x32xf32, #tpu.memory_space<vmem>>, vector<1x16xf32>,
      %swap3A_83 = vector.shape_cast %swap3A_82 : vector<1x16xf32> to vector<16xf32>
      %swap3A_84 = vector.shape_cast %broadcast_in_dim3A_79 : vector<16xf32> to vector<1x16xf32>
      tpu.vector_store %arg11[%swap3A_80, %swap3A_81], %swap3A_84 {strides = array<i32>} : memref<128x32xf32, #tpu.memory_space<vmem>>, vector<1x16xf32>,
    }
    %scan3A_5 = arith.constant 128 : i32
    %mul3A_6 = arith.constant 640 : i32
    %mul3A_7 = arith.muli %arg1, %mul3A_6 : i32
    %add3A_8 = arith.constant 0 : i32
    %add3A_9 = arith.addi %mul3A_7, %add3A_8 : i32
    "tpu.region"() ({
      %run_scoped3A = tpu.sem_alloc : memref<!tpu.dma_semaphore, #tpu.memory_space<semaphore_mem>>
      %dma_start3A_72 = arith.constant 0 : i32
      %dma_start3A_73 = tpu.memref_slice %arg12[%add3A_9, %dma_start3A_72] : memref<10240x32xf32, #tpu.memory_space<vmem_shared>> -> memref<128x32xf32, #tpu.memory_space<vmem_shared>>
      %dma_start3A_74 = arith.constant 0 : i32
      %dma_start3A_75 = tpu.memref_slice %arg12[%add3A_9, %dma_start3A_74] : memref<10240x32xf32, #tpu.memory_space<vmem_shared>> -> memref<128x32xf32, #tpu.memory_space<vmem_shared>>
      tpu.enqueue_dma source(%arg11 : memref<128x32xf32, #tpu.memory_space<vmem>>) target(%dma_start3A_75 : memref<128x32xf32, #tpu.memory_space<vmem_shared>>) target_semaphore(%run_scoped3A : memref<!tpu.dma_semaphore, #tpu.memory_space<semaphore_mem>>)
      %dma_wait3A_76 = arith.constant 0 : i32
      %dma_wait3A_77 = tpu.memref_slice %arg12[%add3A_9, %dma_wait3A_76] : memref<10240x32xf32, #tpu.memory_space<vmem_shared>> -> memref<128x32xf32, #tpu.memory_space<vmem_shared>>
      %dma_wait3A_78 = arith.constant 0 : i32
      %dma_wait3A_79 = tpu.memref_slice %arg12[%add3A_9, %dma_wait3A_78] : memref<10240x32xf32, #tpu.memory_space<vmem_shared>> -> memref<128x32xf32, #tpu.memory_space<vmem_shared>>
      tpu.wait_dma2 semaphore(%run_scoped3A : memref<!tpu.dma_semaphore, #tpu.memory_space<semaphore_mem>>) src(%arg11 : memref<128x32xf32, #tpu.memory_space<vmem>>) dst(%dma_wait3A_79 : memref<128x32xf32, #tpu.memory_space<vmem_shared>>)
      tpu.yield
    }) : () -> ()
    %mul3A_10 = arith.constant 640 : i32
    %mul3A_11 = arith.muli %arg1, %mul3A_10 : i32
    %add3A_12 = arith.constant 128 : i32
    %add3A_13 = arith.addi %mul3A_11, %add3A_12 : i32
    "tpu.region"() ({
      %run_scoped3A = tpu.sem_alloc : memref<!tpu.dma_semaphore, #tpu.memory_space<semaphore_mem>>
      %dma_start3A_72 = arith.constant 0 : i32
      %dma_start3A_73 = tpu.memref_slice %arg12[%add3A_13, %dma_start3A_72] : memref<10240x32xf32, #tpu.memory_space<vmem_shared>> -> memref<128x32xf32, #tpu.memory_space<vmem_shared>>
      %dma_start3A_74 = arith.constant 0 : i32
      %dma_start3A_75 = tpu.memref_slice %arg12[%add3A_13, %dma_start3A_74] : memref<10240x32xf32, #tpu.memory_space<vmem_shared>> -> memref<128x32xf32, #tpu.memory_space<vmem_shared>>
      tpu.enqueue_dma source(%arg11 : memref<128x32xf32, #tpu.memory_space<vmem>>) target(%dma_start3A_75 : memref<128x32xf32, #tpu.memory_space<vmem_shared>>) target_semaphore(%run_scoped3A : memref<!tpu.dma_semaphore, #tpu.memory_space<semaphore_mem>>)
      %dma_wait3A_76 = arith.constant 0 : i32
      %dma_wait3A_77 = tpu.memref_slice %arg12[%add3A_13, %dma_wait3A_76] : memref<10240x32xf32, #tpu.memory_space<vmem_shared>> -> memref<128x32xf32, #tpu.memory_space<vmem_shared>>
      %dma_wait3A_78 = arith.constant 0 : i32
      %dma_wait3A_79 = tpu.memref_slice %arg12[%add3A_13, %dma_wait3A_78] : memref<10240x32xf32, #tpu.memory_space<vmem_shared>> -> memref<128x32xf32, #tpu.memory_space<vmem_shared>>
      tpu.wait_dma2 semaphore(%run_scoped3A : memref<!tpu.dma_semaphore, #tpu.memory_space<semaphore_mem>>) src(%arg11 : memref<128x32xf32, #tpu.memory_space<vmem>>) dst(%dma_wait3A_79 : memref<128x32xf32, #tpu.memory_space<vmem_shared>>)
      tpu.yield
    }) : () -> ()
    %mul3A_14 = arith.constant 640 : i32
    %mul3A_15 = arith.muli %arg1, %mul3A_14 : i32
    %add3A_16 = arith.constant 256 : i32
    %add3A_17 = arith.addi %mul3A_15, %add3A_16 : i32
    "tpu.region"() ({
      %run_scoped3A = tpu.sem_alloc : memref<!tpu.dma_semaphore, #tpu.memory_space<semaphore_mem>>
      %dma_start3A_72 = arith.constant 0 : i32
      %dma_start3A_73 = tpu.memref_slice %arg12[%add3A_17, %dma_start3A_72] : memref<10240x32xf32, #tpu.memory_space<vmem_shared>> -> memref<128x32xf32, #tpu.memory_space<vmem_shared>>
      %dma_start3A_74 = arith.constant 0 : i32
      %dma_start3A_75 = tpu.memref_slice %arg12[%add3A_17, %dma_start3A_74] : memref<10240x32xf32, #tpu.memory_space<vmem_shared>> -> memref<128x32xf32, #tpu.memory_space<vmem_shared>>
      tpu.enqueue_dma source(%arg11 : memref<128x32xf32, #tpu.memory_space<vmem>>) target(%dma_start3A_75 : memref<128x32xf32, #tpu.memory_space<vmem_shared>>) target_semaphore(%run_scoped3A : memref<!tpu.dma_semaphore, #tpu.memory_space<semaphore_mem>>)
      %dma_wait3A_76 = arith.constant 0 : i32
      %dma_wait3A_77 = tpu.memref_slice %arg12[%add3A_17, %dma_wait3A_76] : memref<10240x32xf32, #tpu.memory_space<vmem_shared>> -> memref<128x32xf32, #tpu.memory_space<vmem_shared>>
      %dma_wait3A_78 = arith.constant 0 : i32
      %dma_wait3A_79 = tpu.memref_slice %arg12[%add3A_17, %dma_wait3A_78] : memref<10240x32xf32, #tpu.memory_space<vmem_shared>> -> memref<128x32xf32, #tpu.memory_space<vmem_shared>>
      tpu.wait_dma2 semaphore(%run_scoped3A : memref<!tpu.dma_semaphore, #tpu.memory_space<semaphore_mem>>) src(%arg11 : memref<128x32xf32, #tpu.memory_space<vmem>>) dst(%dma_wait3A_79 : memref<128x32xf32, #tpu.memory_space<vmem_shared>>)
      tpu.yield
    }) : () -> ()
    %mul3A_18 = arith.constant 640 : i32
    %mul3A_19 = arith.muli %arg1, %mul3A_18 : i32
    %add3A_20 = arith.constant 384 : i32
    %add3A_21 = arith.addi %mul3A_19, %add3A_20 : i32
    "tpu.region"() ({
      %run_scoped3A = tpu.sem_alloc : memref<!tpu.dma_semaphore, #tpu.memory_space<semaphore_mem>>
      %dma_start3A_72 = arith.constant 0 : i32
      %dma_start3A_73 = tpu.memref_slice %arg12[%add3A_21, %dma_start3A_72] : memref<10240x32xf32, #tpu.memory_space<vmem_shared>> -> memref<128x32xf32, #tpu.memory_space<vmem_shared>>
      %dma_start3A_74 = arith.constant 0 : i32
      %dma_start3A_75 = tpu.memref_slice %arg12[%add3A_21, %dma_start3A_74] : memref<10240x32xf32, #tpu.memory_space<vmem_shared>> -> memref<128x32xf32, #tpu.memory_space<vmem_shared>>
      tpu.enqueue_dma source(%arg11 : memref<128x32xf32, #tpu.memory_space<vmem>>) target(%dma_start3A_75 : memref<128x32xf32, #tpu.memory_space<vmem_shared>>) target_semaphore(%run_scoped3A : memref<!tpu.dma_semaphore, #tpu.memory_space<semaphore_mem>>)
      %dma_wait3A_76 = arith.constant 0 : i32
      %dma_wait3A_77 = tpu.memref_slice %arg12[%add3A_21, %dma_wait3A_76] : memref<10240x32xf32, #tpu.memory_space<vmem_shared>> -> memref<128x32xf32, #tpu.memory_space<vmem_shared>>
      %dma_wait3A_78 = arith.constant 0 : i32
      %dma_wait3A_79 = tpu.memref_slice %arg12[%add3A_21, %dma_wait3A_78] : memref<10240x32xf32, #tpu.memory_space<vmem_shared>> -> memref<128x32xf32, #tpu.memory_space<vmem_shared>>
      tpu.wait_dma2 semaphore(%run_scoped3A : memref<!tpu.dma_semaphore, #tpu.memory_space<semaphore_mem>>) src(%arg11 : memref<128x32xf32, #tpu.memory_space<vmem>>) dst(%dma_wait3A_79 : memref<128x32xf32, #tpu.memory_space<vmem_shared>>)
      tpu.yield
    }) : () -> ()
    %mul3A_22 = arith.constant 640 : i32
    %mul3A_23 = arith.muli %arg1, %mul3A_22 : i32
    %add3A_24 = arith.constant 512 : i32
    %add3A_25 = arith.addi %mul3A_23, %add3A_24 : i32
    "tpu.region"() ({
      %run_scoped3A = tpu.sem_alloc : memref<!tpu.dma_semaphore, #tpu.memory_space<semaphore_mem>>
      %dma_start3A_72 = arith.constant 0 : i32
      %dma_start3A_73 = tpu.memref_slice %arg12[%add3A_25, %dma_start3A_72] : memref<10240x32xf32, #tpu.memory_space<vmem_shared>> -> memref<128x32xf32, #tpu.memory_space<vmem_shared>>
      %dma_start3A_74 = arith.constant 0 : i32
      %dma_start3A_75 = tpu.memref_slice %arg12[%add3A_25, %dma_start3A_74] : memref<10240x32xf32, #tpu.memory_space<vmem_shared>> -> memref<128x32xf32, #tpu.memory_space<vmem_shared>>
      tpu.enqueue_dma source(%arg11 : memref<128x32xf32, #tpu.memory_space<vmem>>) target(%dma_start3A_75 : memref<128x32xf32, #tpu.memory_space<vmem_shared>>) target_semaphore(%run_scoped3A : memref<!tpu.dma_semaphore, #tpu.memory_space<semaphore_mem>>)
      %dma_wait3A_76 = arith.constant 0 : i32
      %dma_wait3A_77 = tpu.memref_slice %arg12[%add3A_25, %dma_wait3A_76] : memref<10240x32xf32, #tpu.memory_space<vmem_shared>> -> memref<128x32xf32, #tpu.memory_space<vmem_shared>>
      %dma_wait3A_78 = arith.constant 0 : i32
      %dma_wait3A_79 = tpu.memref_slice %arg12[%add3A_25, %dma_wait3A_78] : memref<10240x32xf32, #tpu.memory_space<vmem_shared>> -> memref<128x32xf32, #tpu.memory_space<vmem_shared>>
      tpu.wait_dma2 semaphore(%run_scoped3A : memref<!tpu.dma_semaphore, #tpu.memory_space<semaphore_mem>>) src(%arg11 : memref<128x32xf32, #tpu.memory_space<vmem>>) dst(%dma_wait3A_79 : memref<128x32xf32, #tpu.memory_space<vmem_shared>>)
      tpu.yield
    }) : () -> ()
    %mul3A_26 = arith.constant 10 : i32
    %mul3A_27 = arith.muli %add3A, %mul3A_26 : i32
    "tpu.region"() ({
      %run_scoped3A = tpu.sem_alloc : memref<!tpu.dma_semaphore, #tpu.memory_space<semaphore_mem>>
      %dma_start3A_72 = arith.constant 0 : i32
      %dma_start3A_73 = tpu.memref_slice %arg3[%mul3A_27, %dma_start3A_72] : memref<320x500xi32, #tpu.memory_space<hbm>> -> memref<10x500xi32, #tpu.memory_space<hbm>>
      %dma_start3A_74 = arith.constant 0 : i32
      %dma_start3A_75 = tpu.memref_slice %arg3[%mul3A_27, %dma_start3A_74] : memref<320x500xi32, #tpu.memory_space<hbm>> -> memref<10x500xi32, #tpu.memory_space<hbm>>
      tpu.enqueue_dma source(%dma_start3A_75 : memref<10x500xi32, #tpu.memory_space<hbm>>) target(%arg6 : memref<10x500xi32, #tpu.memory_space<vmem>>) target_semaphore(%run_scoped3A : memref<!tpu.dma_semaphore, #tpu.memory_space<semaphore_mem>>)
      %dma_wait3A_76 = arith.constant 0 : i32
      %dma_wait3A_77 = tpu.memref_slice %arg3[%mul3A_27, %dma_wait3A_76] : memref<320x500xi32, #tpu.memory_space<hbm>> -> memref<10x500xi32, #tpu.memory_space<hbm>>
      %dma_wait3A_78 = arith.constant 0 : i32
      %dma_wait3A_79 = tpu.memref_slice %arg3[%mul3A_27, %dma_wait3A_78] : memref<320x500xi32, #tpu.memory_space<hbm>> -> memref<10x500xi32, #tpu.memory_space<hbm>>
      tpu.wait_dma2 semaphore(%run_scoped3A : memref<!tpu.dma_semaphore, #tpu.memory_space<semaphore_mem>>) src(%dma_wait3A_79 : memref<10x500xi32, #tpu.memory_space<hbm>>) dst(%arg6 : memref<10x500xi32, #tpu.memory_space<vmem>>)
      tpu.yield
    }) : () -> ()
    "tpu.region"() ({
      %run_scoped3A = tpu.sem_alloc : memref<!tpu.dma_semaphore, #tpu.memory_space<semaphore_mem>>
      %dma_start3A_72 = arith.constant 0 : i32
      %dma_start3A_73 = tpu.memref_slice %arg4[%mul3A_27, %dma_start3A_72] : memref<320x500xi32, #tpu.memory_space<hbm>> -> memref<10x500xi32, #tpu.memory_space<hbm>>
      %dma_start3A_74 = arith.constant 0 : i32
      %dma_start3A_75 = tpu.memref_slice %arg4[%mul3A_27, %dma_start3A_74] : memref<320x500xi32, #tpu.memory_space<hbm>> -> memref<10x500xi32, #tpu.memory_space<hbm>>
      tpu.enqueue_dma source(%dma_start3A_75 : memref<10x500xi32, #tpu.memory_space<hbm>>) target(%arg7 : memref<10x500xi32, #tpu.memory_space<vmem>>) target_semaphore(%run_scoped3A : memref<!tpu.dma_semaphore, #tpu.memory_space<semaphore_mem>>)
      %dma_wait3A_76 = arith.constant 0 : i32
      %dma_wait3A_77 = tpu.memref_slice %arg4[%mul3A_27, %dma_wait3A_76] : memref<320x500xi32, #tpu.memory_space<hbm>> -> memref<10x500xi32, #tpu.memory_space<hbm>>
      %dma_wait3A_78 = arith.constant 0 : i32
      %dma_wait3A_79 = tpu.memref_slice %arg4[%mul3A_27, %dma_wait3A_78] : memref<320x500xi32, #tpu.memory_space<hbm>> -> memref<10x500xi32, #tpu.memory_space<hbm>>
      tpu.wait_dma2 semaphore(%run_scoped3A : memref<!tpu.dma_semaphore, #tpu.memory_space<semaphore_mem>>) src(%dma_wait3A_79 : memref<10x500xi32, #tpu.memory_space<hbm>>) dst(%arg7 : memref<10x500xi32, #tpu.memory_space<vmem>>)
      tpu.yield
    }) : () -> ()
    %barrier3A = arith.constant 0 : index
    tpu.barrier barrier_id(%barrier3A)
    %dma_start3A = arith.constant 0 : i32
    %dma_start3A_28 = arith.constant 0 : i32
    %dma_start3A_29 = tpu.memref_slice %arg6[%dma_start3A, %dma_start3A_28] : memref<10x500xi32, #tpu.memory_space<vmem>> -> memref<1x500xi32, #tpu.memory_space<vmem>>
    %dma_start3A_30 = tpu.memref_squeeze %dma_start3A_29 : memref<1x500xi32, #tpu.memory_space<vmem>> -> memref<500xi32, #tpu.memory_space<vmem>>
    %dma_start3A_31 = arith.constant 0 : i32
    %dma_start3A_32 = arith.constant 0 : i32
    %dma_start3A_33 = tpu.memref_slice %arg2[%dma_start3A_31, %dma_start3A_32] : memref<10000x32xf32, #tpu.memory_space<hbm>> -> memref<10000x32xf32, #tpu.memory_space<hbm>>
    tpu.enqueue_indirect_dma source(%dma_start3A_33 : memref<10000x32xf32, #tpu.memory_space<hbm>>) target(%arg8 : memref<500x32xf32, #tpu.memory_space<vmem>>) offsets(%dma_start3A_30 : memref<500xi32, #tpu.memory_space<vmem>>) semaphore(%arg13 : memref<!tpu.dma_semaphore, #tpu.memory_space<semaphore_mem>>)
    %dma_start3A_34 = arith.constant 1 : i32
    %dma_start3A_35 = arith.constant 0 : i32
    %dma_start3A_36 = tpu.memref_slice %arg6[%dma_start3A_34, %dma_start3A_35] : memref<10x500xi32, #tpu.memory_space<vmem>> -> memref<1x500xi32, #tpu.memory_space<vmem>>
    %dma_start3A_37 = tpu.memref_squeeze %dma_start3A_36 : memref<1x500xi32, #tpu.memory_space<vmem>> -> memref<500xi32, #tpu.memory_space<vmem>>
    %dma_start3A_38 = arith.constant 0 : i32
    %dma_start3A_39 = arith.constant 0 : i32
    %dma_start3A_40 = tpu.memref_slice %arg2[%dma_start3A_38, %dma_start3A_39] : memref<10000x32xf32, #tpu.memory_space<hbm>> -> memref<10000x32xf32, #tpu.memory_space<hbm>>
    tpu.enqueue_indirect_dma source(%dma_start3A_40 : memref<10000x32xf32, #tpu.memory_space<hbm>>) target(%arg9 : memref<500x32xf32, #tpu.memory_space<vmem>>) offsets(%dma_start3A_37 : memref<500xi32, #tpu.memory_space<vmem>>) semaphore(%arg14 : memref<!tpu.dma_semaphore, #tpu.memory_space<semaphore_mem>>)
    %scan3A_41 = arith.constant 0 : i32
    %scan3A_42 = arith.constant 0 : i32
    %scan3A_43 = arith.constant 4 : i32
    %scan3A_44 = arith.addi %scan3A_42, %scan3A_43 : i32
    %scan3A_45 = arith.constant 1 : i32
    scf.for %scan3A_72 = %scan3A_42 to %scan3A_44 step %scan3A_45  : i32 {
      %mul3A_73 = arith.constant 3 : i32
      %mul3A_74 = arith.muli %mul3A_73, %scan3A_72 : i32
      %add3A_75 = arith.constant 0 : i32
      %add3A_76 = arith.addi %mul3A_74, %add3A_75 : i32
      %lt3A = arith.constant 10 : i32
      %lt3A_77 = arith.cmpi slt, %add3A_76, %lt3A : i32
      %convert_element_type3A = arith.extui %lt3A_77 : i1 to i32
      %cond3A = arith.constant 0 : i32
      %cond3A_78 = arith.cmpi ne, %convert_element_type3A, %cond3A : i32
      scf.if %cond3A_78 {
        %dma_wait3A_97 = arith.constant 0 : i32
        %dma_wait3A_98 = arith.constant 0 : i32
        %dma_wait3A_99 = tpu.memref_slice %arg2[%dma_wait3A_97, %dma_wait3A_98] : memref<10000x32xf32, #tpu.memory_space<hbm>> -> memref<500x32xf32, #tpu.memory_space<hbm>>
        %dma_wait3A_100 = arith.constant 0 : i32
        %dma_wait3A_101 = arith.constant 0 : i32
        %dma_wait3A_102 = tpu.memref_slice %arg2[%dma_wait3A_100, %dma_wait3A_101] : memref<10000x32xf32, #tpu.memory_space<hbm>> -> memref<500x32xf32, #tpu.memory_space<hbm>>
        tpu.wait_dma2 semaphore(%arg13 : memref<!tpu.dma_semaphore, #tpu.memory_space<semaphore_mem>>) src(%dma_wait3A_102 : memref<500x32xf32, #tpu.memory_space<hbm>>) dst(%arg8 : memref<500x32xf32, #tpu.memory_space<vmem>>)
        %add3A_103 = arith.constant 3 : i32
        %add3A_104 = arith.addi %add3A_76, %add3A_103 : i32
        %sub3A = arith.constant 1 : i32
        %sub3A_105 = arith.subi %add3A_104, %sub3A : i32
        %lt3A_106 = arith.constant 10 : i32
        %lt3A_107 = arith.cmpi slt, %sub3A_105, %lt3A_106 : i32
        %convert_element_type3A_108 = arith.extui %lt3A_107 : i1 to i32
        %cond3A_109 = arith.constant 0 : i32
        %cond3A_110 = arith.cmpi ne, %convert_element_type3A_108, %cond3A_109 : i32
        scf.if %cond3A_110 {
          %ge3A = arith.constant 1 : i32
          %ge3A_117 = arith.cmpi sge, %add3A_76, %ge3A : i32
          %convert_element_type3A_118 = arith.extui %ge3A_117 : i1 to i32
          %cond3A_119 = arith.constant 0 : i32
          %cond3A_120 = arith.cmpi ne, %convert_element_type3A_118, %cond3A_119 : i32
          scf.if %cond3A_120 {
            %dma_wait3A_131 = arith.constant 0 : i32
            %dma_wait3A_132 = arith.constant 0 : i32
            %dma_wait3A_133 = tpu.memref_slice %arg2[%dma_wait3A_131, %dma_wait3A_132] : memref<10000x32xf32, #tpu.memory_space<hbm>> -> memref<500x32xf32, #tpu.memory_space<hbm>>
            %dma_wait3A_134 = arith.constant 0 : i32
            %dma_wait3A_135 = arith.constant 0 : i32
            %dma_wait3A_136 = tpu.memref_slice %arg2[%dma_wait3A_134, %dma_wait3A_135] : memref<10000x32xf32, #tpu.memory_space<hbm>> -> memref<500x32xf32, #tpu.memory_space<hbm>>
            tpu.wait_dma2 semaphore(%arg18 : memref<!tpu.dma_semaphore, #tpu.memory_space<semaphore_mem>>) src(%dma_wait3A_136 : memref<500x32xf32, #tpu.memory_space<hbm>>) dst(%arg10 : memref<500x32xf32, #tpu.memory_space<vmem>>)
          } else {
          }
          %add3A_121 = arith.constant 3 : i32
          %add3A_122 = arith.addi %add3A_76, %add3A_121 : i32
          %sub3A_123 = arith.constant 1 : i32
          %sub3A_124 = arith.subi %add3A_122, %sub3A_123 : i32
          %dma_start3A_125 = arith.constant 0 : i32
          %dma_start3A_126 = tpu.memref_slice %arg6[%sub3A_124, %dma_start3A_125] : memref<10x500xi32, #tpu.memory_space<vmem>> -> memref<1x500xi32, #tpu.memory_space<vmem>>
          %dma_start3A_127 = tpu.memref_squeeze %dma_start3A_126 : memref<1x500xi32, #tpu.memory_space<vmem>> -> memref<500xi32, #tpu.memory_space<vmem>>
          %dma_start3A_128 = arith.constant 0 : i32
          %dma_start3A_129 = arith.constant 0 : i32
          %dma_start3A_130 = tpu.memref_slice %arg2[%dma_start3A_128, %dma_start3A_129] : memref<10000x32xf32, #tpu.memory_space<hbm>> -> memref<10000x32xf32, #tpu.memory_space<hbm>>
          tpu.enqueue_indirect_dma source(%dma_start3A_130 : memref<10000x32xf32, #tpu.memory_space<hbm>>) target(%arg10 : memref<500x32xf32, #tpu.memory_space<vmem>>) offsets(%dma_start3A_127 : memref<500xi32, #tpu.memory_space<vmem>>) semaphore(%arg15 : memref<!tpu.dma_semaphore, #tpu.memory_space<semaphore_mem>>)
        } else {
        }
        %dma_start3A_111 = arith.constant 0 : i32
        %dma_start3A_112 = tpu.memref_slice %arg7[%add3A_76, %dma_start3A_111] : memref<10x500xi32, #tpu.memory_space<vmem>> -> memref<1x500xi32, #tpu.memory_space<vmem>>
        %dma_start3A_113 = tpu.memref_squeeze %dma_start3A_112 : memref<1x500xi32, #tpu.memory_space<vmem>> -> memref<500xi32, #tpu.memory_space<vmem>>
        %dma_start3A_114 = arith.constant 0 : i32
        %dma_start3A_115 = arith.constant 0 : i32
        %dma_start3A_116 = tpu.memref_slice %arg12[%dma_start3A_114, %dma_start3A_115] : memref<10240x32xf32, #tpu.memory_space<vmem_shared>> -> memref<10240x32xf32, #tpu.memory_space<vmem_shared>>
        tpu.enqueue_indirect_dma source(%arg8 : memref<500x32xf32, #tpu.memory_space<vmem>>) target(%dma_start3A_116 : memref<10240x32xf32, #tpu.memory_space<vmem_shared>>) offsets(%dma_start3A_113 : memref<500xi32, #tpu.memory_space<vmem>>) semaphore(%arg16 : memref<!tpu.dma_semaphore, #tpu.memory_space<semaphore_mem>>) {add = true}
      } else {
      }
      %mul3A_79 = arith.constant 3 : i32
      %mul3A_80 = arith.muli %mul3A_79, %scan3A_72 : i32
      %add3A_81 = arith.constant 1 : i32
      %add3A_82 = arith.addi %mul3A_80, %add3A_81 : i32
      %lt3A_83 = arith.constant 10 : i32
      %lt3A_84 = arith.cmpi slt, %add3A_82, %lt3A_83 : i32
      %convert_element_type3A_85 = arith.extui %lt3A_84 : i1 to i32
      %cond3A_86 = arith.constant 0 : i32
      %cond3A_87 = arith.cmpi ne, %convert_element_type3A_85, %cond3A_86 : i32
      scf.if %cond3A_87 {
        %dma_wait3A_97 = arith.constant 0 : i32
        %dma_wait3A_98 = arith.constant 0 : i32
        %dma_wait3A_99 = tpu.memref_slice %arg2[%dma_wait3A_97, %dma_wait3A_98] : memref<10000x32xf32, #tpu.memory_space<hbm>> -> memref<500x32xf32, #tpu.memory_space<hbm>>
        %dma_wait3A_100 = arith.constant 0 : i32
        %dma_wait3A_101 = arith.constant 0 : i32
        %dma_wait3A_102 = tpu.memref_slice %arg2[%dma_wait3A_100, %dma_wait3A_101] : memref<10000x32xf32, #tpu.memory_space<hbm>> -> memref<500x32xf32, #tpu.memory_space<hbm>>
        tpu.wait_dma2 semaphore(%arg14 : memref<!tpu.dma_semaphore, #tpu.memory_space<semaphore_mem>>) src(%dma_wait3A_102 : memref<500x32xf32, #tpu.memory_space<hbm>>) dst(%arg9 : memref<500x32xf32, #tpu.memory_space<vmem>>)
        %add3A_103 = arith.constant 3 : i32
        %add3A_104 = arith.addi %add3A_82, %add3A_103 : i32
        %sub3A = arith.constant 1 : i32
        %sub3A_105 = arith.subi %add3A_104, %sub3A : i32
        %lt3A_106 = arith.constant 10 : i32
        %lt3A_107 = arith.cmpi slt, %sub3A_105, %lt3A_106 : i32
        %convert_element_type3A_108 = arith.extui %lt3A_107 : i1 to i32
        %cond3A_109 = arith.constant 0 : i32
        %cond3A_110 = arith.cmpi ne, %convert_element_type3A_108, %cond3A_109 : i32
        scf.if %cond3A_110 {
          %ge3A = arith.constant 1 : i32
          %ge3A_117 = arith.cmpi sge, %add3A_82, %ge3A : i32
          %convert_element_type3A_118 = arith.extui %ge3A_117 : i1 to i32
          %cond3A_119 = arith.constant 0 : i32
          %cond3A_120 = arith.cmpi ne, %convert_element_type3A_118, %cond3A_119 : i32
          scf.if %cond3A_120 {
            %dma_wait3A_131 = arith.constant 0 : i32
            %dma_wait3A_132 = arith.constant 0 : i32
            %dma_wait3A_133 = tpu.memref_slice %arg2[%dma_wait3A_131, %dma_wait3A_132] : memref<10000x32xf32, #tpu.memory_space<hbm>> -> memref<500x32xf32, #tpu.memory_space<hbm>>
            %dma_wait3A_134 = arith.constant 0 : i32
            %dma_wait3A_135 = arith.constant 0 : i32
            %dma_wait3A_136 = tpu.memref_slice %arg2[%dma_wait3A_134, %dma_wait3A_135] : memref<10000x32xf32, #tpu.memory_space<hbm>> -> memref<500x32xf32, #tpu.memory_space<hbm>>
            tpu.wait_dma2 semaphore(%arg16 : memref<!tpu.dma_semaphore, #tpu.memory_space<semaphore_mem>>) src(%dma_wait3A_136 : memref<500x32xf32, #tpu.memory_space<hbm>>) dst(%arg8 : memref<500x32xf32, #tpu.memory_space<vmem>>)
          } else {
          }
          %add3A_121 = arith.constant 3 : i32
          %add3A_122 = arith.addi %add3A_82, %add3A_121 : i32
          %sub3A_123 = arith.constant 1 : i32
          %sub3A_124 = arith.subi %add3A_122, %sub3A_123 : i32
          %dma_start3A_125 = arith.constant 0 : i32
          %dma_start3A_126 = tpu.memref_slice %arg6[%sub3A_124, %dma_start3A_125] : memref<10x500xi32, #tpu.memory_space<vmem>> -> memref<1x500xi32, #tpu.memory_space<vmem>>
          %dma_start3A_127 = tpu.memref_squeeze %dma_start3A_126 : memref<1x500xi32, #tpu.memory_space<vmem>> -> memref<500xi32, #tpu.memory_space<vmem>>
          %dma_start3A_128 = arith.constant 0 : i32
          %dma_start3A_129 = arith.constant 0 : i32
          %dma_start3A_130 = tpu.memref_slice %arg2[%dma_start3A_128, %dma_start3A_129] : memref<10000x32xf32, #tpu.memory_space<hbm>> -> memref<10000x32xf32, #tpu.memory_space<hbm>>
          tpu.enqueue_indirect_dma source(%dma_start3A_130 : memref<10000x32xf32, #tpu.memory_space<hbm>>) target(%arg8 : memref<500x32xf32, #tpu.memory_space<vmem>>) offsets(%dma_start3A_127 : memref<500xi32, #tpu.memory_space<vmem>>) semaphore(%arg13 : memref<!tpu.dma_semaphore, #tpu.memory_space<semaphore_mem>>)
        } else {
        }
        %dma_start3A_111 = arith.constant 0 : i32
        %dma_start3A_112 = tpu.memref_slice %arg7[%add3A_82, %dma_start3A_111] : memref<10x500xi32, #tpu.memory_space<vmem>> -> memref<1x500xi32, #tpu.memory_space<vmem>>
        %dma_start3A_113 = tpu.memref_squeeze %dma_start3A_112 : memref<1x500xi32, #tpu.memory_space<vmem>> -> memref<500xi32, #tpu.memory_space<vmem>>
        %dma_start3A_114 = arith.constant 0 : i32
        %dma_start3A_115 = arith.constant 0 : i32
        %dma_start3A_116 = tpu.memref_slice %arg12[%dma_start3A_114, %dma_start3A_115] : memref<10240x32xf32, #tpu.memory_space<vmem_shared>> -> memref<10240x32xf32, #tpu.memory_space<vmem_shared>>
        tpu.enqueue_indirect_dma source(%arg9 : memref<500x32xf32, #tpu.memory_space<vmem>>) target(%dma_start3A_116 : memref<10240x32xf32, #tpu.memory_space<vmem_shared>>) offsets(%dma_start3A_113 : memref<500xi32, #tpu.memory_space<vmem>>) semaphore(%arg17 : memref<!tpu.dma_semaphore, #tpu.memory_space<semaphore_mem>>) {add = true}
      } else {
      }
      %mul3A_88 = arith.constant 3 : i32
      %mul3A_89 = arith.muli %mul3A_88, %scan3A_72 : i32
      %add3A_90 = arith.constant 2 : i32
      %add3A_91 = arith.addi %mul3A_89, %add3A_90 : i32
      %lt3A_92 = arith.constant 10 : i32
      %lt3A_93 = arith.cmpi slt, %add3A_91, %lt3A_92 : i32
      %convert_element_type3A_94 = arith.extui %lt3A_93 : i1 to i32
      %cond3A_95 = arith.constant 0 : i32
      %cond3A_96 = arith.cmpi ne, %convert_element_type3A_94, %cond3A_95 : i32
      scf.if %cond3A_96 {
        %dma_wait3A_97 = arith.constant 0 : i32
        %dma_wait3A_98 = arith.constant 0 : i32
        %dma_wait3A_99 = tpu.memref_slice %arg2[%dma_wait3A_97, %dma_wait3A_98] : memref<10000x32xf32, #tpu.memory_space<hbm>> -> memref<500x32xf32, #tpu.memory_space<hbm>>
        %dma_wait3A_100 = arith.constant 0 : i32
        %dma_wait3A_101 = arith.constant 0 : i32
        %dma_wait3A_102 = tpu.memref_slice %arg2[%dma_wait3A_100, %dma_wait3A_101] : memref<10000x32xf32, #tpu.memory_space<hbm>> -> memref<500x32xf32, #tpu.memory_space<hbm>>
        tpu.wait_dma2 semaphore(%arg15 : memref<!tpu.dma_semaphore, #tpu.memory_space<semaphore_mem>>) src(%dma_wait3A_102 : memref<500x32xf32, #tpu.memory_space<hbm>>) dst(%arg10 : memref<500x32xf32, #tpu.memory_space<vmem>>)
        %add3A_103 = arith.constant 3 : i32
        %add3A_104 = arith.addi %add3A_91, %add3A_103 : i32
        %sub3A = arith.constant 1 : i32
        %sub3A_105 = arith.subi %add3A_104, %sub3A : i32
        %lt3A_106 = arith.constant 10 : i32
        %lt3A_107 = arith.cmpi slt, %sub3A_105, %lt3A_106 : i32
        %convert_element_type3A_108 = arith.extui %lt3A_107 : i1 to i32
        %cond3A_109 = arith.constant 0 : i32
        %cond3A_110 = arith.cmpi ne, %convert_element_type3A_108, %cond3A_109 : i32
        scf.if %cond3A_110 {
          %ge3A = arith.constant 1 : i32
          %ge3A_117 = arith.cmpi sge, %add3A_91, %ge3A : i32
          %convert_element_type3A_118 = arith.extui %ge3A_117 : i1 to i32
          %cond3A_119 = arith.constant 0 : i32
          %cond3A_120 = arith.cmpi ne, %convert_element_type3A_118, %cond3A_119 : i32
          scf.if %cond3A_120 {
            %dma_wait3A_131 = arith.constant 0 : i32
            %dma_wait3A_132 = arith.constant 0 : i32
            %dma_wait3A_133 = tpu.memref_slice %arg2[%dma_wait3A_131, %dma_wait3A_132] : memref<10000x32xf32, #tpu.memory_space<hbm>> -> memref<500x32xf32, #tpu.memory_space<hbm>>
            %dma_wait3A_134 = arith.constant 0 : i32
            %dma_wait3A_135 = arith.constant 0 : i32
            %dma_wait3A_136 = tpu.memref_slice %arg2[%dma_wait3A_134, %dma_wait3A_135] : memref<10000x32xf32, #tpu.memory_space<hbm>> -> memref<500x32xf32, #tpu.memory_space<hbm>>
            tpu.wait_dma2 semaphore(%arg17 : memref<!tpu.dma_semaphore, #tpu.memory_space<semaphore_mem>>) src(%dma_wait3A_136 : memref<500x32xf32, #tpu.memory_space<hbm>>) dst(%arg9 : memref<500x32xf32, #tpu.memory_space<vmem>>)
          } else {
          }
          %add3A_121 = arith.constant 3 : i32
          %add3A_122 = arith.addi %add3A_91, %add3A_121 : i32
          %sub3A_123 = arith.constant 1 : i32
          %sub3A_124 = arith.subi %add3A_122, %sub3A_123 : i32
          %dma_start3A_125 = arith.constant 0 : i32
          %dma_start3A_126 = tpu.memref_slice %arg6[%sub3A_124, %dma_start3A_125] : memref<10x500xi32, #tpu.memory_space<vmem>> -> memref<1x500xi32, #tpu.memory_space<vmem>>
          %dma_start3A_127 = tpu.memref_squeeze %dma_start3A_126 : memref<1x500xi32, #tpu.memory_space<vmem>> -> memref<500xi32, #tpu.memory_space<vmem>>
          %dma_start3A_128 = arith.constant 0 : i32
          %dma_start3A_129 = arith.constant 0 : i32
          %dma_start3A_130 = tpu.memref_slice %arg2[%dma_start3A_128, %dma_start3A_129] : memref<10000x32xf32, #tpu.memory_space<hbm>> -> memref<10000x32xf32, #tpu.memory_space<hbm>>
          tpu.enqueue_indirect_dma source(%dma_start3A_130 : memref<10000x32xf32, #tpu.memory_space<hbm>>) target(%arg9 : memref<500x32xf32, #tpu.memory_space<vmem>>) offsets(%dma_start3A_127 : memref<500xi32, #tpu.memory_space<vmem>>) semaphore(%arg14 : memref<!tpu.dma_semaphore, #tpu.memory_space<semaphore_mem>>)
        } else {
        }
        %dma_start3A_111 = arith.constant 0 : i32
        %dma_start3A_112 = tpu.memref_slice %arg7[%add3A_91, %dma_start3A_111] : memref<10x500xi32, #tpu.memory_space<vmem>> -> memref<1x500xi32, #tpu.memory_space<vmem>>
        %dma_start3A_113 = tpu.memref_squeeze %dma_start3A_112 : memref<1x500xi32, #tpu.memory_space<vmem>> -> memref<500xi32, #tpu.memory_space<vmem>>
        %dma_start3A_114 = arith.constant 0 : i32
        %dma_start3A_115 = arith.constant 0 : i32
        %dma_start3A_116 = tpu.memref_slice %arg12[%dma_start3A_114, %dma_start3A_115] : memref<10240x32xf32, #tpu.memory_space<vmem_shared>> -> memref<10240x32xf32, #tpu.memory_space<vmem_shared>>
        tpu.enqueue_indirect_dma source(%arg10 : memref<500x32xf32, #tpu.memory_space<vmem>>) target(%dma_start3A_116 : memref<10240x32xf32, #tpu.memory_space<vmem_shared>>) offsets(%dma_start3A_113 : memref<500xi32, #tpu.memory_space<vmem>>) semaphore(%arg18 : memref<!tpu.dma_semaphore, #tpu.memory_space<semaphore_mem>>) {add = true}
      } else {
      }
    }
    %scan3A_46 = arith.constant 4 : i32
    %dma_wait3A = arith.constant 0 : i32
    %dma_wait3A_47 = arith.constant 0 : i32
    %dma_wait3A_48 = tpu.memref_slice %arg2[%dma_wait3A, %dma_wait3A_47] : memref<10000x32xf32, #tpu.memory_space<hbm>> -> memref<500x32xf32, #tpu.memory_space<hbm>>
    %dma_wait3A_49 = arith.constant 0 : i32
    %dma_wait3A_50 = arith.constant 0 : i32
    %dma_wait3A_51 = tpu.memref_slice %arg2[%dma_wait3A_49, %dma_wait3A_50] : memref<10000x32xf32, #tpu.memory_space<hbm>> -> memref<500x32xf32, #tpu.memory_space<hbm>>
    tpu.wait_dma2 semaphore(%arg17 : memref<!tpu.dma_semaphore, #tpu.memory_space<semaphore_mem>>) src(%dma_wait3A_51 : memref<500x32xf32, #tpu.memory_space<hbm>>) dst(%arg9 : memref<500x32xf32, #tpu.memory_space<vmem>>)
    %dma_wait3A_52 = arith.constant 0 : i32
    %dma_wait3A_53 = arith.constant 0 : i32
    %dma_wait3A_54 = tpu.memref_slice %arg2[%dma_wait3A_52, %dma_wait3A_53] : memref<10000x32xf32, #tpu.memory_space<hbm>> -> memref<500x32xf32, #tpu.memory_space<hbm>>
    %dma_wait3A_55 = arith.constant 0 : i32
    %dma_wait3A_56 = arith.constant 0 : i32
    %dma_wait3A_57 = tpu.memref_slice %arg2[%dma_wait3A_55, %dma_wait3A_56] : memref<10000x32xf32, #tpu.memory_space<hbm>> -> memref<500x32xf32, #tpu.memory_space<hbm>>
    tpu.wait_dma2 semaphore(%arg18 : memref<!tpu.dma_semaphore, #tpu.memory_space<semaphore_mem>>) src(%dma_wait3A_57 : memref<500x32xf32, #tpu.memory_space<hbm>>) dst(%arg10 : memref<500x32xf32, #tpu.memory_space<vmem>>)
    %dma_wait3A_58 = arith.constant 0 : i32
    %dma_wait3A_59 = arith.constant 0 : i32
    %dma_wait3A_60 = tpu.memref_slice %arg2[%dma_wait3A_58, %dma_wait3A_59] : memref<10000x32xf32, #tpu.memory_space<hbm>> -> memref<500x32xf32, #tpu.memory_space<hbm>>
    %dma_wait3A_61 = arith.constant 0 : i32
    %dma_wait3A_62 = arith.constant 0 : i32
    %dma_wait3A_63 = tpu.memref_slice %arg2[%dma_wait3A_61, %dma_wait3A_62] : memref<10000x32xf32, #tpu.memory_space<hbm>> -> memref<500x32xf32, #tpu.memory_space<hbm>>
    tpu.wait_dma2 semaphore(%arg16 : memref<!tpu.dma_semaphore, #tpu.memory_space<semaphore_mem>>) src(%dma_wait3A_63 : memref<500x32xf32, #tpu.memory_space<hbm>>) dst(%arg8 : memref<500x32xf32, #tpu.memory_space<vmem>>)
    %barrier3A_64 = arith.constant 0 : index
    tpu.barrier barrier_id(%barrier3A_64)
    %mul3A_65 = arith.constant 640 : i32
    %mul3A_66 = arith.muli %arg1, %mul3A_65 : i32
    %mul3A_67 = arith.constant 10240 : i32
    %mul3A_68 = arith.muli %arg0, %mul3A_67 : i32
    %mul3A_69 = arith.constant 640 : i32
    %mul3A_70 = arith.muli %arg1, %mul3A_69 : i32
    %add3A_71 = arith.addi %mul3A_68, %mul3A_70 : i32
    "tpu.region"() ({
      %run_scoped3A = tpu.sem_alloc : memref<!tpu.dma_semaphore, #tpu.memory_space<semaphore_mem>>
      %dma_start3A_72 = arith.constant 0 : i32
      %dma_start3A_73 = tpu.memref_slice %arg5[%add3A_71, %dma_start3A_72] : memref<20480x32xf32, #tpu.memory_space<hbm>> -> memref<640x32xf32, #tpu.memory_space<hbm>>
      %dma_start3A_74 = arith.constant 0 : i32
      %dma_start3A_75 = tpu.memref_slice %arg12[%mul3A_66, %dma_start3A_74] : memref<10240x32xf32, #tpu.memory_space<vmem_shared>> -> memref<640x32xf32, #tpu.memory_space<vmem_shared>>
      tpu.enqueue_dma source(%dma_start3A_75 : memref<640x32xf32, #tpu.memory_space<vmem_shared>>) target(%dma_start3A_73 : memref<640x32xf32, #tpu.memory_space<hbm>>) target_semaphore(%run_scoped3A : memref<!tpu.dma_semaphore, #tpu.memory_space<semaphore_mem>>)
      %dma_wait3A_76 = arith.constant 0 : i32
      %dma_wait3A_77 = tpu.memref_slice %arg5[%add3A_71, %dma_wait3A_76] : memref<20480x32xf32, #tpu.memory_space<hbm>> -> memref<640x32xf32, #tpu.memory_space<hbm>>
      %dma_wait3A_78 = arith.constant 0 : i32
      %dma_wait3A_79 = tpu.memref_slice %arg12[%mul3A_66, %dma_wait3A_78] : memref<10240x32xf32, #tpu.memory_space<vmem_shared>> -> memref<640x32xf32, #tpu.memory_space<vmem_shared>>
      tpu.wait_dma2 semaphore(%run_scoped3A : memref<!tpu.dma_semaphore, #tpu.memory_space<semaphore_mem>>) src(%dma_wait3A_79 : memref<640x32xf32, #tpu.memory_space<vmem_shared>>) dst(%dma_wait3A_77 : memref<640x32xf32, #tpu.memory_space<hbm>>)
      tpu.yield
    }) : () -> ()
    return
  }
}

module attributes {stable_mosaic.version = 14 : i64} {
  func.func @_prep_body(%arg0: i32, %arg1: memref<1024x16xf32, #tpu.memory_space<vmem>>, %arg2: memref<1024x16xf32, #tpu.memory_space<vmem>>, %arg3: memref<1024x16xf32, #tpu.memory_space<vmem>>, %arg4: memref<16x32xf32, #tpu.memory_space<vmem>>, %arg5: memref<1024x1xf32, #tpu.memory_space<vmem>>, %arg6: memref<1024x32xf32, #tpu.memory_space<vmem>>) attributes {dimension_semantics = [#tpu.dimension_semantics<arbitrary>], iteration_bounds = array<i64: 10>, scalar_prefetch = 0 : i64, scratch_operands = 0 : i64, tpu.core_type = #tpu.core_type<tc>, window_params = [{transform_indices = @transform_0, window_bounds = array<i64: 1024, 16>}, {transform_indices = @transform_1, window_bounds = array<i64: 1024, 16>}, {transform_indices = @transform_2, window_bounds = array<i64: 1024, 16>}, {pipeline_mode = #tpu.pipeline_mode<synchronous>, transform_indices = @transform_3, window_bounds = array<i64: 16, 32>}, {transform_indices = @transform_4, window_bounds = array<i64: 1024, 1>}, {transform_indices = @transform_5, window_bounds = array<i64: 1024, 32>}]} {
    %get3A = arith.constant 0 : index
    %get3A_0 = arith.constant 0 : index
    %get3A_1 = vector.load %arg1[%get3A, %get3A_0] : memref<1024x16xf32, #tpu.memory_space<vmem>>, vector<1024x1xf32>
    %get3A_2 = arith.constant 0 : index
    %get3A_3 = arith.constant 0 : index
    %get3A_4 = vector.load %arg2[%get3A_2, %get3A_3] : memref<1024x16xf32, #tpu.memory_space<vmem>>, vector<1024x1xf32>
    %add3A = arith.addf %get3A_1, %get3A_4 : vector<1024x1xf32>
    %gt3A = arith.constant 0.000000e+00 : f32
    %gt3A_5 = vector.broadcast %gt3A : f32 to vector<1024x1xf32>
    %gt3A_6 = arith.cmpf ogt, %add3A, %gt3A_5 : vector<1024x1xf32>
    %rsqrt3A = math.rsqrt %add3A : vector<1024x1xf32>
    %jit3A = arith.constant 0.000000e+00 : f32
    %broadcast_in_dim3A = vector.broadcast %jit3A : f32 to vector<1024x1xf32>
    %select_n3A = arith.select %gt3A_6, %rsqrt3A, %broadcast_in_dim3A : vector<1024x1xi1>, vector<1024x1xf32>
    %swap3A = arith.constant 0 : index
    %swap3A_7 = arith.constant 0 : index
    %swap3A_8 = vector.load %arg5[%swap3A, %swap3A_7] : memref<1024x1xf32, #tpu.memory_space<vmem>>, vector<1024x1xf32>
    tpu.vector_store %arg5[%swap3A, %swap3A_7], %select_n3A {strides = array<i32>} : memref<1024x1xf32, #tpu.memory_space<vmem>>, vector<1024x1xf32>,
    %get3A_9 = arith.constant 0 : index
    %get3A_10 = arith.constant 0 : index
    %get3A_11 = vector.load %arg3[%get3A_9, %get3A_10] : memref<1024x16xf32, #tpu.memory_space<vmem>>, vector<1024x16xf32>
    %get3A_12 = arith.constant 0 : index
    %get3A_13 = arith.constant 0 : index
    %get3A_14 = vector.load %arg4[%get3A_12, %get3A_13] : memref<16x32xf32, #tpu.memory_space<vmem>>, vector<16x32xf32>
    %dot_general3A = arith.constant dense<0.000000e+00> : vector<1024x32xf32>
    %dot_general3A_15 = tpu.matmul %get3A_11, %get3A_14, %dot_general3A {dimension_numbers = #tpu.dot_dimension_numbers<[1], [0], [0], [1], [0, 0, 1, 1], [], []>, transpose_lhs_hint = false} : vector<1024x16xf32>, vector<16x32xf32>, vector<1024x32xf32> -> vector<1024x32xf32>
    %mul3A = vector.broadcast %select_n3A : vector<1024x1xf32> to vector<1024x32xf32>
    %mul3A_16 = arith.mulf %mul3A, %dot_general3A_15 : vector<1024x32xf32>
    %swap3A_17 = arith.constant 0 : index
    %swap3A_18 = arith.constant 0 : index
    %swap3A_19 = vector.load %arg6[%swap3A_17, %swap3A_18] : memref<1024x32xf32, #tpu.memory_space<vmem>>, vector<1024x32xf32>
    tpu.vector_store %arg6[%swap3A_17, %swap3A_18], %mul3A_16 {strides = array<i32>} : memref<1024x32xf32, #tpu.memory_space<vmem>>, vector<1024x32xf32>,
    return
  }
  func.func @transform_0(%arg0: i32) -> (i32, i32) {
    %c0_i32 = arith.constant 0 : i32
    %c0_i32_0 = arith.constant 0 : i32
    return %arg0, %c0_i32 : i32, i32
  }
  func.func @transform_1(%arg0: i32) -> (i32, i32) {
    %add3A = arith.constant 10 : i32
    %add3A_0 = arith.addi %arg0, %add3A : i32
    %c0_i32 = arith.constant 0 : i32
    %c0_i32_1 = arith.constant 0 : i32
    return %add3A_0, %c0_i32 : i32, i32
  }
  func.func @transform_2(%arg0: i32) -> (i32, i32) {
    %c0_i32 = arith.constant 0 : i32
    %c0_i32_0 = arith.constant 0 : i32
    return %arg0, %c0_i32 : i32, i32
  }
  func.func @transform_3(%arg0: i32) -> (i32, i32) {
    %c0_i32 = arith.constant 0 : i32
    %c0_i32_0 = arith.constant 0 : i32
    %c0_i32_1 = arith.constant 0 : i32
    return %c0_i32, %c0_i32_0 : i32, i32
  }
  func.func @transform_4(%arg0: i32) -> (i32, i32) {
    %c0_i32 = arith.constant 0 : i32
    %c0_i32_0 = arith.constant 0 : i32
    return %arg0, %c0_i32 : i32, i32
  }
  func.func @transform_5(%arg0: i32) -> (i32, i32) {
    %c0_i32 = arith.constant 0 : i32
    %c0_i32_0 = arith.constant 0 : i32
    return %arg0, %c0_i32 : i32, i32
  }
}

module attributes {stable_mosaic.version = 14 : i64} {
  func.func @_mid_body(%arg0: i32, %arg1: memref<1024x32xf32, #tpu.memory_space<vmem>>, %arg2: memref<1024x32xf32, #tpu.memory_space<vmem>>, %arg3: memref<1024x1xf32, #tpu.memory_space<vmem>>, %arg4: memref<1x32xf32, #tpu.memory_space<vmem>>, %arg5: memref<32x32xf32, #tpu.memory_space<vmem>>, %arg6: memref<1024x32xf32, #tpu.memory_space<vmem>>) attributes {dimension_semantics = [#tpu.dimension_semantics<arbitrary>], iteration_bounds = array<i64: 10>, scalar_prefetch = 0 : i64, scratch_operands = 0 : i64, tpu.core_type = #tpu.core_type<tc>, window_params = [{transform_indices = @transform_0, window_bounds = array<i64: 1024, 32>}, {transform_indices = @transform_1, window_bounds = array<i64: 1024, 32>}, {transform_indices = @transform_2, window_bounds = array<i64: 1024, 1>}, {pipeline_mode = #tpu.pipeline_mode<synchronous>, transform_indices = @transform_3, window_bounds = array<i64: 1, 32>}, {pipeline_mode = #tpu.pipeline_mode<synchronous>, transform_indices = @transform_4, window_bounds = array<i64: 32, 32>}, {transform_indices = @transform_5, window_bounds = array<i64: 1024, 32>}]} {
    %get3A = arith.constant 0 : index
    %get3A_0 = arith.constant 0 : index
    %get3A_1 = vector.load %arg3[%get3A, %get3A_0] : memref<1024x1xf32, #tpu.memory_space<vmem>>, vector<1024x1xf32>
    %get3A_2 = arith.constant 0 : index
    %get3A_3 = arith.constant 0 : index
    %get3A_4 = vector.load %arg1[%get3A_2, %get3A_3] : memref<1024x32xf32, #tpu.memory_space<vmem>>, vector<1024x32xf32>
    %get3A_5 = arith.constant 0 : index
    %get3A_6 = arith.constant 0 : index
    %get3A_7 = vector.load %arg2[%get3A_5, %get3A_6] : memref<1024x32xf32, #tpu.memory_space<vmem>>, vector<1024x32xf32>
    %add3A = arith.addf %get3A_4, %get3A_7 : vector<1024x32xf32>
    %mul3A = vector.broadcast %get3A_1 : vector<1024x1xf32> to vector<1024x32xf32>
    %mul3A_8 = arith.mulf %mul3A, %add3A : vector<1024x32xf32>
    %get3A_9 = arith.constant 0 : index
    %get3A_10 = arith.constant 0 : index
    %get3A_11 = vector.load %arg4[%get3A_9, %get3A_10] : memref<1x32xf32, #tpu.memory_space<vmem>>, vector<1x32xf32>
    %add3A_12 = vector.broadcast %get3A_11 : vector<1x32xf32> to vector<1024x32xf32>
    %add3A_13 = arith.addf %mul3A_8, %add3A_12 : vector<1024x32xf32>
    %ge3A = arith.constant 0.000000e+00 : f32
    %ge3A_14 = vector.broadcast %ge3A : f32 to vector<1024x32xf32>
    %ge3A_15 = arith.cmpf oge, %add3A_13, %ge3A_14 : vector<1024x32xf32>
    %mul3A_16 = arith.constant 1.000000e-01 : f32
    %mul3A_17 = vector.broadcast %mul3A_16 : f32 to vector<1024x32xf32>
    %mul3A_18 = arith.mulf %mul3A_17, %add3A_13 : vector<1024x32xf32>
    %select_n3A = arith.select %ge3A_15, %add3A_13, %mul3A_18 : vector<1024x32xi1>, vector<1024x32xf32>
    %get3A_19 = arith.constant 0 : index
    %get3A_20 = arith.constant 0 : index
    %get3A_21 = vector.load %arg3[%get3A_19, %get3A_20] : memref<1024x1xf32, #tpu.memory_space<vmem>>, vector<1024x1xf32>
    %get3A_22 = arith.constant 0 : index
    %get3A_23 = arith.constant 0 : index
    %get3A_24 = vector.load %arg5[%get3A_22, %get3A_23] : memref<32x32xf32, #tpu.memory_space<vmem>>, vector<32x32xf32>
    %dot_general3A = arith.constant dense<0.000000e+00> : vector<1024x32xf32>
    %dot_general3A_25 = tpu.matmul %select_n3A, %get3A_24, %dot_general3A {dimension_numbers = #tpu.dot_dimension_numbers<[1], [0], [0], [1], [0, 0, 1, 1], [], []>, transpose_lhs_hint = false} : vector<1024x32xf32>, vector<32x32xf32>, vector<1024x32xf32> -> vector<1024x32xf32>
    %mul3A_26 = vector.broadcast %get3A_21 : vector<1024x1xf32> to vector<1024x32xf32>
    %mul3A_27 = arith.mulf %mul3A_26, %dot_general3A_25 : vector<1024x32xf32>
    %swap3A = arith.constant 0 : index
    %swap3A_28 = arith.constant 0 : index
    %swap3A_29 = vector.load %arg6[%swap3A, %swap3A_28] : memref<1024x32xf32, #tpu.memory_space<vmem>>, vector<1024x32xf32>
    tpu.vector_store %arg6[%swap3A, %swap3A_28], %mul3A_27 {strides = array<i32>} : memref<1024x32xf32, #tpu.memory_space<vmem>>, vector<1024x32xf32>,
    return
  }
  func.func @transform_0(%arg0: i32) -> (i32, i32) {
    %c0_i32 = arith.constant 0 : i32
    %c0_i32_0 = arith.constant 0 : i32
    return %arg0, %c0_i32 : i32, i32
  }
  func.func @transform_1(%arg0: i32) -> (i32, i32) {
    %add3A = arith.constant 10 : i32
    %add3A_0 = arith.addi %arg0, %add3A : i32
    %c0_i32 = arith.constant 0 : i32
    %c0_i32_1 = arith.constant 0 : i32
    return %add3A_0, %c0_i32 : i32, i32
  }
  func.func @transform_2(%arg0: i32) -> (i32, i32) {
    %c0_i32 = arith.constant 0 : i32
    %c0_i32_0 = arith.constant 0 : i32
    return %arg0, %c0_i32 : i32, i32
  }
  func.func @transform_3(%arg0: i32) -> (i32, i32) {
    %c0_i32 = arith.constant 0 : i32
    %c0_i32_0 = arith.constant 0 : i32
    %c0_i32_1 = arith.constant 0 : i32
    return %c0_i32, %c0_i32_0 : i32, i32
  }
  func.func @transform_4(%arg0: i32) -> (i32, i32) {
    %c0_i32 = arith.constant 0 : i32
    %c0_i32_0 = arith.constant 0 : i32
    %c0_i32_1 = arith.constant 0 : i32
    return %c0_i32, %c0_i32_0 : i32, i32
  }
  func.func @transform_5(%arg0: i32) -> (i32, i32) {
    %c0_i32 = arith.constant 0 : i32
    %c0_i32_0 = arith.constant 0 : i32
    return %arg0, %c0_i32 : i32, i32
  }
}

module attributes {stable_mosaic.version = 14 : i64} {
  func.func @_mid_body(%arg0: i32, %arg1: memref<1024x32xf32, #tpu.memory_space<vmem>>, %arg2: memref<1024x32xf32, #tpu.memory_space<vmem>>, %arg3: memref<1024x1xf32, #tpu.memory_space<vmem>>, %arg4: memref<1x32xf32, #tpu.memory_space<vmem>>, %arg5: memref<32x64xf32, #tpu.memory_space<vmem>>, %arg6: memref<1024x64xf32, #tpu.memory_space<vmem>>) attributes {dimension_semantics = [#tpu.dimension_semantics<arbitrary>], iteration_bounds = array<i64: 10>, scalar_prefetch = 0 : i64, scratch_operands = 0 : i64, tpu.core_type = #tpu.core_type<tc>, window_params = [{transform_indices = @transform_0, window_bounds = array<i64: 1024, 32>}, {transform_indices = @transform_1, window_bounds = array<i64: 1024, 32>}, {transform_indices = @transform_2, window_bounds = array<i64: 1024, 1>}, {pipeline_mode = #tpu.pipeline_mode<synchronous>, transform_indices = @transform_3, window_bounds = array<i64: 1, 32>}, {pipeline_mode = #tpu.pipeline_mode<synchronous>, transform_indices = @transform_4, window_bounds = array<i64: 32, 64>}, {transform_indices = @transform_5, window_bounds = array<i64: 1024, 64>}]} {
    %get3A = arith.constant 0 : index
    %get3A_0 = arith.constant 0 : index
    %get3A_1 = vector.load %arg3[%get3A, %get3A_0] : memref<1024x1xf32, #tpu.memory_space<vmem>>, vector<1024x1xf32>
    %get3A_2 = arith.constant 0 : index
    %get3A_3 = arith.constant 0 : index
    %get3A_4 = vector.load %arg1[%get3A_2, %get3A_3] : memref<1024x32xf32, #tpu.memory_space<vmem>>, vector<1024x32xf32>
    %get3A_5 = arith.constant 0 : index
    %get3A_6 = arith.constant 0 : index
    %get3A_7 = vector.load %arg2[%get3A_5, %get3A_6] : memref<1024x32xf32, #tpu.memory_space<vmem>>, vector<1024x32xf32>
    %add3A = arith.addf %get3A_4, %get3A_7 : vector<1024x32xf32>
    %mul3A = vector.broadcast %get3A_1 : vector<1024x1xf32> to vector<1024x32xf32>
    %mul3A_8 = arith.mulf %mul3A, %add3A : vector<1024x32xf32>
    %get3A_9 = arith.constant 0 : index
    %get3A_10 = arith.constant 0 : index
    %get3A_11 = vector.load %arg4[%get3A_9, %get3A_10] : memref<1x32xf32, #tpu.memory_space<vmem>>, vector<1x32xf32>
    %add3A_12 = vector.broadcast %get3A_11 : vector<1x32xf32> to vector<1024x32xf32>
    %add3A_13 = arith.addf %mul3A_8, %add3A_12 : vector<1024x32xf32>
    %ge3A = arith.constant 0.000000e+00 : f32
    %ge3A_14 = vector.broadcast %ge3A : f32 to vector<1024x32xf32>
    %ge3A_15 = arith.cmpf oge, %add3A_13, %ge3A_14 : vector<1024x32xf32>
    %mul3A_16 = arith.constant 1.000000e-01 : f32
    %mul3A_17 = vector.broadcast %mul3A_16 : f32 to vector<1024x32xf32>
    %mul3A_18 = arith.mulf %mul3A_17, %add3A_13 : vector<1024x32xf32>
    %select_n3A = arith.select %ge3A_15, %add3A_13, %mul3A_18 : vector<1024x32xi1>, vector<1024x32xf32>
    %get3A_19 = arith.constant 0 : index
    %get3A_20 = arith.constant 0 : index
    %get3A_21 = vector.load %arg3[%get3A_19, %get3A_20] : memref<1024x1xf32, #tpu.memory_space<vmem>>, vector<1024x1xf32>
    %get3A_22 = arith.constant 0 : index
    %get3A_23 = arith.constant 0 : index
    %get3A_24 = vector.load %arg5[%get3A_22, %get3A_23] : memref<32x64xf32, #tpu.memory_space<vmem>>, vector<32x64xf32>
    %dot_general3A = arith.constant dense<0.000000e+00> : vector<1024x64xf32>
    %dot_general3A_25 = tpu.matmul %select_n3A, %get3A_24, %dot_general3A {dimension_numbers = #tpu.dot_dimension_numbers<[1], [0], [0], [1], [0, 0, 1, 1], [], []>, transpose_lhs_hint = false} : vector<1024x32xf32>, vector<32x64xf32>, vector<1024x64xf32> -> vector<1024x64xf32>
    %mul3A_26 = vector.broadcast %get3A_21 : vector<1024x1xf32> to vector<1024x64xf32>
    %mul3A_27 = arith.mulf %mul3A_26, %dot_general3A_25 : vector<1024x64xf32>
    %swap3A = arith.constant 0 : index
    %swap3A_28 = arith.constant 0 : index
    %swap3A_29 = vector.load %arg6[%swap3A, %swap3A_28] : memref<1024x64xf32, #tpu.memory_space<vmem>>, vector<1024x64xf32>
    tpu.vector_store %arg6[%swap3A, %swap3A_28], %mul3A_27 {strides = array<i32>} : memref<1024x64xf32, #tpu.memory_space<vmem>>, vector<1024x64xf32>,
    return
  }
  func.func @transform_0(%arg0: i32) -> (i32, i32) {
    %c0_i32 = arith.constant 0 : i32
    %c0_i32_0 = arith.constant 0 : i32
    return %arg0, %c0_i32 : i32, i32
  }
  func.func @transform_1(%arg0: i32) -> (i32, i32) {
    %add3A = arith.constant 10 : i32
    %add3A_0 = arith.addi %arg0, %add3A : i32
    %c0_i32 = arith.constant 0 : i32
    %c0_i32_1 = arith.constant 0 : i32
    return %add3A_0, %c0_i32 : i32, i32
  }
  func.func @transform_2(%arg0: i32) -> (i32, i32) {
    %c0_i32 = arith.constant 0 : i32
    %c0_i32_0 = arith.constant 0 : i32
    return %arg0, %c0_i32 : i32, i32
  }
  func.func @transform_3(%arg0: i32) -> (i32, i32) {
    %c0_i32 = arith.constant 0 : i32
    %c0_i32_0 = arith.constant 0 : i32
    %c0_i32_1 = arith.constant 0 : i32
    return %c0_i32, %c0_i32_0 : i32, i32
  }
  func.func @transform_4(%arg0: i32) -> (i32, i32) {
    %c0_i32 = arith.constant 0 : i32
    %c0_i32_0 = arith.constant 0 : i32
    %c0_i32_1 = arith.constant 0 : i32
    return %c0_i32, %c0_i32_0 : i32, i32
  }
  func.func @transform_5(%arg0: i32) -> (i32, i32) {
    %c0_i32 = arith.constant 0 : i32
    %c0_i32_0 = arith.constant 0 : i32
    return %arg0, %c0_i32 : i32, i32
  }
}

module attributes {stable_mosaic.version = 14 : i64} {
  func.func @_final_body(%arg0: i32, %arg1: memref<1024x64xf32, #tpu.memory_space<vmem>>, %arg2: memref<1024x64xf32, #tpu.memory_space<vmem>>, %arg3: memref<1024x1xf32, #tpu.memory_space<vmem>>, %arg4: memref<1x64xf32, #tpu.memory_space<vmem>>, %arg5: memref<64x64xf32, #tpu.memory_space<vmem>>, %arg6: memref<1x64xf32, #tpu.memory_space<vmem>>, %arg7: memref<64x64xf32, #tpu.memory_space<vmem>>, %arg8: memref<1x64xf32, #tpu.memory_space<vmem>>, %arg9: memref<64x4xf32, #tpu.memory_space<vmem>>, %arg10: memref<1x4xf32, #tpu.memory_space<vmem>>, %arg11: memref<1024x64xf32, #tpu.memory_space<vmem>>, %arg12: memref<1024x4xf32, #tpu.memory_space<vmem>>) attributes {dimension_semantics = [#tpu.dimension_semantics<arbitrary>], iteration_bounds = array<i64: 10>, scalar_prefetch = 0 : i64, scratch_operands = 0 : i64, tpu.core_type = #tpu.core_type<tc>, window_params = [{transform_indices = @transform_0, window_bounds = array<i64: 1024, 64>}, {transform_indices = @transform_1, window_bounds = array<i64: 1024, 64>}, {transform_indices = @transform_2, window_bounds = array<i64: 1024, 1>}, {pipeline_mode = #tpu.pipeline_mode<synchronous>, transform_indices = @transform_3, window_bounds = array<i64: 1, 64>}, {pipeline_mode = #tpu.pipeline_mode<synchronous>, transform_indices = @transform_4, window_bounds = array<i64: 64, 64>}, {pipeline_mode = #tpu.pipeline_mode<synchronous>, transform_indices = @transform_5, window_bounds = array<i64: 1, 64>}, {pipeline_mode = #tpu.pipeline_mode<synchronous>, transform_indices = @transform_6, window_bounds = array<i64: 64, 64>}, {pipeline_mode = #tpu.pipeline_mode<synchronous>, transform_indices = @transform_7, window_bounds = array<i64: 1, 64>}, {pipeline_mode = #tpu.pipeline_mode<synchronous>, transform_indices = @transform_8, window_bounds = array<i64: 64, 4>}, {pipeline_mode = #tpu.pipeline_mode<synchronous>, transform_indices = @transform_9, window_bounds = array<i64: 1, 4>}, {transform_indices = @transform_10, window_bounds = array<i64: 1024, 64>}, {transform_indices = @transform_11, window_bounds = array<i64: 1024, 4>}]} {
    %get3A = arith.constant 0 : index
    %get3A_0 = arith.constant 0 : index
    %get3A_1 = vector.load %arg3[%get3A, %get3A_0] : memref<1024x1xf32, #tpu.memory_space<vmem>>, vector<1024x1xf32>
    %get3A_2 = arith.constant 0 : index
    %get3A_3 = arith.constant 0 : index
    %get3A_4 = vector.load %arg1[%get3A_2, %get3A_3] : memref<1024x64xf32, #tpu.memory_space<vmem>>, vector<1024x64xf32>
    %get3A_5 = arith.constant 0 : index
    %get3A_6 = arith.constant 0 : index
    %get3A_7 = vector.load %arg2[%get3A_5, %get3A_6] : memref<1024x64xf32, #tpu.memory_space<vmem>>, vector<1024x64xf32>
    %add3A = arith.addf %get3A_4, %get3A_7 : vector<1024x64xf32>
    %mul3A = vector.broadcast %get3A_1 : vector<1024x1xf32> to vector<1024x64xf32>
    %mul3A_8 = arith.mulf %mul3A, %add3A : vector<1024x64xf32>
    %get3A_9 = arith.constant 0 : index
    %get3A_10 = arith.constant 0 : index
    %get3A_11 = vector.load %arg4[%get3A_9, %get3A_10] : memref<1x64xf32, #tpu.memory_space<vmem>>, vector<1x64xf32>
    %add3A_12 = vector.broadcast %get3A_11 : vector<1x64xf32> to vector<1024x64xf32>
    %add3A_13 = arith.addf %mul3A_8, %add3A_12 : vector<1024x64xf32>
    %swap3A = arith.constant 0 : index
    %swap3A_14 = arith.constant 0 : index
    %swap3A_15 = vector.load %arg11[%swap3A, %swap3A_14] : memref<1024x64xf32, #tpu.memory_space<vmem>>, vector<1024x64xf32>
    tpu.vector_store %arg11[%swap3A, %swap3A_14], %add3A_13 {strides = array<i32>} : memref<1024x64xf32, #tpu.memory_space<vmem>>, vector<1024x64xf32>,
    %get3A_16 = arith.constant 0 : index
    %get3A_17 = arith.constant 0 : index
    %get3A_18 = vector.load %arg5[%get3A_16, %get3A_17] : memref<64x64xf32, #tpu.memory_space<vmem>>, vector<64x64xf32>
    %dot_general3A = arith.constant dense<0.000000e+00> : vector<1024x64xf32>
    %dot_general3A_19 = tpu.matmul %add3A_13, %get3A_18, %dot_general3A {dimension_numbers = #tpu.dot_dimension_numbers<[1], [0], [0], [1], [0, 0, 1, 1], [], []>, transpose_lhs_hint = false} : vector<1024x64xf32>, vector<64x64xf32>, vector<1024x64xf32> -> vector<1024x64xf32>
    %get3A_20 = arith.constant 0 : index
    %get3A_21 = arith.constant 0 : index
    %get3A_22 = vector.load %arg6[%get3A_20, %get3A_21] : memref<1x64xf32, #tpu.memory_space<vmem>>, vector<1x64xf32>
    %add3A_23 = vector.broadcast %get3A_22 : vector<1x64xf32> to vector<1024x64xf32>
    %add3A_24 = arith.addf %dot_general3A_19, %add3A_23 : vector<1024x64xf32>
    %ge3A = arith.constant 0.000000e+00 : f32
    %ge3A_25 = vector.broadcast %ge3A : f32 to vector<1024x64xf32>
    %ge3A_26 = arith.cmpf oge, %add3A_24, %ge3A_25 : vector<1024x64xf32>
    %mul3A_27 = arith.constant 1.000000e-01 : f32
    %mul3A_28 = vector.broadcast %mul3A_27 : f32 to vector<1024x64xf32>
    %mul3A_29 = arith.mulf %mul3A_28, %add3A_24 : vector<1024x64xf32>
    %select_n3A = arith.select %ge3A_26, %add3A_24, %mul3A_29 : vector<1024x64xi1>, vector<1024x64xf32>
    %get3A_30 = arith.constant 0 : index
    %get3A_31 = arith.constant 0 : index
    %get3A_32 = vector.load %arg7[%get3A_30, %get3A_31] : memref<64x64xf32, #tpu.memory_space<vmem>>, vector<64x64xf32>
    %dot_general3A_33 = arith.constant dense<0.000000e+00> : vector<1024x64xf32>
    %dot_general3A_34 = tpu.matmul %select_n3A, %get3A_32, %dot_general3A_33 {dimension_numbers = #tpu.dot_dimension_numbers<[1], [0], [0], [1], [0, 0, 1, 1], [], []>, transpose_lhs_hint = false} : vector<1024x64xf32>, vector<64x64xf32>, vector<1024x64xf32> -> vector<1024x64xf32>
    %get3A_35 = arith.constant 0 : index
    %get3A_36 = arith.constant 0 : index
    %get3A_37 = vector.load %arg8[%get3A_35, %get3A_36] : memref<1x64xf32, #tpu.memory_space<vmem>>, vector<1x64xf32>
    %add3A_38 = vector.broadcast %get3A_37 : vector<1x64xf32> to vector<1024x64xf32>
    %add3A_39 = arith.addf %dot_general3A_34, %add3A_38 : vector<1024x64xf32>
    %ge3A_40 = arith.constant 0.000000e+00 : f32
    %ge3A_41 = vector.broadcast %ge3A_40 : f32 to vector<1024x64xf32>
    %ge3A_42 = arith.cmpf oge, %add3A_39, %ge3A_41 : vector<1024x64xf32>
    %mul3A_43 = arith.constant 1.000000e-01 : f32
    %mul3A_44 = vector.broadcast %mul3A_43 : f32 to vector<1024x64xf32>
    %mul3A_45 = arith.mulf %mul3A_44, %add3A_39 : vector<1024x64xf32>
    %select_n3A_46 = arith.select %ge3A_42, %add3A_39, %mul3A_45 : vector<1024x64xi1>, vector<1024x64xf32>
    %get3A_47 = arith.constant 0 : index
    %get3A_48 = arith.constant 0 : index
    %get3A_49 = vector.load %arg9[%get3A_47, %get3A_48] : memref<64x4xf32, #tpu.memory_space<vmem>>, vector<64x4xf32>
    %dot_general3A_50 = arith.constant dense<0.000000e+00> : vector<1024x4xf32>
    %dot_general3A_51 = tpu.matmul %select_n3A_46, %get3A_49, %dot_general3A_50 {dimension_numbers = #tpu.dot_dimension_numbers<[1], [0], [0], [1], [0, 0, 1, 1], [], []>, transpose_lhs_hint = false} : vector<1024x64xf32>, vector<64x4xf32>, vector<1024x4xf32> -> vector<1024x4xf32>
    %get3A_52 = arith.constant 0 : index
    %get3A_53 = arith.constant 0 : index
    %get3A_54 = vector.load %arg10[%get3A_52, %get3A_53] : memref<1x4xf32, #tpu.memory_space<vmem>>, vector<1x4xf32>
    %add3A_55 = vector.broadcast %get3A_54 : vector<1x4xf32> to vector<1024x4xf32>
    %add3A_56 = arith.addf %dot_general3A_51, %add3A_55 : vector<1024x4xf32>
    %swap3A_57 = arith.constant 0 : index
    %swap3A_58 = arith.constant 0 : index
    %swap3A_59 = vector.load %arg12[%swap3A_57, %swap3A_58] : memref<1024x4xf32, #tpu.memory_space<vmem>>, vector<1024x4xf32>
    tpu.vector_store %arg12[%swap3A_57, %swap3A_58], %add3A_56 {strides = array<i32>} : memref<1024x4xf32, #tpu.memory_space<vmem>>, vector<1024x4xf32>,
    return
  }
  func.func @transform_0(%arg0: i32) -> (i32, i32) {
    %c0_i32 = arith.constant 0 : i32
    %c0_i32_0 = arith.constant 0 : i32
    return %arg0, %c0_i32 : i32, i32
  }
  func.func @transform_1(%arg0: i32) -> (i32, i32) {
    %add3A = arith.constant 10 : i32
    %add3A_0 = arith.addi %arg0, %add3A : i32
    %c0_i32 = arith.constant 0 : i32
    %c0_i32_1 = arith.constant 0 : i32
    return %add3A_0, %c0_i32 : i32, i32
  }
  func.func @transform_2(%arg0: i32) -> (i32, i32) {
    %c0_i32 = arith.constant 0 : i32
    %c0_i32_0 = arith.constant 0 : i32
    return %arg0, %c0_i32 : i32, i32
  }
  func.func @transform_3(%arg0: i32) -> (i32, i32) {
    %c0_i32 = arith.constant 0 : i32
    %c0_i32_0 = arith.constant 0 : i32
    %c0_i32_1 = arith.constant 0 : i32
    return %c0_i32, %c0_i32_0 : i32, i32
  }
  func.func @transform_4(%arg0: i32) -> (i32, i32) {
    %c0_i32 = arith.constant 0 : i32
    %c0_i32_0 = arith.constant 0 : i32
    %c0_i32_1 = arith.constant 0 : i32
    return %c0_i32, %c0_i32_0 : i32, i32
  }
  func.func @transform_5(%arg0: i32) -> (i32, i32) {
    %c0_i32 = arith.constant 0 : i32
    %c0_i32_0 = arith.constant 0 : i32
    %c0_i32_1 = arith.constant 0 : i32
    return %c0_i32, %c0_i32_0 : i32, i32
  }
  func.func @transform_6(%arg0: i32) -> (i32, i32) {
    %c0_i32 = arith.constant 0 : i32
    %c0_i32_0 = arith.constant 0 : i32
    %c0_i32_1 = arith.constant 0 : i32
    return %c0_i32, %c0_i32_0 : i32, i32
  }
  func.func @transform_7(%arg0: i32) -> (i32, i32) {
    %c0_i32 = arith.constant 0 : i32
    %c0_i32_0 = arith.constant 0 : i32
    %c0_i32_1 = arith.constant 0 : i32
    return %c0_i32, %c0_i32_0 : i32, i32
  }
  func.func @transform_8(%arg0: i32) -> (i32, i32) {
    %c0_i32 = arith.constant 0 : i32
    %c0_i32_0 = arith.constant 0 : i32
    %c0_i32_1 = arith.constant 0 : i32
    return %c0_i32, %c0_i32_0 : i32, i32
  }
  func.func @transform_9(%arg0: i32) -> (i32, i32) {
    %c0_i32 = arith.constant 0 : i32
    %c0_i32_0 = arith.constant 0 : i32
    %c0_i32_1 = arith.constant 0 : i32
    return %c0_i32, %c0_i32_0 : i32, i32
  }
  func.func @transform_10(%arg0: i32) -> (i32, i32) {
    %c0_i32 = arith.constant 0 : i32
    %c0_i32_0 = arith.constant 0 : i32
    return %arg0, %c0_i32 : i32, i32
  }
  func.func @transform_11(%arg0: i32) -> (i32, i32) {
    %c0_i32 = arith.constant 0 : i32
    %c0_i32_0 = arith.constant 0 : i32
    return %arg0, %c0_i32 : i32, i32
  }
}

module attributes {stable_mosaic.version = 14 : i64} {
  func.func @_outer_body(%arg0: i32, %arg1: memref<1x2000x1xf32, #tpu.memory_space<vmem>>, %arg2: memref<1x1x2000xf32, #tpu.memory_space<vmem>>, %arg3: memref<1x2000x2000xf32, #tpu.memory_space<vmem>>) attributes {dimension_semantics = [#tpu.dimension_semantics<arbitrary>], iteration_bounds = array<i64: 20>, scalar_prefetch = 0 : i64, scratch_operands = 0 : i64, tpu.core_type = #tpu.core_type<tc>, window_params = [{transform_indices = @transform_0, window_bounds = array<i64: 1, 2000, 1>}, {transform_indices = @transform_1, window_bounds = array<i64: 1, 1, 2000>}, {transform_indices = @transform_2, window_bounds = array<i64: 1, 2000, 2000>}]} {
    %get3A = arith.constant 0 : index
    %get3A_0 = arith.constant 0 : index
    %get3A_1 = arith.constant 0 : index
    %get3A_2 = vector.load %arg1[%get3A, %get3A_0, %get3A_1] : memref<1x2000x1xf32, #tpu.memory_space<vmem>>, vector<1x2000x1xf32>
    %get3A_3 = vector.shape_cast %get3A_2 : vector<1x2000x1xf32> to vector<2000x1xf32>
    %get3A_4 = arith.constant 0 : index
    %get3A_5 = arith.constant 0 : index
    %get3A_6 = arith.constant 0 : index
    %get3A_7 = vector.load %arg2[%get3A_4, %get3A_5, %get3A_6] : memref<1x1x2000xf32, #tpu.memory_space<vmem>>, vector<1x1x2000xf32>
    %get3A_8 = vector.shape_cast %get3A_7 : vector<1x1x2000xf32> to vector<1x2000xf32>
    %mul3A = vector.broadcast %get3A_3 : vector<2000x1xf32> to vector<2000x2000xf32>
    %mul3A_9 = vector.broadcast %get3A_8 : vector<1x2000xf32> to vector<2000x2000xf32>
    %mul3A_10 = arith.mulf %mul3A, %mul3A_9 : vector<2000x2000xf32>
    %swap3A = arith.constant 0 : index
    %swap3A_11 = arith.constant 0 : index
    %swap3A_12 = arith.constant 0 : index
    %swap3A_13 = vector.load %arg3[%swap3A, %swap3A_11, %swap3A_12] : memref<1x2000x2000xf32, #tpu.memory_space<vmem>>, vector<1x2000x2000xf32>
    %swap3A_14 = vector.shape_cast %swap3A_13 : vector<1x2000x2000xf32> to vector<2000x2000xf32>
    %swap3A_15 = vector.shape_cast %mul3A_10 : vector<2000x2000xf32> to vector<1x2000x2000xf32>
    tpu.vector_store %arg3[%swap3A, %swap3A_11, %swap3A_12], %swap3A_15 {strides = array<i32>} : memref<1x2000x2000xf32, #tpu.memory_space<vmem>>, vector<1x2000x2000xf32>,
    return
  }
  func.func @transform_0(%arg0: i32) -> (i32, i32, i32) {
    %c0_i32 = arith.constant 0 : i32
    %c0_i32_0 = arith.constant 0 : i32
    %c0_i32_1 = arith.constant 0 : i32
    return %arg0, %c0_i32, %c0_i32_0 : i32, i32, i32
  }
  func.func @transform_1(%arg0: i32) -> (i32, i32, i32) {
    %c0_i32 = arith.constant 0 : i32
    %c0_i32_0 = arith.constant 0 : i32
    %c0_i32_1 = arith.constant 0 : i32
    return %arg0, %c0_i32, %c0_i32_0 : i32, i32, i32
  }
  func.func @transform_2(%arg0: i32) -> (i32, i32, i32) {
    %c0_i32 = arith.constant 0 : i32
    %c0_i32_0 = arith.constant 0 : i32
    %c0_i32_1 = arith.constant 0 : i32
    return %arg0, %c0_i32, %c0_i32_0 : i32, i32, i32
  }
}

</mosaic_0001>

<sc_bundles>
// kernel: kernel.11.cloned.1.call-start
scs
__scs_entry_jumppad:
0x0: {  	(pc) =	sbr.rel $0x88, $3  }
0x1: {  	(tag) =	ssettag $0x0;
	lr =	simm.s32 $0x1  }
0x2: {  	[smem:$0x3F93] =	sst lr;
	_ =	strace $0xD0000000  }
0x3: {  	_ = 	snop  }
0x4: {  	_ = 	snop  }
0x5: {  	_ = 	snop  }
0x6: {  	_ = 	snop  }
0x7: {  	_ = 	snop  }
__scs_overlays_trampoline_lowered:
0x8: {  	[smem:$0x3FA2] =	sst s0  }
0x9: {  	[smem:$0x3FA3] =	sst s1  }
0xa: {  	[smem:$0x3FA4] =	sst s2  }
0xb: {  	[smem:$0x3FA5] =	sst s3  }
0xc: {  	[smem:$0x3FA6] =	sst s4  }
0xd: {  	[smem:$0x3FA7] =	sst s5  }
0xe: {  	[smem:$0x3FA8] =	sst s6  }
0xf: {  	[smem:$0x3FA9] =	sst s7  }
0x10: {  	[smem:$0x3FAA] =	sst s8  }
0x11: {  	[smem:$0x3FAB] =	sst s9;
	s0 =	simm.s32 @!p0 $0x0  }
0x12: {  	s1 =	sld [smem:$0x3F91];
	s0 =	simm.s32 @p0 $0x1  }
0x13: {  	[smem:$0x3FAC] =	sst s0;
	s0 =	simm.s32 @!p1 $0x0  }
0x14: {  	s2 =	sld [smem:$0x3F90];
	s0 =	simm.s32 @p1 $0x1  }
0x15: {  	[smem:$0x3FAD] =	sst s0;
	s0 =	simm.s32 @!p2 $0x0  }
0x16: {  	s3 =	sld [smem:$0x3FDB];
	s0 =	simm.s32 @p2 $0x1  }
0x17: {  	s4 =	simm.s32 $0x1BF5;
	[smem:$0x3FAF] =	sst s0  }
0x18: {  	s0 =	sld [smem:$0x3F92];
	_ =	swait.ge [sflag:s4], $0x0  }
0x19: {  	s7 =	sld [smem:$0x3F93]  }
0x1a: {  	s8 =	sadd.s32 $0xFFFFE003, lr  }
0x1b: {  	s9 =	sadd.s32 $0xFFFFFEF7, lr;
	s5 =	simm.s32 $0xFFFFFFFF;
	p2 =	slt.u32 s8, $0xFFFFF086  }
0x1c: {  	p1 =	slt.u32 s9, $0xF7A;
	s5 =	simm.s32 @!p2 $0x0  }
0x1d: {  	s5 =	simm.s32 @p1 $0x1;
	p0 =	seq.s32 s7, s2  }
0x1e: {  	s7 =	smul.u32 @!p0 $0xF7A, s2;
	p2 =	seq.s32 @!p0 s5, $0x0  }
0x1f: {  	s9 =	smul.u32 $0xF7A, s1;
	s8 =	simm.s32 @!p0 $0x1BF5;
	p2 =	por !p2, p0  }
0x20: {  	[sflag:s8] =	ssyncset.s32 @!p0 $0xFFFFF086;
	s6 =	sadd.s32 @!p0 s3, s7;
	s7 =	simm.s32 @!p0 $0x108  }
0x21: {  	s3 =	sadd.s32 s3, s9;
	s6 =	sadd.s32 @!p0 $0x88, s6;
	s7 =	simm.s32 @p2 $0x1082  }
0x22: {  	[simem:s7], [sflag:s8] =	dma.local @!p0 [hbm:s6], $0xF7A  }
0x23: {  	s9 =	sor.u32 $0xD0000000, s2;
	s6 =	simm.s32 $0x108;
	_ =	swait.ge @!p0 [sflag:s8], $0x0  }
0x24: {  	s3 =	sadd.s32 $0x88, s3;
	s6 =	simm.s32 @!p1 $0x1082;
	[sflag:s4] =	ssyncset.s32 $0xFFFFF086  }
0x25: {  	[simem:s6], [sflag:s4] =	dma.local [hbm:s3], $0xF7A  }
0x26: {  	[smem:$0x3F93] =	sst s1;
	(tag) =	ssettag s2;
	_ =	strace s9  }
0x27: {  	s1 =	sld [smem:$0x3FA3]  }
0x28: {  	s2 =	sld [smem:$0x3FA4]  }
0x29: {  	s4 =	sld [smem:$0x3FA6]  }
0x2a: {  	p0 =	seq.s32 s5, $0x0;
	s5 =	sld [smem:$0x3FA7]  }
0x2b: {  	s6 =	sld [smem:$0x3FA8]  }
0x2c: {  	s7 =	sld [smem:$0x3FA9]  }
0x2d: {  	s3 =	simm.s32 $0x108;
	s8 =	sld [smem:$0x3FAA]  }
0x2e: {  	s3 =	simm.s32 @!p0 $0x1082;
	s9 =	sld [smem:$0x3FAB]  }
0x2f: {  	lr =	sadd.s32 s0, s3;
	s0 =	sld [smem:$0x3FA2]  }
0x30: {  	s3 =	sld [smem:$0x3FA5]  }
0x31: {  	[smem:$0x3FAE] =	sst s10  }
0x32: {  	s10 =	sld [smem:$0x3FAC];
	_ =	sdelay $0x3  }
0x33: {  	p0 =	seq.s32 s10, $0x1;
	s10 =	sld [smem:$0x3FAE];
	_ =	sdelay $0x3  }
0x34: {  	[smem:$0x3FAE] =	sst s10  }
0x35: {  	s10 =	sld [smem:$0x3FAD];
	_ =	sdelay $0x3  }
0x36: {  	p1 =	seq.s32 s10, $0x1;
	s10 =	sld [smem:$0x3FAE];
	_ =	sdelay $0x3  }
0x37: {  	[smem:$0x3FAE] =	sst s10  }
0x38: {  	s10 =	sld [smem:$0x3FAF]  }
0x39: {  	_ = 	snop;
	(pc) =	sbr.ind lr, $3  }
0x3a: {  	_ = 	snop  }
0x3b: {  	_ = 	snop  }
0x3c: {  	p2 =	seq.s32 s10, $0x1;
	s10 =	sld [smem:$0x3FAE]  }
0x3d: {  	_ =	shalt  }
0x3e: {  	_ =	shalt  }
0x3f: {  	_ =	shalt  }
0x40: {  	_ =	shalt  }
0x41: {  	_ =	shalt  }
0x42: {  	_ =	shalt  }
0x43: {  	_ =	shalt  }
0x44: {  	_ =	shalt  }
0x45: {  	_ =	shalt  }
0x46: {  	_ =	shalt  }
0x47: {  	_ =	shalt  }
0x48: {  	_ =	shalt  }
0x49: {  	_ =	shalt  }
0x4a: {  	_ =	shalt  }
0x4b: {  	_ =	shalt  }
0x4c: {  	_ =	shalt  }
0x4d: {  	_ =	shalt  }
0x4e: {  	_ =	shalt  }
0x4f: {  	_ =	shalt  }
0x50: {  	_ =	shalt  }
0x51: {  	_ =	shalt  }
0x52: {  	_ =	shalt  }
0x53: {  	_ =	shalt  }
0x54: {  	_ =	shalt  }
0x55: {  	_ =	shalt  }
0x56: {  	_ =	shalt  }
0x57: {  	_ =	shalt  }
0x58: {  	_ =	shalt  }
0x59: {  	_ =	shalt  }
0x5a: {  	_ =	shalt  }
0x5b: {  	_ =	shalt  }
0x5c: {  	_ =	shalt  }
0x5d: {  	_ =	shalt  }
0x5e: {  	_ =	shalt  }
0x5f: {  	_ =	shalt  }
0x60: {  	_ =	shalt  }
0x61: {  	_ =	shalt  }
0x62: {  	_ =	shalt  }
0x63: {  	_ =	shalt  }
0x64: {  	_ =	shalt  }
0x65: {  	_ =	shalt  }
0x66: {  	_ =	shalt  }
0x67: {  	_ =	shalt  }
0x68: {  	_ =	shalt  }
0x69: {  	_ =	shalt  }
0x6a: {  	_ =	shalt  }
0x6b: {  	_ =	shalt  }
0x6c: {  	_ =	shalt  }
0x6d: {  	_ =	shalt  }
0x6e: {  	_ =	shalt  }
0x6f: {  	_ =	shalt  }
0x70: {  	_ =	shalt  }
0x71: {  	_ =	shalt  }
0x72: {  	_ =	shalt  }
0x73: {  	_ =	shalt  }
0x74: {  	_ =	shalt  }
0x75: {  	_ =	shalt  }
0x76: {  	_ =	shalt  }
0x77: {  	_ =	shalt  }
0x78: {  	_ =	shalt  }
0x79: {  	_ =	shalt  }
0x7a: {  	_ =	shalt  }
0x7b: {  	_ =	shalt  }
0x7c: {  	_ =	shalt  }
0x7d: {  	_ =	shalt  }
0x7e: {  	_ =	shalt  }
0x7f: {  	_ =	shalt  }
0x80: {  	_ =	shalt  }
0x81: {  	_ =	shalt  }
0x82: {  	_ =	shalt  }
0x83: {  	_ =	shalt  }
0x84: {  	_ =	shalt  }
0x85: {  	_ =	shalt  }
0x86: {  	_ =	shalt  }
0x87: {  	_ =	shalt  }
.Lfunc_end0:
.L_simem_size_0:
called_computation_lowered:
.L_overlay_start_0:
0x88: {  	s2 =	sld [smem:$0x3FD9]  }
0x89: {  	s3 =	sld [smem:$0x3FFE];
	_ =	sdelay $0x1  }
0x8a: {  	s1 =	srdreg.scid  }
0x8b: {  	s0 =	sand.u32 $0x1, s1  }
0x8c: {  	s14 =	sshll.u32 s0, $0xA;
	s2 =	sadd.s32 s3, s2  }
0x8d: {  	s2 =	sadd.s32 s2, s14  }
0x8e: {  	[smem:$0x3FBA] =	sst s2  }
0x8f: {  	_ = 	snop  }
0x90: {  	s2 =	sld [smem:$0x3FD0];
	_ =	sdelay $0x2  }
0x91: {  	s15 =	simm.s32 $0xA;
	s4 =	simm.s32 $0x10  }
0x92: {  	[smem:s4], [sflag:s15] =	dma.local [hbm:s2], $0x1  }
0x93: {  	_ =	swait.eq [sflag:s15], $0x1  }
0x94: {  	[sflag:s15] =	ssyncset.done $0x0  }
0x95: {  	[sflag:s15] =	ssyncadd.s32 $0xFFFFFFFF  }
0x96: {  	s16 =	sld [smem:$0x10];
	(tm) =	ssettm $0x1  }
0x97: {  	s17 =	sld [smem:$0x3FFB];
	_ =	sdelay $0x3  }
0x98: {  	_ =	strace s17  }
0x99: {  	s3 =	sld [smem:$0x3FFC];
	_ =	sdelay $0x3  }
0x9a: {  	_ =	strace s3  }
0x9b: {  	s3 =	sld [smem:$0x3FFD];
	_ =	sdelay $0x3  }
0x9c: {  	_ =	strace s3  }
0x9d: {  	_ =	strace $0x8FFFFFFF  }
0x9e: {  	s18 =	sld [smem:$0x3FDB];
	_ =	sdelay $0x1  }
0x9f: {  	s19 =	simm.s32 $_scs_section_size  }
0xa0: {  	s5 =	simm.s32 $_size__tile_overlayer_lowered;
	s6 =	simm.s32 $_tile_overlayer_lowered  }
0xa1: {  	s22 =	simm.s32 $0x1BFF;
	s21 =	sshll.u32 s6, $0x1;
	s3 =	sadd.s32 s19, s18  }
0xa2: {  	s7 =	simm.s32 $0x0;
	s20 =	sshll.u32 s5, $0x1;
	s5 =	sadd.s32 s21, s3  }
0xa3: {  	[timem:s7], [sflag:s22] =	dma.local [hbm:s5], s20  }
0xa4: {  	_ =	swait.ge [sflag:s22], s20  }
0xa5: {  	s4 =	ssub.s32 $0x0, s20;
	[sflag:s22] =	ssyncset.done $0x0  }
0xa6: {  	[sflag:s22] =	ssyncadd.s32 s4;
	_ =	sdelay $0x1  }
0xa7: {  	s23 =	simm.s32 $0x1B8B  }
0xa8: {  	_ =	swait.ge [sflag:s23], $0x1  }
0xa9: {  	[sflag:s23] =	ssyncset.done $0x0  }
0xaa: {  	s25 =	simm.s32 $0x1B8E;
	s24 =	sld [smem:$0x3FFE];
	[sflag:s23] =	ssyncadd.s32 $0xFFFFFFFF  }
0xab: {  	s26 =	simm.s32 $execute0_lowered;
	[smem:$0x3FD2] =	sst s25  }
0xac: {  	s5 =	sshll.u32 s26, $0x1;
	_ =	strace $0x80000046;
	[dreg:$0x1] =	wrdreg $0xFFFFFFFF  }
0xad: {  	s28 =	simm.s32 $_size_execute0_lowered;
	s3 =	sadd.s32 s3, s5;
	[dreg:$0x0] =	wrdreg $0x0  }
0xae: {  	s5 =	sshll.u32 s28, $0x1;
	[dreg:$0x2] =	wrdreg s3  }
0xaf: {  	[dreg:$0x3] =	wrdreg s5  }
0xb0: {  	[dreg:$0x4] =	wrdreg $0xC0  }
0xb1: {  	_ =	task [dreg:s7], $0x5FFFF  }
0xb2: {  	[dreg:$0x1] =	wrdreg $0xFFFFFFFF  }
0xb3: {  	[dreg:$0x0] =	wrdreg $0x60  }
0xb4: {  	[dreg:$0x2] =	wrdreg s24  }
0xb5: {  	[dreg:$0x3] =	wrdreg s16  }
0xb6: {  	[dreg:$0x4] =	wrdreg $0x3AF00  }
0xb7: {  	[dreg:$0x5] =	wrdreg $0x9  }
0xb8: {  	_ =	task.clear_ibuf [dreg:s7], $0x6FFFF;
	_ =	strace $0x90000046  }
0xb9: {  	s29 =	simm.s32 $0x9;
	_ =	strace $0x80000048  }
0xba: {  	_ =	swait.ge [sflag:s29], $0x1  }
0xbb: {  	[sflag:s29] =	ssyncadd.s32 $0xFFFFFFFF  }
0xbc: {  	_ =	strace $0x90000048  }
0xbd: {  	_ =	sfence  }
0xbe: {  	s30 =	sld [smem:$0x0];
	_ =	sdelay $0x2  }
0xbf: {  	s31 =	sshll.u32 s1, $0xD;
	s1 =	sshrl.u32 s1, $0x2  }
0xc0: {  	s3 =	sand.u32 $0x4000, s31;
	s1 =	sadd.s32 s1, s30  }
0xc1: {  	s0 =	sor.u32 s3, s0;
	s1 =	sshll.u32 s1, $0x11  }
0xc2: {  	s0 =	sor.u32 s1, s0  }
0xc3: {  	s0 =	sadd.s32 $0x8F2B, s0  }
0xc4: {  	[sflag:s0] =	ssyncadd.remote.s32 $0x1  }
0xc5: {  	_ =	sfence.sel $0xFFFF  }
0xc6: {  	[dreg:$0x0] =	wrdreg $0xFFFFFFFF;
	(pc) =	sbr.abs _section_cstart, $3  }
0xc7: {  	[dreg:$0x1] =	wrdreg $0xFFFFFFFF  }
0xc8: {  	_ =	task.clear_ibuf [dreg:s7], $0x2FFFF;
	_ =	strace $0x9FFFFFFF  }
0xc9: {  	(tm) =	ssettm $0x7FFFFFFF  }
tec
execute0_lowered:
.L_overlay_start_1:
0x0: {  	(tag) =	ssettag $0x1  }
0x1: {  	s5 =	rddreg [dreg:$0x0]  }
0x2: {  	s10 =	rddreg [dreg:$0x1]  }
0x3: {  	s2 =	rddreg [dreg:$0x2]  }
0x4: {  	s0 =	rddreg [dreg:$0x3];
	s4 =	srdreg.scid  }
0x5: {  	s1 =	stileid.u32;
	s3 =	simm.s32 $0x0;
	s15 =	simm.s32 $0x13B0  }
0x6: {  	s16 =	simm.s32 $0x1F8;
	s17 =	simm.s32 $0x3F0;
	s18 =	simm.s32 $0x5E8  }
0x7: {  	s19 =	simm.s32 $0x7E0;
	s20 =	simm.s32 $0x9D8;
	s21 =	simm.s32 $0xBD0  }
0x8: {  	s22 =	simm.s32 $0xDC8;
	s23 =	simm.s32 $0xFC0;
	s24 =	simm.s32 $0x11B8  }
0x9: {  	s25 =	simm.s32 $0x0;
	s6 =	sand.u32 $0x1, s4;
	s7 =	smul.u32 $0xA000, s1  }
0xa: {  	s29 =	sshll.u32 s1, $0x1;
	[smem:$0x7FF] =	sst s3;
	s11 =	smul.u32 $0x500, s1  }
0xb: {  	s4 =	sor.u32 s6, s29;
	s9 =	ssub.s32 $0x2, s6;
	s12 =	smul.u32 $0x5000, s6  }
0xc: {  	s8 =	smul.u32 $0x276, s4;
	s30 =	sshrl.u32 s7, $0x2;
	s31 =	sshrl.u32 s9, $0x1  }
0xd: {  	_ =	strace $0x80000047;
	s4 =	sadd.s32 s30, s2;
	s14 =	ssub.s32 s9, s31  }
0xe: {  	s11 =	sadd.s32 s11, s12;
	s12 =	simm.s32 $0x32F0;
	s13 =	sadd.s32 s8, s5  }
0xf: {  	s5 =	sadd.s32 $0x800, s4;
	s6 =	sadd.s32 $0x1000, s4;
	s7 =	sadd.s32 $0x1800, s4  }
0x10: {  	s8 =	sadd.s32 $0x2000, s4;
	s10 =	sadd.s32 s10, s11;
	s11 =	smax.u32 s14, $0x1  }
0x11: {  	v0 =	vimm.f32 $1.000000000e+00;
	v1 =	vimm.f32 $0.0e+00;
	s14 =	simm.s32 $0x1F4;
	s9 =	sadd.s32 $0x2600, s13;
	s13 =	simm.s32 $0x1  }
.LBB2_1:
0x12: {  	s26 =	simm.s32 $0x0  }
.LBB2_2:
0x13: {  	p0 =	sne.s32 s26, $0x7CC0  }
.Ltmp0:
0x14: {  	_ = 	snop;
	(pc) =	sbr.rel @p0 .LBB2_2-.Ltmp0, $3  }
0x15: {  	_ =	sdelay $0x1  }
0x16: {  	s28 =	sshra.s32 s26, $0x2  }
0x17: {  	s26 =	sadd.s32 $0x40, s26;
	[tilespmem:s28+$0x13B0] =	vst v0  }
0x18: {  	s26 =	simm.s32 $0x40;
	s28 =	simm.s32 $0x0  }
.LBB2_4:
0x19: {  	p0 =	sne.s32 s26, $0x1FC0;
	[tilespmem:s28+$0x32F0] =	vst v1;
	s28 =	smov.u32 s26;
	s26 =	sadd.s32 $0x40, s26  }
.Ltmp1:
0x1a: {  	(pc) =	sbr.rel @p0 .LBB2_4-.Ltmp1, $2  }
0x1b: {  	_ =	sdelay $0x2  }
0x1c: {  	s28 =	sshra.s32 s28, $0x2  }
0x1d: {  	[tilespmem:s28+$0x32F0] =	vst v1  }
0x1e: {  	[spmem:s4] =	stream.linear.scatter [tilespmem:s12], [sflag:$0x1], $0x800, $0x38;
	[tilespmem:$0x62F0] =	vst v63  }
0x1f: {  	_ =	swait.ge [sflag:s13], $0x800  }
0x20: {  	[sflag:s13] =	ssyncset.done $0x0  }
0x21: {  	[sflag:s13] =	ssyncadd.s32 $0xFFFFF800  }
0x22: {  	[spmem:s5] =	stream.linear.scatter [tilespmem:s12], [sflag:$0x1], $0x800, $0x38;
	[tilespmem:$0x62F0] =	vst v63  }
0x23: {  	_ =	swait.ge [sflag:s13], $0x800  }
0x24: {  	[sflag:s13] =	ssyncset.done $0x0  }
0x25: {  	[sflag:s13] =	ssyncadd.s32 $0xFFFFF800  }
0x26: {  	[spmem:s6] =	stream.linear.scatter [tilespmem:s12], [sflag:$0x1], $0x800, $0x38;
	[tilespmem:$0x62F0] =	vst v63  }
0x27: {  	_ =	swait.ge [sflag:s13], $0x800  }
0x28: {  	[sflag:s13] =	ssyncset.done $0x0  }
0x29: {  	[sflag:s13] =	ssyncadd.s32 $0xFFFFF800  }
0x2a: {  	[spmem:s7] =	stream.linear.scatter [tilespmem:s12], [sflag:$0x1], $0x800, $0x38;
	[tilespmem:$0x62F0] =	vst v63  }
0x2b: {  	_ =	swait.ge [sflag:s13], $0x800  }
0x2c: {  	[sflag:s13] =	ssyncset.done $0x0  }
0x2d: {  	[sflag:s13] =	ssyncadd.s32 $0xFFFFF800  }
0x2e: {  	[spmem:s8] =	stream.linear.scatter [tilespmem:s12], [sflag:$0x1], $0x800, $0x38;
	[tilespmem:$0x62F0] =	vst v63  }
0x2f: {  	_ =	swait.ge [sflag:s13], $0x800  }
0x30: {  	[sflag:s13] =	ssyncset.done $0x0  }
0x31: {  	[sflag:s13] =	ssyncadd.s32 $0xFFFFF800  }
0x32: {  	[tilespmem:s3], [sflag:$0x1] =	stream.linear.gather [hbm4b:s9+s3], $0x13B0, $0x38;
	[tilespmem:$0x62F0] =	vst v63  }
0x33: {  	_ =	swait.ge [sflag:s13], $0x13B0  }
0x34: {  	[sflag:s13] =	ssyncset.done $0x0  }
0x35: {  	[sflag:s13] =	ssyncadd.s32 $0xFFFFEC50  }
0x36: {  	[bflag:$0x0] =	sbarrier.arrive $0xFFFF  }
0x37: {  	[spmem:s2] =	stream.indirect.scatter.add.f32 [tilespmem:s15], [sflag:$0x1], $0x10, s3, s14, $0xb8;
	[tilespmem:$0x62F0] =	vst v63  }
0x38: {  	_ =	swait.ge [sflag:s13], $0x1F40  }
0x39: {  	[sflag:s13] =	ssyncset.done $0x0  }
0x3a: {  	[sflag:s13] =	ssyncadd.s32 $0xFFFFE0C0  }
0x3b: {  	[spmem:s2] =	stream.indirect.scatter.add.f32 [tilespmem:s15], [sflag:$0x1], $0x10, s16, s14, $0xb8;
	[tilespmem:$0x62F0] =	vst v63  }
0x3c: {  	_ =	swait.ge [sflag:s13], $0x1F40  }
0x3d: {  	[sflag:s13] =	ssyncset.done $0x0  }
0x3e: {  	[sflag:s13] =	ssyncadd.s32 $0xFFFFE0C0  }
0x3f: {  	[spmem:s2] =	stream.indirect.scatter.add.f32 [tilespmem:s15], [sflag:$0x1], $0x10, s17, s14, $0xb8;
	[tilespmem:$0x62F0] =	vst v63  }
0x40: {  	_ =	swait.ge [sflag:s13], $0x1F40  }
0x41: {  	[sflag:s13] =	ssyncset.done $0x0  }
0x42: {  	[sflag:s13] =	ssyncadd.s32 $0xFFFFE0C0  }
0x43: {  	[spmem:s2] =	stream.indirect.scatter.add.f32 [tilespmem:s15], [sflag:$0x1], $0x10, s18, s14, $0xb8;
	[tilespmem:$0x62F0] =	vst v63  }
0x44: {  	_ =	swait.ge [sflag:s13], $0x1F40  }
0x45: {  	[sflag:s13] =	ssyncset.done $0x0  }
0x46: {  	[sflag:s13] =	ssyncadd.s32 $0xFFFFE0C0  }
0x47: {  	[spmem:s2] =	stream.indirect.scatter.add.f32 [tilespmem:s15], [sflag:$0x1], $0x10, s19, s14, $0xb8;
	[tilespmem:$0x62F0] =	vst v63  }
0x48: {  	_ =	swait.ge [sflag:s13], $0x1F40  }
0x49: {  	[sflag:s13] =	ssyncset.done $0x0  }
0x4a: {  	[sflag:s13] =	ssyncadd.s32 $0xFFFFE0C0  }
0x4b: {  	[spmem:s2] =	stream.indirect.scatter.add.f32 [tilespmem:s15], [sflag:$0x1], $0x10, s20, s14, $0xb8;
	[tilespmem:$0x62F0] =	vst v63  }
0x4c: {  	_ =	swait.ge [sflag:s13], $0x1F40  }
0x4d: {  	[sflag:s13] =	ssyncset.done $0x0  }
0x4e: {  	[sflag:s13] =	ssyncadd.s32 $0xFFFFE0C0  }
0x4f: {  	[spmem:s2] =	stream.indirect.scatter.add.f32 [tilespmem:s15], [sflag:$0x1], $0x10, s21, s14, $0xb8;
	[tilespmem:$0x62F0] =	vst v63  }
0x50: {  	_ =	swait.ge [sflag:s13], $0x1F40  }
0x51: {  	[sflag:s13] =	ssyncset.done $0x0  }
0x52: {  	[sflag:s13] =	ssyncadd.s32 $0xFFFFE0C0  }
0x53: {  	[spmem:s2] =	stream.indirect.scatter.add.f32 [tilespmem:s15], [sflag:$0x1], $0x10, s22, s14, $0xb8;
	[tilespmem:$0x62F0] =	vst v63  }
0x54: {  	_ =	swait.ge [sflag:s13], $0x1F40  }
0x55: {  	[sflag:s13] =	ssyncset.done $0x0  }
0x56: {  	[sflag:s13] =	ssyncadd.s32 $0xFFFFE0C0  }
0x57: {  	[spmem:s2] =	stream.indirect.scatter.add.f32 [tilespmem:s15], [sflag:$0x1], $0x10, s23, s14, $0xb8;
	[tilespmem:$0x62F0] =	vst v63  }
0x58: {  	_ =	swait.ge [sflag:s13], $0x1F40  }
0x59: {  	[sflag:s13] =	ssyncset.done $0x0  }
0x5a: {  	[sflag:s13] =	ssyncadd.s32 $0xFFFFE0C0  }
0x5b: {  	[spmem:s2] =	stream.indirect.scatter.add.f32 [tilespmem:s15], [sflag:$0x1], $0x10, s24, s14, $0xb8;
	[tilespmem:$0x62F0] =	vst v63  }
0x5c: {  	_ =	swait.ge [sflag:s13], $0x1F40  }
0x5d: {  	s26 =	sshll.u32 s1, $0x6;
	s25 =	sadd.s32 $0x1, s25;
	[sflag:s13] =	ssyncset.done $0x0  }
0x5e: {  	s31 =	sshrl.u32 s4, $0x3;
	p0 =	sne.s32 s25, s11;
	[sflag:s13] =	ssyncadd.s32 $0xFFFFE0C0  }
.Ltmp2:
0x5f: {  	s26 =	sor.u32 $0x1C01, s26;
	[bflag:$0x0] =	sbarrier.arrive $0xFFFF;
	(pc) =	sbr.rel @p0 .LBB2_1-.Ltmp2, $4  }
0x60: {  	[hbm:s10], [sflag:s26] =	dma.local [spmem:s31], $0x500  }
0x61: {  	_ =	swait.ge [sflag:s13], $0x500  }
0x62: {  	[sflag:s13] =	ssyncset.done $0x0  }
0x63: {  	[sflag:s13] =	ssyncadd.s32 $0xFFFFFB00  }
0x64: {  	_ =	sfence.sel $0x180000  }
0x65: {  	[bflag:$0x0] =	sbarrier.arrive $0xFFFF  }
0x66: {  	p0 =	sne.s32 s1, $0x0;
	_ =	strace $0x90000047  }
0x67: {  	s0 =	sadd.s32 @!p0 $0x100000, s0;
	[bflag:$0x2] =	sbarrier.arrive $0xFFFF  }
0x68: {  	[sflag:s0] =	ssyncadd.tile.s32 @!p0 $0x1;
	_ =	shalt  }
.Lfunc_end2:
_tile_overlayer_lowered:
.L_overlay_start_2:
0x69: {  	(tag) =	ssettag $0x2  }
0x6a: {  	s0 =	rddreg [dreg:$0x0];
	s2 =	stileid.u32  }
0x6b: {  	s1 =	rddreg [dreg:$0x1];
	p0 =	sne.s32 s2, $0x0  }
0x6c: {  	s3 =	rddreg [dreg:$0x2];
	[bflag:$0x3] =	sbarrier.arrive $0xFFFF;
	s2 =	simm.s32 @!p0 $0x1C01  }
0x6d: {  	[timem:s3], [sflag:s2] =	dma.local @!p0 [hbm:s0], s1  }
0x6e: {  	s0 =	simm.s32 @!p0 $0x1  }
0x6f: {  	_ =	swait.ge @!p0 [sflag:s0], s1  }
0x70: {  	s1 =	ssub.s32 @!p0 $0x0, s1;
	[sflag:s0] =	ssyncset.done @!p0 $0x0  }
0x71: {  	[sflag:s0] =	ssyncadd.s32 @!p0 s1  }
0x72: {  	[bflag:$0x3] =	sbarrier.arrive $0xFFFF  }
0x73: {  	_ =	shalt  }

// kernel: kernel.14.cloned.1.call-start
scs
__scs_entry_jumppad:
0x0: {  	(pc) =	sbr.rel $0x88, $3  }
0x1: {  	(tag) =	ssettag $0x0;
	lr =	simm.s32 $0x1  }
0x2: {  	[smem:$0x3F93] =	sst lr;
	_ =	strace $0xD0000000  }
0x3: {  	_ = 	snop  }
0x4: {  	_ = 	snop  }
0x5: {  	_ = 	snop  }
0x6: {  	_ = 	snop  }
0x7: {  	_ = 	snop  }
__scs_overlays_trampoline_lowered:
0x8: {  	[smem:$0x3FA2] =	sst s0  }
0x9: {  	[smem:$0x3FA3] =	sst s1  }
0xa: {  	[smem:$0x3FA4] =	sst s2  }
0xb: {  	[smem:$0x3FA5] =	sst s3  }
0xc: {  	[smem:$0x3FA6] =	sst s4  }
0xd: {  	[smem:$0x3FA7] =	sst s5  }
0xe: {  	[smem:$0x3FA8] =	sst s6  }
0xf: {  	[smem:$0x3FA9] =	sst s7  }
0x10: {  	[smem:$0x3FAA] =	sst s8  }
0x11: {  	[smem:$0x3FAB] =	sst s9;
	s0 =	simm.s32 @!p0 $0x0  }
0x12: {  	s1 =	sld [smem:$0x3F91];
	s0 =	simm.s32 @p0 $0x1  }
0x13: {  	[smem:$0x3FAC] =	sst s0;
	s0 =	simm.s32 @!p1 $0x0  }
0x14: {  	s2 =	sld [smem:$0x3F90];
	s0 =	simm.s32 @p1 $0x1  }
0x15: {  	[smem:$0x3FAD] =	sst s0;
	s0 =	simm.s32 @!p2 $0x0  }
0x16: {  	s3 =	sld [smem:$0x3FDB];
	s0 =	simm.s32 @p2 $0x1  }
0x17: {  	s4 =	simm.s32 $0x1BF5;
	[smem:$0x3FAF] =	sst s0  }
0x18: {  	s0 =	sld [smem:$0x3F92];
	_ =	swait.ge [sflag:s4], $0x0  }
0x19: {  	s7 =	sld [smem:$0x3F93]  }
0x1a: {  	s8 =	sadd.s32 $0xFFFFE003, lr  }
0x1b: {  	s9 =	sadd.s32 $0xFFFFFEF7, lr;
	s5 =	simm.s32 $0xFFFFFFFF;
	p2 =	slt.u32 s8, $0xFFFFF086  }
0x1c: {  	p1 =	slt.u32 s9, $0xF7A;
	s5 =	simm.s32 @!p2 $0x0  }
0x1d: {  	s5 =	simm.s32 @p1 $0x1;
	p0 =	seq.s32 s7, s2  }
0x1e: {  	s7 =	smul.u32 @!p0 $0xF7A, s2;
	p2 =	seq.s32 @!p0 s5, $0x0  }
0x1f: {  	s9 =	smul.u32 $0xF7A, s1;
	s8 =	simm.s32 @!p0 $0x1BF5;
	p2 =	por !p2, p0  }
0x20: {  	[sflag:s8] =	ssyncset.s32 @!p0 $0xFFFFF086;
	s6 =	sadd.s32 @!p0 s3, s7;
	s7 =	simm.s32 @!p0 $0x108  }
0x21: {  	s3 =	sadd.s32 s3, s9;
	s6 =	sadd.s32 @!p0 $0x88, s6;
	s7 =	simm.s32 @p2 $0x1082  }
0x22: {  	[simem:s7], [sflag:s8] =	dma.local @!p0 [hbm:s6], $0xF7A  }
0x23: {  	s9 =	sor.u32 $0xD0000000, s2;
	s6 =	simm.s32 $0x108;
	_ =	swait.ge @!p0 [sflag:s8], $0x0  }
0x24: {  	s3 =	sadd.s32 $0x88, s3;
	s6 =	simm.s32 @!p1 $0x1082;
	[sflag:s4] =	ssyncset.s32 $0xFFFFF086  }
0x25: {  	[simem:s6], [sflag:s4] =	dma.local [hbm:s3], $0xF7A  }
0x26: {  	[smem:$0x3F93] =	sst s1;
	(tag) =	ssettag s2;
	_ =	strace s9  }
0x27: {  	s1 =	sld [smem:$0x3FA3]  }
0x28: {  	s2 =	sld [smem:$0x3FA4]  }
0x29: {  	s4 =	sld [smem:$0x3FA6]  }
0x2a: {  	p0 =	seq.s32 s5, $0x0;
	s5 =	sld [smem:$0x3FA7]  }
0x2b: {  	s6 =	sld [smem:$0x3FA8]  }
0x2c: {  	s7 =	sld [smem:$0x3FA9]  }
0x2d: {  	s3 =	simm.s32 $0x108;
	s8 =	sld [smem:$0x3FAA]  }
0x2e: {  	s3 =	simm.s32 @!p0 $0x1082;
	s9 =	sld [smem:$0x3FAB]  }
0x2f: {  	lr =	sadd.s32 s0, s3;
	s0 =	sld [smem:$0x3FA2]  }
0x30: {  	s3 =	sld [smem:$0x3FA5]  }
0x31: {  	[smem:$0x3FAE] =	sst s10  }
0x32: {  	s10 =	sld [smem:$0x3FAC];
	_ =	sdelay $0x3  }
0x33: {  	p0 =	seq.s32 s10, $0x1;
	s10 =	sld [smem:$0x3FAE];
	_ =	sdelay $0x3  }
0x34: {  	[smem:$0x3FAE] =	sst s10  }
0x35: {  	s10 =	sld [smem:$0x3FAD];
	_ =	sdelay $0x3  }
0x36: {  	p1 =	seq.s32 s10, $0x1;
	s10 =	sld [smem:$0x3FAE];
	_ =	sdelay $0x3  }
0x37: {  	[smem:$0x3FAE] =	sst s10  }
0x38: {  	s10 =	sld [smem:$0x3FAF]  }
0x39: {  	_ = 	snop;
	(pc) =	sbr.ind lr, $3  }
0x3a: {  	_ = 	snop  }
0x3b: {  	_ = 	snop  }
0x3c: {  	p2 =	seq.s32 s10, $0x1;
	s10 =	sld [smem:$0x3FAE]  }
0x3d: {  	_ =	shalt  }
0x3e: {  	_ =	shalt  }
0x3f: {  	_ =	shalt  }
0x40: {  	_ =	shalt  }
0x41: {  	_ =	shalt  }
0x42: {  	_ =	shalt  }
0x43: {  	_ =	shalt  }
0x44: {  	_ =	shalt  }
0x45: {  	_ =	shalt  }
0x46: {  	_ =	shalt  }
0x47: {  	_ =	shalt  }
0x48: {  	_ =	shalt  }
0x49: {  	_ =	shalt  }
0x4a: {  	_ =	shalt  }
0x4b: {  	_ =	shalt  }
0x4c: {  	_ =	shalt  }
0x4d: {  	_ =	shalt  }
0x4e: {  	_ =	shalt  }
0x4f: {  	_ =	shalt  }
0x50: {  	_ =	shalt  }
0x51: {  	_ =	shalt  }
0x52: {  	_ =	shalt  }
0x53: {  	_ =	shalt  }
0x54: {  	_ =	shalt  }
0x55: {  	_ =	shalt  }
0x56: {  	_ =	shalt  }
0x57: {  	_ =	shalt  }
0x58: {  	_ =	shalt  }
0x59: {  	_ =	shalt  }
0x5a: {  	_ =	shalt  }
0x5b: {  	_ =	shalt  }
0x5c: {  	_ =	shalt  }
0x5d: {  	_ =	shalt  }
0x5e: {  	_ =	shalt  }
0x5f: {  	_ =	shalt  }
0x60: {  	_ =	shalt  }
0x61: {  	_ =	shalt  }
0x62: {  	_ =	shalt  }
0x63: {  	_ =	shalt  }
0x64: {  	_ =	shalt  }
0x65: {  	_ =	shalt  }
0x66: {  	_ =	shalt  }
0x67: {  	_ =	shalt  }
0x68: {  	_ =	shalt  }
0x69: {  	_ =	shalt  }
0x6a: {  	_ =	shalt  }
0x6b: {  	_ =	shalt  }
0x6c: {  	_ =	shalt  }
0x6d: {  	_ =	shalt  }
0x6e: {  	_ =	shalt  }
0x6f: {  	_ =	shalt  }
0x70: {  	_ =	shalt  }
0x71: {  	_ =	shalt  }
0x72: {  	_ =	shalt  }
0x73: {  	_ =	shalt  }
0x74: {  	_ =	shalt  }
0x75: {  	_ =	shalt  }
0x76: {  	_ =	shalt  }
0x77: {  	_ =	shalt  }
0x78: {  	_ =	shalt  }
0x79: {  	_ =	shalt  }
0x7a: {  	_ =	shalt  }
0x7b: {  	_ =	shalt  }
0x7c: {  	_ =	shalt  }
0x7d: {  	_ =	shalt  }
0x7e: {  	_ =	shalt  }
0x7f: {  	_ =	shalt  }
0x80: {  	_ =	shalt  }
0x81: {  	_ =	shalt  }
0x82: {  	_ =	shalt  }
0x83: {  	_ =	shalt  }
0x84: {  	_ =	shalt  }
0x85: {  	_ =	shalt  }
0x86: {  	_ =	shalt  }
0x87: {  	_ =	shalt  }
.Lfunc_end0:
.L_simem_size_0:
called_computation.1_lowered:
.L_overlay_start_0:
0x88: {  	s2 =	sld [smem:$0x3FD9]  }
0x89: {  	s3 =	sld [smem:$0x3FFE];
	_ =	sdelay $0x1  }
0x8a: {  	s1 =	srdreg.scid  }
0x8b: {  	s0 =	sand.u32 $0x1, s1  }
0x8c: {  	s14 =	sshll.u32 s0, $0xA;
	s2 =	sadd.s32 s3, s2  }
0x8d: {  	s2 =	sadd.s32 s2, s14  }
0x8e: {  	[smem:$0x3FBA] =	sst s2  }
0x8f: {  	_ = 	snop  }
0x90: {  	s2 =	sld [smem:$0x3FD0];
	_ =	sdelay $0x2  }
0x91: {  	s15 =	simm.s32 $0xA;
	s4 =	simm.s32 $0x10  }
0x92: {  	[smem:s4], [sflag:s15] =	dma.local [hbm:s2], $0x1  }
0x93: {  	_ =	swait.eq [sflag:s15], $0x1  }
0x94: {  	[sflag:s15] =	ssyncset.done $0x0  }
0x95: {  	s16 =	sld [smem:$0x10];
	[sflag:s15] =	ssyncadd.s32 $0xFFFFFFFF  }
0x96: {  	s17 =	sld [smem:$0x11];
	(tm) =	ssettm $0x1  }
0x97: {  	s18 =	sld [smem:$0x3FFB];
	_ =	sdelay $0x3  }
0x98: {  	_ =	strace s18  }
0x99: {  	s4 =	sld [smem:$0x3FFC];
	_ =	sdelay $0x3  }
0x9a: {  	_ =	strace s4  }
0x9b: {  	s4 =	sld [smem:$0x3FFD];
	_ =	sdelay $0x3  }
0x9c: {  	_ =	strace s4  }
0x9d: {  	_ =	strace $0x8FFFFFFF  }
0x9e: {  	s19 =	sld [smem:$0x3FDB];
	_ =	sdelay $0x1  }
0x9f: {  	s5 =	simm.s32 $_scs_section_size  }
0xa0: {  	s6 =	simm.s32 $_size__tile_overlayer_lowered;
	s7 =	simm.s32 $_tile_overlayer_lowered  }
0xa1: {  	s22 =	simm.s32 $0x1BFF;
	s21 =	sshll.u32 s7, $0x1;
	s4 =	sadd.s32 s5, s19  }
0xa2: {  	s8 =	simm.s32 $0x0;
	s20 =	sshll.u32 s6, $0x1;
	s6 =	sadd.s32 s21, s4  }
0xa3: {  	[timem:s8], [sflag:s22] =	dma.local [hbm:s6], s20  }
0xa4: {  	_ =	swait.ge [sflag:s22], s20  }
0xa5: {  	s5 =	ssub.s32 $0x0, s20;
	[sflag:s22] =	ssyncset.done $0x0  }
0xa6: {  	[sflag:s22] =	ssyncadd.s32 s5;
	_ =	sdelay $0x1  }
0xa7: {  	s23 =	simm.s32 $0x1B8B  }
0xa8: {  	_ =	swait.ge [sflag:s23], $0x1  }
0xa9: {  	[sflag:s23] =	ssyncset.done $0x0  }
0xaa: {  	s25 =	simm.s32 $0x1B8E;
	s24 =	sld [smem:$0x3FFE];
	[sflag:s23] =	ssyncadd.s32 $0xFFFFFFFF  }
0xab: {  	s26 =	simm.s32 $execute0_lowered;
	[smem:$0x3FD2] =	sst s25  }
0xac: {  	s6 =	sshll.u32 s26, $0x1;
	_ =	strace $0x80000049;
	[dreg:$0x1] =	wrdreg $0xFFFFFFFF  }
0xad: {  	s28 =	simm.s32 $_size_execute0_lowered;
	s4 =	sadd.s32 s4, s6;
	[dreg:$0x0] =	wrdreg $0x0  }
0xae: {  	s6 =	sshll.u32 s28, $0x1;
	[dreg:$0x2] =	wrdreg s4  }
0xaf: {  	[dreg:$0x3] =	wrdreg s6  }
0xb0: {  	[dreg:$0x4] =	wrdreg $0xC0  }
0xb1: {  	_ =	task [dreg:s8], $0x5FFFF  }
0xb2: {  	[dreg:$0x1] =	wrdreg $0xFFFFFFFF  }
0xb3: {  	[dreg:$0x0] =	wrdreg $0x60  }
0xb4: {  	[dreg:$0x2] =	wrdreg s16  }
0xb5: {  	[dreg:$0x3] =	wrdreg s24  }
0xb6: {  	[dreg:$0x4] =	wrdreg s17  }
0xb7: {  	[dreg:$0x5] =	wrdreg $0xF2E00  }
0xb8: {  	[dreg:$0x6] =	wrdreg $0x9  }
0xb9: {  	_ =	task.clear_ibuf [dreg:s8], $0x7FFFF;
	_ =	strace $0x90000049  }
0xba: {  	s29 =	simm.s32 $0x9;
	_ =	strace $0x8000004B  }
0xbb: {  	_ =	swait.ge [sflag:s29], $0x1  }
0xbc: {  	[sflag:s29] =	ssyncadd.s32 $0xFFFFFFFF  }
0xbd: {  	_ =	strace $0x9000004B  }
0xbe: {  	_ =	sfence  }
0xbf: {  	s30 =	sld [smem:$0x0];
	_ =	sdelay $0x2  }
0xc0: {  	s31 =	sshll.u32 s1, $0xD;
	s1 =	sshrl.u32 s1, $0x2  }
0xc1: {  	s3 =	sand.u32 $0x4000, s31;
	s1 =	sadd.s32 s1, s30  }
0xc2: {  	s0 =	sor.u32 s3, s0;
	s1 =	sshll.u32 s1, $0x11  }
0xc3: {  	s0 =	sor.u32 s1, s0  }
0xc4: {  	s0 =	sadd.s32 $0x8F2B, s0  }
0xc5: {  	[sflag:s0] =	ssyncadd.remote.s32 $0x1  }
0xc6: {  	_ =	sfence.sel $0xFFFF  }
0xc7: {  	[dreg:$0x0] =	wrdreg $0xFFFFFFFF;
	(pc) =	sbr.abs _section_cstart, $3  }
0xc8: {  	[dreg:$0x1] =	wrdreg $0xFFFFFFFF  }
0xc9: {  	_ =	task.clear_ibuf [dreg:s8], $0x2FFFF;
	_ =	strace $0x9FFFFFFF  }
0xca: {  	(tm) =	ssettm $0x7FFFFFFF  }
0xcb: {  	_ =	shalt  }
tec
execute0_lowered:
.L_overlay_start_1:
0x0: {  	(tag) =	ssettag $0x1  }
0x1: {  	s1 =	rddreg [dreg:$0x0]  }
0x2: {  	s0 =	rddreg [dreg:$0x1];
	s2 =	srdreg.scid  }
0x3: {  	s8 =	stileid.u32;
	s12 =	rddreg [dreg:$0x2]  }
0x4: {  	s3 =	rddreg [dreg:$0x3];
	s14 =	simm.s32 $0xE2E0;
	s15 =	simm.s32 $0x7  }
0x5: {  	s16 =	simm.s32 $0x13B0;
	s17 =	simm.s32 $0x1F4;
	s18 =	simm.s32 $0x2760  }
0x6: {  	s20 =	simm.s32 $0x65E0;
	s21 =	simm.s32 $0x1;
	s23 =	simm.s32 $0xA460  }
0x7: {  	s24 =	simm.s32 $0x2;
	s25 =	simm.s32 $0x4;
	s29 =	simm.s32 $0x3  }
0x8: {  	s30 =	simm.s32 $0x5;
	s31 =	simm.s32 $0x2370;
	s6 =	smul.u32 $0x14000, s8  }
0x9: {  	s2 =	sand.u32 $0x1, s2;
	s4 =	sshll.u32 s8, $0x1;
	s10 =	smul.u32 $0xA00, s8  }
0xa: {  	s5 =	sor.u32 s2, s4;
	s7 =	ssub.s32 $0x2, s2;
	s2 =	smul.u32 $0xA000, s2  }
0xb: {  	s19 =	simm.s32 $0x0;
	s4 =	simm.s32 $0x0;
	s5 =	smul.u32 $0x276, s5  }
0xc: {  	[smem:$0x7FF] =	sst s4;
	s26 =	sshrl.u32 s6, $0x2;
	s28 =	sshrl.u32 s7, $0x1  }
0xd: {  	_ =	strace $0x8000004A;
	s13 =	ssub.s32 s7, s28;
	s2 =	sadd.s32 s10, s2  }
0xe: {  	s0 =	sadd.s32 s5, s0;
	s5 =	sadd.s32 s26, s3;
	s12 =	sadd.s32 s12, s2  }
0xf: {  	s13 =	smax.u32 s13, $0x1;
	s2 =	simm.s32 $0x2568;
	s6 =	sadd.s32 $0x1000, s5  }
0x10: {  	s7 =	sadd.s32 $0x2000, s5;
	s8 =	sadd.s32 $0x3000, s5;
	s9 =	sadd.s32 $0x4000, s5  }
0x11: {  	v0 =	vimm.f32 $0.0e+00;
	s10 =	sadd.s32 $0x7600, s0;
	s11 =	sadd.s32 $0x2600, s0;
	s0 =	simm.s32 $0x6  }
.LBB2_1:
0x12: {  	s22 =	simm.s32 $0x80;
	s26 =	simm.s32 $0x0  }
.LBB2_2:
0x13: {  	p0 =	sne.s32 s22, $0x3F80;
	[tilespmem:s26+$0xE2E0] =	vst v0;
	s28 =	smov.u32 s22;
	s22 =	sadd.s32 $0x80, s22  }
.Ltmp0:
0x14: {  	[tilespmem:s26+$0xE2F0] =	vst v0;
	(pc) =	sbr.rel @p0 .LBB2_2-.Ltmp0, $2  }
0x15: {  	_ =	sdelay $0x2  }
0x16: {  	s26 =	sshra.s32 s28, $0x2  }
0x17: {  	[tilespmem:s26+$0xE2E0] =	vst v0  }
0x18: {  	[tilespmem:s26+$0xE2F0] =	vst v0  }
0x19: {  	[spmem:s5] =	stream.linear.scatter [tilespmem:s14], [sflag:$0x7], $0x1000, $0x38;
	[tilespmem:$0x142E0] =	vst v63  }
0x1a: {  	_ =	swait.ge [sflag:s15], $0x1000  }
0x1b: {  	[sflag:s15] =	ssyncset.done $0x0  }
0x1c: {  	[sflag:s15] =	ssyncadd.s32 $0xFFFFF000  }
0x1d: {  	[spmem:s6] =	stream.linear.scatter [tilespmem:s14], [sflag:$0x7], $0x1000, $0x38;
	[tilespmem:$0x142E0] =	vst v63  }
0x1e: {  	_ =	swait.ge [sflag:s15], $0x1000  }
0x1f: {  	[sflag:s15] =	ssyncset.done $0x0  }
0x20: {  	[sflag:s15] =	ssyncadd.s32 $0xFFFFF000  }
0x21: {  	[spmem:s7] =	stream.linear.scatter [tilespmem:s14], [sflag:$0x7], $0x1000, $0x38;
	[tilespmem:$0x142E0] =	vst v63  }
0x22: {  	_ =	swait.ge [sflag:s15], $0x1000  }
0x23: {  	[sflag:s15] =	ssyncset.done $0x0  }
0x24: {  	[sflag:s15] =	ssyncadd.s32 $0xFFFFF000  }
0x25: {  	[spmem:s8] =	stream.linear.scatter [tilespmem:s14], [sflag:$0x7], $0x1000, $0x38;
	[tilespmem:$0x142E0] =	vst v63  }
0x26: {  	_ =	swait.ge [sflag:s15], $0x1000  }
0x27: {  	[sflag:s15] =	ssyncset.done $0x0  }
0x28: {  	[sflag:s15] =	ssyncadd.s32 $0xFFFFF000  }
0x29: {  	[spmem:s9] =	stream.linear.scatter [tilespmem:s14], [sflag:$0x7], $0x1000, $0x38;
	[tilespmem:$0x142E0] =	vst v63  }
0x2a: {  	_ =	swait.ge [sflag:s15], $0x1000  }
0x2b: {  	[sflag:s15] =	ssyncset.done $0x0  }
0x2c: {  	[sflag:s15] =	ssyncadd.s32 $0xFFFFF000  }
0x2d: {  	[tilespmem:s4], [sflag:$0x7] =	stream.linear.gather [hbm4b:s10+s4], $0x13B0, $0x38;
	[tilespmem:$0x142E0] =	vst v63  }
0x2e: {  	_ =	swait.ge [sflag:s15], $0x13B0  }
0x2f: {  	[sflag:s15] =	ssyncset.done $0x0  }
0x30: {  	[sflag:s15] =	ssyncadd.s32 $0xFFFFEC50  }
0x31: {  	[tilespmem:s16], [sflag:$0x7] =	stream.linear.gather [hbm4b:s11+s4], $0x13B0, $0x38;
	[tilespmem:$0x142E0] =	vst v63  }
0x32: {  	_ =	swait.ge [sflag:s15], $0x13B0  }
0x33: {  	[sflag:s15] =	ssyncset.done $0x0  }
0x34: {  	[sflag:s15] =	ssyncadd.s32 $0xFFFFEC50  }
0x35: {  	[bflag:$0x0] =	sbarrier.arrive $0xFFFF  }
0x36: {  	[tilespmem:s18], [sflag:$0x1] =	stream.indirect.gather [hbm4b:s1+s17], $0x20, s4, s17, $0xb8;
	[tilespmem:$0x142E0] =	vst v63  }
0x37: {  	s22 =	simm.s32 $0x1F8  }
0x38: {  	[tilespmem:s20], [sflag:$0x2] =	stream.indirect.gather [hbm4b:s1+s17], $0x20, s22, s17, $0xb8;
	[tilespmem:$0x142E0] =	vst v63  }
0x39: {  	_ =	swait.ge [sflag:s21], $0x3E80  }
0x3a: {  	[sflag:s21] =	ssyncset.done $0x0  }
0x3b: {  	s28 =	simm.s32 $0x3F0;
	[sflag:s21] =	ssyncadd.s32 $0xFFFFC180  }
0x3c: {  	[tilespmem:s23], [sflag:$0x3] =	stream.indirect.gather [hbm4b:s1+s17], $0x20, s28, s17, $0xb8;
	[tilespmem:$0x142E0] =	vst v63  }
0x3d: {  	_ = 	snop  }
0x3e: {  	[spmem:s3] =	stream.indirect.scatter.add.f32 [tilespmem:s18], [sflag:$0x4], $0x20, s16, s17, $0xb8;
	[tilespmem:$0x142E0] =	vst v63  }
0x3f: {  	_ =	swait.ge [sflag:s24], $0x3E80  }
0x40: {  	[sflag:s24] =	ssyncset.done $0x0  }
0x41: {  	[sflag:s24] =	ssyncadd.s32 $0xFFFFC180  }
0x42: {  	_ =	swait.ge [sflag:s25], $0x3E80  }
0x43: {  	[sflag:s25] =	ssyncset.done $0x0  }
0x44: {  	s26 =	simm.s32 $0x5E8;
	[sflag:s25] =	ssyncadd.s32 $0xFFFFC180  }
0x45: {  	[tilespmem:s18], [sflag:$0x1] =	stream.indirect.gather [hbm4b:s1+s17], $0x20, s26, s17, $0xb8;
	[tilespmem:$0x142E0] =	vst v63  }
0x46: {  	s28 =	simm.s32 $0x15A8  }
0x47: {  	[spmem:s3] =	stream.indirect.scatter.add.f32 [tilespmem:s20], [sflag:$0x5], $0x20, s28, s17, $0xb8;
	[tilespmem:$0x142E0] =	vst v63  }
0x48: {  	_ =	swait.ge [sflag:s29], $0x3E80  }
0x49: {  	[sflag:s29] =	ssyncset.done $0x0  }
0x4a: {  	[sflag:s29] =	ssyncadd.s32 $0xFFFFC180  }
0x4b: {  	_ =	swait.ge [sflag:s30], $0x3E80  }
0x4c: {  	[sflag:s30] =	ssyncset.done $0x0  }
0x4d: {  	s26 =	simm.s32 $0x7E0;
	[sflag:s30] =	ssyncadd.s32 $0xFFFFC180  }
0x4e: {  	[tilespmem:s20], [sflag:$0x2] =	stream.indirect.gather [hbm4b:s1+s17], $0x20, s26, s17, $0xb8;
	[tilespmem:$0x142E0] =	vst v63  }
0x4f: {  	s28 =	simm.s32 $0x17A0  }
0x50: {  	[spmem:s3] =	stream.indirect.scatter.add.f32 [tilespmem:s23], [sflag:$0x6], $0x20, s28, s17, $0xb8;
	[tilespmem:$0x142E0] =	vst v63  }
0x51: {  	_ =	swait.ge [sflag:s21], $0x3E80  }
0x52: {  	[sflag:s21] =	ssyncset.done $0x0  }
0x53: {  	[sflag:s21] =	ssyncadd.s32 $0xFFFFC180  }
0x54: {  	_ =	swait.ge [sflag:s0], $0x3E80  }
0x55: {  	[sflag:s0] =	ssyncset.done $0x0  }
0x56: {  	s26 =	simm.s32 $0x9D8;
	[sflag:s0] =	ssyncadd.s32 $0xFFFFC180  }
0x57: {  	[tilespmem:s23], [sflag:$0x3] =	stream.indirect.gather [hbm4b:s1+s17], $0x20, s26, s17, $0xb8;
	[tilespmem:$0x142E0] =	vst v63  }
0x58: {  	s28 =	simm.s32 $0x1998  }
0x59: {  	[spmem:s3] =	stream.indirect.scatter.add.f32 [tilespmem:s18], [sflag:$0x4], $0x20, s28, s17, $0xb8;
	[tilespmem:$0x142E0] =	vst v63  }
0x5a: {  	_ =	swait.ge [sflag:s24], $0x3E80  }
0x5b: {  	[sflag:s24] =	ssyncset.done $0x0  }
0x5c: {  	[sflag:s24] =	ssyncadd.s32 $0xFFFFC180  }
0x5d: {  	_ =	swait.ge [sflag:s25], $0x3E80  }
0x5e: {  	[sflag:s25] =	ssyncset.done $0x0  }
0x5f: {  	s26 =	simm.s32 $0xBD0;
	[sflag:s25] =	ssyncadd.s32 $0xFFFFC180  }
0x60: {  	[tilespmem:s18], [sflag:$0x1] =	stream.indirect.gather [hbm4b:s1+s17], $0x20, s26, s17, $0xb8;
	[tilespmem:$0x142E0] =	vst v63  }
0x61: {  	s28 =	simm.s32 $0x1B90  }
0x62: {  	[spmem:s3] =	stream.indirect.scatter.add.f32 [tilespmem:s20], [sflag:$0x5], $0x20, s28, s17, $0xb8;
	[tilespmem:$0x142E0] =	vst v63  }
0x63: {  	_ =	swait.ge [sflag:s29], $0x3E80  }
0x64: {  	[sflag:s29] =	ssyncset.done $0x0  }
0x65: {  	[sflag:s29] =	ssyncadd.s32 $0xFFFFC180  }
0x66: {  	_ =	swait.ge [sflag:s30], $0x3E80  }
0x67: {  	[sflag:s30] =	ssyncset.done $0x0  }
0x68: {  	s26 =	simm.s32 $0xDC8;
	[sflag:s30] =	ssyncadd.s32 $0xFFFFC180  }
0x69: {  	[tilespmem:s20], [sflag:$0x2] =	stream.indirect.gather [hbm4b:s1+s17], $0x20, s26, s17, $0xb8;
	[tilespmem:$0x142E0] =	vst v63  }
0x6a: {  	s28 =	simm.s32 $0x1D88  }
0x6b: {  	[spmem:s3] =	stream.indirect.scatter.add.f32 [tilespmem:s23], [sflag:$0x6], $0x20, s28, s17, $0xb8;
	[tilespmem:$0x142E0] =	vst v63  }
0x6c: {  	_ =	swait.ge [sflag:s21], $0x3E80  }
0x6d: {  	[sflag:s21] =	ssyncset.done $0x0  }
0x6e: {  	[sflag:s21] =	ssyncadd.s32 $0xFFFFC180  }
0x6f: {  	_ =	swait.ge [sflag:s0], $0x3E80  }
0x70: {  	[sflag:s0] =	ssyncset.done $0x0  }
0x71: {  	s26 =	simm.s32 $0xFC0;
	[sflag:s0] =	ssyncadd.s32 $0xFFFFC180  }
0x72: {  	[tilespmem:s23], [sflag:$0x3] =	stream.indirect.gather [hbm4b:s1+s17], $0x20, s26, s17, $0xb8;
	[tilespmem:$0x142E0] =	vst v63  }
0x73: {  	s28 =	simm.s32 $0x1F80  }
0x74: {  	[spmem:s3] =	stream.indirect.scatter.add.f32 [tilespmem:s18], [sflag:$0x4], $0x20, s28, s17, $0xb8;
	[tilespmem:$0x142E0] =	vst v63  }
0x75: {  	_ =	swait.ge [sflag:s24], $0x3E80  }
0x76: {  	[sflag:s24] =	ssyncset.done $0x0  }
0x77: {  	[sflag:s24] =	ssyncadd.s32 $0xFFFFC180  }
0x78: {  	_ =	swait.ge [sflag:s25], $0x3E80  }
0x79: {  	[sflag:s25] =	ssyncset.done $0x0  }
0x7a: {  	s26 =	simm.s32 $0x11B8;
	[sflag:s25] =	ssyncadd.s32 $0xFFFFC180  }
0x7b: {  	[tilespmem:s18], [sflag:$0x1] =	stream.indirect.gather [hbm4b:s1+s17], $0x20, s26, s17, $0xb8;
	[tilespmem:$0x142E0] =	vst v63  }
0x7c: {  	s28 =	simm.s32 $0x2178  }
0x7d: {  	[spmem:s3] =	stream.indirect.scatter.add.f32 [tilespmem:s20], [sflag:$0x5], $0x20, s28, s17, $0xb8;
	[tilespmem:$0x142E0] =	vst v63  }
0x7e: {  	_ =	swait.ge [sflag:s29], $0x3E80  }
0x7f: {  	[sflag:s29] =	ssyncset.done $0x0  }
0x80: {  	[sflag:s29] =	ssyncadd.s32 $0xFFFFC180  }
0x81: {  	[spmem:s3] =	stream.indirect.scatter.add.f32 [tilespmem:s23], [sflag:$0x6], $0x20, s31, s17, $0xb8;
	[tilespmem:$0x142E0] =	vst v63  }
0x82: {  	_ =	swait.ge [sflag:s21], $0x3E80  }
0x83: {  	[sflag:s21] =	ssyncset.done $0x0  }
0x84: {  	[sflag:s21] =	ssyncadd.s32 $0xFFFFC180  }
0x85: {  	[spmem:s3] =	stream.indirect.scatter.add.f32 [tilespmem:s18], [sflag:$0x4], $0x20, s2, s17, $0xb8;
	[tilespmem:$0x142E0] =	vst v63  }
0x86: {  	_ =	swait.ge [sflag:s30], $0x3E80  }
0x87: {  	[sflag:s30] =	ssyncset.done $0x0  }
0x88: {  	[sflag:s30] =	ssyncadd.s32 $0xFFFFC180  }
0x89: {  	_ =	swait.ge [sflag:s0], $0x3E80  }
0x8a: {  	[sflag:s0] =	ssyncset.done $0x0  }
0x8b: {  	[sflag:s0] =	ssyncadd.s32 $0xFFFFC180  }
0x8c: {  	s26 =	stileid.u32;
	_ =	swait.ge [sflag:s25], $0x3E80  }
0x8d: {  	s19 =	sadd.s32 $0x1, s19;
	s22 =	sshll.u32 s26, $0x6;
	[sflag:s25] =	ssyncset.done $0x0  }
0x8e: {  	p0 =	sne.s32 s19, s13;
	s22 =	sor.u32 $0x1C07, s22;
	[sflag:s25] =	ssyncadd.s32 $0xFFFFC180  }
.Ltmp1:
0x8f: {  	s28 =	sshrl.u32 s5, $0x3;
	[bflag:$0x0] =	sbarrier.arrive $0xFFFF;
	(pc) =	sbr.rel @p0 .LBB2_1-.Ltmp1, $4  }
0x90: {  	[hbm:s12], [sflag:s22] =	dma.local [spmem:s28], $0xA00  }
0x91: {  	_ =	swait.ge [sflag:s15], $0xA00  }
0x92: {  	[sflag:s15] =	ssyncset.done $0x0  }
0x93: {  	[sflag:s15] =	ssyncadd.s32 $0xFFFFF600  }
0x94: {  	_ =	sfence.sel $0x180000  }
0x95: {  	[bflag:$0x0] =	sbarrier.arrive $0xFFFF  }
0x96: {  	_ =	strace $0x9000004A  }
0x97: {  	s0 =	stileid.u32;
	[bflag:$0x2] =	sbarrier.arrive $0xFFFF  }
0x98: {  	p0 =	sne.s32 s0, $0x0;
	s0 =	rddreg [dreg:$0x4]  }
0x99: {  	s0 =	sadd.s32 @!p0 $0x100000, s0  }
0x9a: {  	[sflag:s0] =	ssyncadd.tile.s32 @!p0 $0x1;
	_ =	shalt  }
.Lfunc_end2:
_tile_overlayer_lowered:
.L_overlay_start_2:
0x9b: {  	(tag) =	ssettag $0x2  }
0x9c: {  	s0 =	rddreg [dreg:$0x0];
	s2 =	stileid.u32  }
0x9d: {  	s1 =	rddreg [dreg:$0x1];
	p0 =	sne.s32 s2, $0x0  }
0x9e: {  	s3 =	rddreg [dreg:$0x2];
	[bflag:$0x3] =	sbarrier.arrive $0xFFFF;
	s2 =	simm.s32 @!p0 $0x1C07  }
0x9f: {  	[timem:s3], [sflag:s2] =	dma.local @!p0 [hbm:s0], s1  }
0xa0: {  	s0 =	simm.s32 @!p0 $0x7  }
0xa1: {  	_ =	swait.ge @!p0 [sflag:s0], s1  }
0xa2: {  	s1 =	ssub.s32 @!p0 $0x0, s1;
	[sflag:s0] =	ssyncset.done @!p0 $0x0  }
0xa3: {  	[sflag:s0] =	ssyncadd.s32 @!p0 s1  }
0xa4: {  	[bflag:$0x3] =	sbarrier.arrive $0xFFFF  }
0xa5: {  	_ =	shalt  }

// kernel: kernel.17.cloned.1.call-start
scs
__scs_entry_jumppad:
0x0: {  	(pc) =	sbr.rel $0x88, $3  }
0x1: {  	(tag) =	ssettag $0x0;
	lr =	simm.s32 $0x1  }
0x2: {  	[smem:$0x3F93] =	sst lr;
	_ =	strace $0xD0000000  }
0x3: {  	_ = 	snop  }
0x4: {  	_ = 	snop  }
0x5: {  	_ = 	snop  }
0x6: {  	_ = 	snop  }
0x7: {  	_ = 	snop  }
__scs_overlays_trampoline_lowered:
0x8: {  	[smem:$0x3FA2] =	sst s0  }
0x9: {  	[smem:$0x3FA3] =	sst s1  }
0xa: {  	[smem:$0x3FA4] =	sst s2  }
0xb: {  	[smem:$0x3FA5] =	sst s3  }
0xc: {  	[smem:$0x3FA6] =	sst s4  }
0xd: {  	[smem:$0x3FA7] =	sst s5  }
0xe: {  	[smem:$0x3FA8] =	sst s6  }
0xf: {  	[smem:$0x3FA9] =	sst s7  }
0x10: {  	[smem:$0x3FAA] =	sst s8  }
0x11: {  	[smem:$0x3FAB] =	sst s9;
	s0 =	simm.s32 @!p0 $0x0  }
0x12: {  	s1 =	sld [smem:$0x3F91];
	s0 =	simm.s32 @p0 $0x1  }
0x13: {  	[smem:$0x3FAC] =	sst s0;
	s0 =	simm.s32 @!p1 $0x0  }
0x14: {  	s2 =	sld [smem:$0x3F90];
	s0 =	simm.s32 @p1 $0x1  }
0x15: {  	[smem:$0x3FAD] =	sst s0;
	s0 =	simm.s32 @!p2 $0x0  }
0x16: {  	s3 =	sld [smem:$0x3FDB];
	s0 =	simm.s32 @p2 $0x1  }
0x17: {  	s4 =	simm.s32 $0x1BF5;
	[smem:$0x3FAF] =	sst s0  }
0x18: {  	s0 =	sld [smem:$0x3F92];
	_ =	swait.ge [sflag:s4], $0x0  }
0x19: {  	s7 =	sld [smem:$0x3F93]  }
0x1a: {  	s8 =	sadd.s32 $0xFFFFE003, lr  }
0x1b: {  	s9 =	sadd.s32 $0xFFFFFEF7, lr;
	s5 =	simm.s32 $0xFFFFFFFF;
	p2 =	slt.u32 s8, $0xFFFFF086  }
0x1c: {  	p1 =	slt.u32 s9, $0xF7A;
	s5 =	simm.s32 @!p2 $0x0  }
0x1d: {  	s5 =	simm.s32 @p1 $0x1;
	p0 =	seq.s32 s7, s2  }
0x1e: {  	s7 =	smul.u32 @!p0 $0xF7A, s2;
	p2 =	seq.s32 @!p0 s5, $0x0  }
0x1f: {  	s9 =	smul.u32 $0xF7A, s1;
	s8 =	simm.s32 @!p0 $0x1BF5;
	p2 =	por !p2, p0  }
0x20: {  	[sflag:s8] =	ssyncset.s32 @!p0 $0xFFFFF086;
	s6 =	sadd.s32 @!p0 s3, s7;
	s7 =	simm.s32 @!p0 $0x108  }
0x21: {  	s3 =	sadd.s32 s3, s9;
	s6 =	sadd.s32 @!p0 $0x88, s6;
	s7 =	simm.s32 @p2 $0x1082  }
0x22: {  	[simem:s7], [sflag:s8] =	dma.local @!p0 [hbm:s6], $0xF7A  }
0x23: {  	s9 =	sor.u32 $0xD0000000, s2;
	s6 =	simm.s32 $0x108;
	_ =	swait.ge @!p0 [sflag:s8], $0x0  }
0x24: {  	s3 =	sadd.s32 $0x88, s3;
	s6 =	simm.s32 @!p1 $0x1082;
	[sflag:s4] =	ssyncset.s32 $0xFFFFF086  }
0x25: {  	[simem:s6], [sflag:s4] =	dma.local [hbm:s3], $0xF7A  }
0x26: {  	[smem:$0x3F93] =	sst s1;
	(tag) =	ssettag s2;
	_ =	strace s9  }
0x27: {  	s1 =	sld [smem:$0x3FA3]  }
0x28: {  	s2 =	sld [smem:$0x3FA4]  }
0x29: {  	s4 =	sld [smem:$0x3FA6]  }
0x2a: {  	p0 =	seq.s32 s5, $0x0;
	s5 =	sld [smem:$0x3FA7]  }
0x2b: {  	s6 =	sld [smem:$0x3FA8]  }
0x2c: {  	s7 =	sld [smem:$0x3FA9]  }
0x2d: {  	s3 =	simm.s32 $0x108;
	s8 =	sld [smem:$0x3FAA]  }
0x2e: {  	s3 =	simm.s32 @!p0 $0x1082;
	s9 =	sld [smem:$0x3FAB]  }
0x2f: {  	lr =	sadd.s32 s0, s3;
	s0 =	sld [smem:$0x3FA2]  }
0x30: {  	s3 =	sld [smem:$0x3FA5]  }
0x31: {  	[smem:$0x3FAE] =	sst s10  }
0x32: {  	s10 =	sld [smem:$0x3FAC];
	_ =	sdelay $0x3  }
0x33: {  	p0 =	seq.s32 s10, $0x1;
	s10 =	sld [smem:$0x3FAE];
	_ =	sdelay $0x3  }
0x34: {  	[smem:$0x3FAE] =	sst s10  }
0x35: {  	s10 =	sld [smem:$0x3FAD];
	_ =	sdelay $0x3  }
0x36: {  	p1 =	seq.s32 s10, $0x1;
	s10 =	sld [smem:$0x3FAE];
	_ =	sdelay $0x3  }
0x37: {  	[smem:$0x3FAE] =	sst s10  }
0x38: {  	s10 =	sld [smem:$0x3FAF]  }
0x39: {  	_ = 	snop;
	(pc) =	sbr.ind lr, $3  }
0x3a: {  	_ = 	snop  }
0x3b: {  	_ = 	snop  }
0x3c: {  	p2 =	seq.s32 s10, $0x1;
	s10 =	sld [smem:$0x3FAE]  }
0x3d: {  	_ =	shalt  }
0x3e: {  	_ =	shalt  }
0x3f: {  	_ =	shalt  }
0x40: {  	_ =	shalt  }
0x41: {  	_ =	shalt  }
0x42: {  	_ =	shalt  }
0x43: {  	_ =	shalt  }
0x44: {  	_ =	shalt  }
0x45: {  	_ =	shalt  }
0x46: {  	_ =	shalt  }
0x47: {  	_ =	shalt  }
0x48: {  	_ =	shalt  }
0x49: {  	_ =	shalt  }
0x4a: {  	_ =	shalt  }
0x4b: {  	_ =	shalt  }
0x4c: {  	_ =	shalt  }
0x4d: {  	_ =	shalt  }
0x4e: {  	_ =	shalt  }
0x4f: {  	_ =	shalt  }
0x50: {  	_ =	shalt  }
0x51: {  	_ =	shalt  }
0x52: {  	_ =	shalt  }
0x53: {  	_ =	shalt  }
0x54: {  	_ =	shalt  }
0x55: {  	_ =	shalt  }
0x56: {  	_ =	shalt  }
0x57: {  	_ =	shalt  }
0x58: {  	_ =	shalt  }
0x59: {  	_ =	shalt  }
0x5a: {  	_ =	shalt  }
0x5b: {  	_ =	shalt  }
0x5c: {  	_ =	shalt  }
0x5d: {  	_ =	shalt  }
0x5e: {  	_ =	shalt  }
0x5f: {  	_ =	shalt  }
0x60: {  	_ =	shalt  }
0x61: {  	_ =	shalt  }
0x62: {  	_ =	shalt  }
0x63: {  	_ =	shalt  }
0x64: {  	_ =	shalt  }
0x65: {  	_ =	shalt  }
0x66: {  	_ =	shalt  }
0x67: {  	_ =	shalt  }
0x68: {  	_ =	shalt  }
0x69: {  	_ =	shalt  }
0x6a: {  	_ =	shalt  }
0x6b: {  	_ =	shalt  }
0x6c: {  	_ =	shalt  }
0x6d: {  	_ =	shalt  }
0x6e: {  	_ =	shalt  }
0x6f: {  	_ =	shalt  }
0x70: {  	_ =	shalt  }
0x71: {  	_ =	shalt  }
0x72: {  	_ =	shalt  }
0x73: {  	_ =	shalt  }
0x74: {  	_ =	shalt  }
0x75: {  	_ =	shalt  }
0x76: {  	_ =	shalt  }
0x77: {  	_ =	shalt  }
0x78: {  	_ =	shalt  }
0x79: {  	_ =	shalt  }
0x7a: {  	_ =	shalt  }
0x7b: {  	_ =	shalt  }
0x7c: {  	_ =	shalt  }
0x7d: {  	_ =	shalt  }
0x7e: {  	_ =	shalt  }
0x7f: {  	_ =	shalt  }
0x80: {  	_ =	shalt  }
0x81: {  	_ =	shalt  }
0x82: {  	_ =	shalt  }
0x83: {  	_ =	shalt  }
0x84: {  	_ =	shalt  }
0x85: {  	_ =	shalt  }
0x86: {  	_ =	shalt  }
0x87: {  	_ =	shalt  }
.Lfunc_end0:
.L_simem_size_0:
called_computation.2_lowered:
.L_overlay_start_0:
0x88: {  	s2 =	sld [smem:$0x3FD9]  }
0x89: {  	s3 =	sld [smem:$0x3FFE];
	_ =	sdelay $0x1  }
0x8a: {  	s1 =	srdreg.scid  }
0x8b: {  	s0 =	sand.u32 $0x1, s1  }
0x8c: {  	s14 =	sshll.u32 s0, $0xA;
	s2 =	sadd.s32 s3, s2  }
0x8d: {  	s2 =	sadd.s32 s2, s14  }
0x8e: {  	[smem:$0x3FBA] =	sst s2  }
0x8f: {  	_ = 	snop  }
0x90: {  	s2 =	sld [smem:$0x3FD0];
	_ =	sdelay $0x2  }
0x91: {  	s15 =	simm.s32 $0xA;
	s4 =	simm.s32 $0x10  }
0x92: {  	[smem:s4], [sflag:s15] =	dma.local [hbm:s2], $0x1  }
0x93: {  	_ =	swait.eq [sflag:s15], $0x1  }
0x94: {  	[sflag:s15] =	ssyncset.done $0x0  }
0x95: {  	s16 =	sld [smem:$0x10];
	[sflag:s15] =	ssyncadd.s32 $0xFFFFFFFF  }
0x96: {  	s17 =	sld [smem:$0x11];
	(tm) =	ssettm $0x1  }
0x97: {  	s18 =	sld [smem:$0x3FFB];
	_ =	sdelay $0x3  }
0x98: {  	_ =	strace s18  }
0x99: {  	s4 =	sld [smem:$0x3FFC];
	_ =	sdelay $0x3  }
0x9a: {  	_ =	strace s4  }
0x9b: {  	s4 =	sld [smem:$0x3FFD];
	_ =	sdelay $0x3  }
0x9c: {  	_ =	strace s4  }
0x9d: {  	_ =	strace $0x8FFFFFFF  }
0x9e: {  	s19 =	sld [smem:$0x3FDB];
	_ =	sdelay $0x1  }
0x9f: {  	s5 =	simm.s32 $_scs_section_size  }
0xa0: {  	s6 =	simm.s32 $_size__tile_overlayer_lowered;
	s7 =	simm.s32 $_tile_overlayer_lowered  }
0xa1: {  	s22 =	simm.s32 $0x1BFF;
	s21 =	sshll.u32 s7, $0x1;
	s4 =	sadd.s32 s5, s19  }
0xa2: {  	s8 =	simm.s32 $0x0;
	s20 =	sshll.u32 s6, $0x1;
	s6 =	sadd.s32 s21, s4  }
0xa3: {  	[timem:s8], [sflag:s22] =	dma.local [hbm:s6], s20  }
0xa4: {  	_ =	swait.ge [sflag:s22], s20  }
0xa5: {  	s5 =	ssub.s32 $0x0, s20;
	[sflag:s22] =	ssyncset.done $0x0  }
0xa6: {  	[sflag:s22] =	ssyncadd.s32 s5;
	_ =	sdelay $0x1  }
0xa7: {  	s23 =	simm.s32 $0x1B8B  }
0xa8: {  	_ =	swait.ge [sflag:s23], $0x1  }
0xa9: {  	[sflag:s23] =	ssyncset.done $0x0  }
0xaa: {  	s25 =	simm.s32 $0x1B8E;
	s24 =	sld [smem:$0x3FFE];
	[sflag:s23] =	ssyncadd.s32 $0xFFFFFFFF  }
0xab: {  	s26 =	simm.s32 $execute0_lowered;
	[smem:$0x3FD2] =	sst s25  }
0xac: {  	s6 =	sshll.u32 s26, $0x1;
	_ =	strace $0x8000004C;
	[dreg:$0x1] =	wrdreg $0xFFFFFFFF  }
0xad: {  	s28 =	simm.s32 $_size_execute0_lowered;
	s4 =	sadd.s32 s4, s6;
	[dreg:$0x0] =	wrdreg $0x0  }
0xae: {  	s6 =	sshll.u32 s28, $0x1;
	[dreg:$0x2] =	wrdreg s4  }
0xaf: {  	[dreg:$0x3] =	wrdreg s6  }
0xb0: {  	[dreg:$0x4] =	wrdreg $0xC0  }
0xb1: {  	_ =	task [dreg:s8], $0x5FFFF  }
0xb2: {  	[dreg:$0x1] =	wrdreg $0xFFFFFFFF  }
0xb3: {  	[dreg:$0x0] =	wrdreg $0x60  }
0xb4: {  	[dreg:$0x2] =	wrdreg s16  }
0xb5: {  	[dreg:$0x3] =	wrdreg s24  }
0xb6: {  	[dreg:$0x4] =	wrdreg s17  }
0xb7: {  	[dreg:$0x5] =	wrdreg $0xF2E00  }
0xb8: {  	[dreg:$0x6] =	wrdreg $0x9  }
0xb9: {  	_ =	task.clear_ibuf [dreg:s8], $0x7FFFF;
	_ =	strace $0x9000004C  }
0xba: {  	s29 =	simm.s32 $0x9;
	_ =	strace $0x8000004E  }
0xbb: {  	_ =	swait.ge [sflag:s29], $0x1  }
0xbc: {  	[sflag:s29] =	ssyncadd.s32 $0xFFFFFFFF  }
0xbd: {  	_ =	strace $0x9000004E  }
0xbe: {  	_ =	sfence  }
0xbf: {  	s30 =	sld [smem:$0x0];
	_ =	sdelay $0x2  }
0xc0: {  	s31 =	sshll.u32 s1, $0xD;
	s1 =	sshrl.u32 s1, $0x2  }
0xc1: {  	s3 =	sand.u32 $0x4000, s31;
	s1 =	sadd.s32 s1, s30  }
0xc2: {  	s0 =	sor.u32 s3, s0;
	s1 =	sshll.u32 s1, $0x11  }
0xc3: {  	s0 =	sor.u32 s1, s0  }
0xc4: {  	s0 =	sadd.s32 $0x8F2B, s0  }
0xc5: {  	[sflag:s0] =	ssyncadd.remote.s32 $0x1  }
0xc6: {  	_ =	sfence.sel $0xFFFF  }
0xc7: {  	[dreg:$0x0] =	wrdreg $0xFFFFFFFF;
	(pc) =	sbr.abs _section_cstart, $3  }
0xc8: {  	[dreg:$0x1] =	wrdreg $0xFFFFFFFF  }
0xc9: {  	_ =	task.clear_ibuf [dreg:s8], $0x2FFFF;
	_ =	strace $0x9FFFFFFF  }
0xca: {  	(tm) =	ssettm $0x7FFFFFFF  }
0xcb: {  	_ =	shalt  }
tec
execute0_lowered:
.L_overlay_start_1:
0x0: {  	(tag) =	ssettag $0x1  }
0x1: {  	s1 =	rddreg [dreg:$0x0]  }
0x2: {  	s0 =	rddreg [dreg:$0x1];
	s2 =	srdreg.scid  }
0x3: {  	s8 =	stileid.u32;
	s12 =	rddreg [dreg:$0x2]  }
0x4: {  	s3 =	rddreg [dreg:$0x3];
	s14 =	simm.s32 $0xE2E0;
	s15 =	simm.s32 $0x7  }
0x5: {  	s16 =	simm.s32 $0x13B0;
	s17 =	simm.s32 $0x1F4;
	s18 =	simm.s32 $0x2760  }
0x6: {  	s20 =	simm.s32 $0x65E0;
	s21 =	simm.s32 $0x1;
	s23 =	simm.s32 $0xA460  }
0x7: {  	s24 =	simm.s32 $0x2;
	s25 =	simm.s32 $0x4;
	s29 =	simm.s32 $0x3  }
0x8: {  	s30 =	simm.s32 $0x5;
	s31 =	simm.s32 $0x2370;
	s6 =	smul.u32 $0x14000, s8  }
0x9: {  	s2 =	sand.u32 $0x1, s2;
	s4 =	sshll.u32 s8, $0x1;
	s10 =	smul.u32 $0xA00, s8  }
0xa: {  	s5 =	sor.u32 s2, s4;
	s7 =	ssub.s32 $0x2, s2;
	s2 =	smul.u32 $0xA000, s2  }
0xb: {  	s19 =	simm.s32 $0x0;
	s4 =	simm.s32 $0x0;
	s5 =	smul.u32 $0x276, s5  }
0xc: {  	[smem:$0x7FF] =	sst s4;
	s26 =	sshrl.u32 s6, $0x2;
	s28 =	sshrl.u32 s7, $0x1  }
0xd: {  	_ =	strace $0x8000004D;
	s13 =	ssub.s32 s7, s28;
	s2 =	sadd.s32 s10, s2  }
0xe: {  	s0 =	sadd.s32 s5, s0;
	s5 =	sadd.s32 s26, s3;
	s12 =	sadd.s32 s12, s2  }
0xf: {  	s13 =	smax.u32 s13, $0x1;
	s2 =	simm.s32 $0x2568;
	s6 =	sadd.s32 $0x1000, s5  }
0x10: {  	s7 =	sadd.s32 $0x2000, s5;
	s8 =	sadd.s32 $0x3000, s5;
	s9 =	sadd.s32 $0x4000, s5  }
0x11: {  	v0 =	vimm.f32 $0.0e+00;
	s10 =	sadd.s32 $0x7600, s0;
	s11 =	sadd.s32 $0x2600, s0;
	s0 =	simm.s32 $0x6  }
.LBB2_1:
0x12: {  	s22 =	simm.s32 $0x80;
	s26 =	simm.s32 $0x0  }
.LBB2_2:
0x13: {  	p0 =	sne.s32 s22, $0x3F80;
	[tilespmem:s26+$0xE2E0] =	vst v0;
	s28 =	smov.u32 s22;
	s22 =	sadd.s32 $0x80, s22  }
.Ltmp0:
0x14: {  	[tilespmem:s26+$0xE2F0] =	vst v0;
	(pc) =	sbr.rel @p0 .LBB2_2-.Ltmp0, $2  }
0x15: {  	_ =	sdelay $0x2  }
0x16: {  	s26 =	sshra.s32 s28, $0x2  }
0x17: {  	[tilespmem:s26+$0xE2E0] =	vst v0  }
0x18: {  	[tilespmem:s26+$0xE2F0] =	vst v0  }
0x19: {  	[spmem:s5] =	stream.linear.scatter [tilespmem:s14], [sflag:$0x7], $0x1000, $0x38;
	[tilespmem:$0x142E0] =	vst v63  }
0x1a: {  	_ =	swait.ge [sflag:s15], $0x1000  }
0x1b: {  	[sflag:s15] =	ssyncset.done $0x0  }
0x1c: {  	[sflag:s15] =	ssyncadd.s32 $0xFFFFF000  }
0x1d: {  	[spmem:s6] =	stream.linear.scatter [tilespmem:s14], [sflag:$0x7], $0x1000, $0x38;
	[tilespmem:$0x142E0] =	vst v63  }
0x1e: {  	_ =	swait.ge [sflag:s15], $0x1000  }
0x1f: {  	[sflag:s15] =	ssyncset.done $0x0  }
0x20: {  	[sflag:s15] =	ssyncadd.s32 $0xFFFFF000  }
0x21: {  	[spmem:s7] =	stream.linear.scatter [tilespmem:s14], [sflag:$0x7], $0x1000, $0x38;
	[tilespmem:$0x142E0] =	vst v63  }
0x22: {  	_ =	swait.ge [sflag:s15], $0x1000  }
0x23: {  	[sflag:s15] =	ssyncset.done $0x0  }
0x24: {  	[sflag:s15] =	ssyncadd.s32 $0xFFFFF000  }
0x25: {  	[spmem:s8] =	stream.linear.scatter [tilespmem:s14], [sflag:$0x7], $0x1000, $0x38;
	[tilespmem:$0x142E0] =	vst v63  }
0x26: {  	_ =	swait.ge [sflag:s15], $0x1000  }
0x27: {  	[sflag:s15] =	ssyncset.done $0x0  }
0x28: {  	[sflag:s15] =	ssyncadd.s32 $0xFFFFF000  }
0x29: {  	[spmem:s9] =	stream.linear.scatter [tilespmem:s14], [sflag:$0x7], $0x1000, $0x38;
	[tilespmem:$0x142E0] =	vst v63  }
0x2a: {  	_ =	swait.ge [sflag:s15], $0x1000  }
0x2b: {  	[sflag:s15] =	ssyncset.done $0x0  }
0x2c: {  	[sflag:s15] =	ssyncadd.s32 $0xFFFFF000  }
0x2d: {  	[tilespmem:s4], [sflag:$0x7] =	stream.linear.gather [hbm4b:s10+s4], $0x13B0, $0x38;
	[tilespmem:$0x142E0] =	vst v63  }
0x2e: {  	_ =	swait.ge [sflag:s15], $0x13B0  }
0x2f: {  	[sflag:s15] =	ssyncset.done $0x0  }
0x30: {  	[sflag:s15] =	ssyncadd.s32 $0xFFFFEC50  }
0x31: {  	[tilespmem:s16], [sflag:$0x7] =	stream.linear.gather [hbm4b:s11+s4], $0x13B0, $0x38;
	[tilespmem:$0x142E0] =	vst v63  }
0x32: {  	_ =	swait.ge [sflag:s15], $0x13B0  }
0x33: {  	[sflag:s15] =	ssyncset.done $0x0  }
0x34: {  	[sflag:s15] =	ssyncadd.s32 $0xFFFFEC50  }
0x35: {  	[bflag:$0x0] =	sbarrier.arrive $0xFFFF  }
0x36: {  	[tilespmem:s18], [sflag:$0x1] =	stream.indirect.gather [hbm4b:s1+s17], $0x20, s4, s17, $0xb8;
	[tilespmem:$0x142E0] =	vst v63  }
0x37: {  	s22 =	simm.s32 $0x1F8  }
0x38: {  	[tilespmem:s20], [sflag:$0x2] =	stream.indirect.gather [hbm4b:s1+s17], $0x20, s22, s17, $0xb8;
	[tilespmem:$0x142E0] =	vst v63  }
0x39: {  	_ =	swait.ge [sflag:s21], $0x3E80  }
0x3a: {  	[sflag:s21] =	ssyncset.done $0x0  }
0x3b: {  	s28 =	simm.s32 $0x3F0;
	[sflag:s21] =	ssyncadd.s32 $0xFFFFC180  }
0x3c: {  	[tilespmem:s23], [sflag:$0x3] =	stream.indirect.gather [hbm4b:s1+s17], $0x20, s28, s17, $0xb8;
	[tilespmem:$0x142E0] =	vst v63  }
0x3d: {  	_ = 	snop  }
0x3e: {  	[spmem:s3] =	stream.indirect.scatter.add.f32 [tilespmem:s18], [sflag:$0x4], $0x20, s16, s17, $0xb8;
	[tilespmem:$0x142E0] =	vst v63  }
0x3f: {  	_ =	swait.ge [sflag:s24], $0x3E80  }
0x40: {  	[sflag:s24] =	ssyncset.done $0x0  }
0x41: {  	[sflag:s24] =	ssyncadd.s32 $0xFFFFC180  }
0x42: {  	_ =	swait.ge [sflag:s25], $0x3E80  }
0x43: {  	[sflag:s25] =	ssyncset.done $0x0  }
0x44: {  	s26 =	simm.s32 $0x5E8;
	[sflag:s25] =	ssyncadd.s32 $0xFFFFC180  }
0x45: {  	[tilespmem:s18], [sflag:$0x1] =	stream.indirect.gather [hbm4b:s1+s17], $0x20, s26, s17, $0xb8;
	[tilespmem:$0x142E0] =	vst v63  }
0x46: {  	s28 =	simm.s32 $0x15A8  }
0x47: {  	[spmem:s3] =	stream.indirect.scatter.add.f32 [tilespmem:s20], [sflag:$0x5], $0x20, s28, s17, $0xb8;
	[tilespmem:$0x142E0] =	vst v63  }
0x48: {  	_ =	swait.ge [sflag:s29], $0x3E80  }
0x49: {  	[sflag:s29] =	ssyncset.done $0x0  }
0x4a: {  	[sflag:s29] =	ssyncadd.s32 $0xFFFFC180  }
0x4b: {  	_ =	swait.ge [sflag:s30], $0x3E80  }
0x4c: {  	[sflag:s30] =	ssyncset.done $0x0  }
0x4d: {  	s26 =	simm.s32 $0x7E0;
	[sflag:s30] =	ssyncadd.s32 $0xFFFFC180  }
0x4e: {  	[tilespmem:s20], [sflag:$0x2] =	stream.indirect.gather [hbm4b:s1+s17], $0x20, s26, s17, $0xb8;
	[tilespmem:$0x142E0] =	vst v63  }
0x4f: {  	s28 =	simm.s32 $0x17A0  }
0x50: {  	[spmem:s3] =	stream.indirect.scatter.add.f32 [tilespmem:s23], [sflag:$0x6], $0x20, s28, s17, $0xb8;
	[tilespmem:$0x142E0] =	vst v63  }
0x51: {  	_ =	swait.ge [sflag:s21], $0x3E80  }
0x52: {  	[sflag:s21] =	ssyncset.done $0x0  }
0x53: {  	[sflag:s21] =	ssyncadd.s32 $0xFFFFC180  }
0x54: {  	_ =	swait.ge [sflag:s0], $0x3E80  }
0x55: {  	[sflag:s0] =	ssyncset.done $0x0  }
0x56: {  	s26 =	simm.s32 $0x9D8;
	[sflag:s0] =	ssyncadd.s32 $0xFFFFC180  }
0x57: {  	[tilespmem:s23], [sflag:$0x3] =	stream.indirect.gather [hbm4b:s1+s17], $0x20, s26, s17, $0xb8;
	[tilespmem:$0x142E0] =	vst v63  }
0x58: {  	s28 =	simm.s32 $0x1998  }
0x59: {  	[spmem:s3] =	stream.indirect.scatter.add.f32 [tilespmem:s18], [sflag:$0x4], $0x20, s28, s17, $0xb8;
	[tilespmem:$0x142E0] =	vst v63  }
0x5a: {  	_ =	swait.ge [sflag:s24], $0x3E80  }
0x5b: {  	[sflag:s24] =	ssyncset.done $0x0  }
0x5c: {  	[sflag:s24] =	ssyncadd.s32 $0xFFFFC180  }
0x5d: {  	_ =	swait.ge [sflag:s25], $0x3E80  }
0x5e: {  	[sflag:s25] =	ssyncset.done $0x0  }
0x5f: {  	s26 =	simm.s32 $0xBD0;
	[sflag:s25] =	ssyncadd.s32 $0xFFFFC180  }
0x60: {  	[tilespmem:s18], [sflag:$0x1] =	stream.indirect.gather [hbm4b:s1+s17], $0x20, s26, s17, $0xb8;
	[tilespmem:$0x142E0] =	vst v63  }
0x61: {  	s28 =	simm.s32 $0x1B90  }
0x62: {  	[spmem:s3] =	stream.indirect.scatter.add.f32 [tilespmem:s20], [sflag:$0x5], $0x20, s28, s17, $0xb8;
	[tilespmem:$0x142E0] =	vst v63  }
0x63: {  	_ =	swait.ge [sflag:s29], $0x3E80  }
0x64: {  	[sflag:s29] =	ssyncset.done $0x0  }
0x65: {  	[sflag:s29] =	ssyncadd.s32 $0xFFFFC180  }
0x66: {  	_ =	swait.ge [sflag:s30], $0x3E80  }
0x67: {  	[sflag:s30] =	ssyncset.done $0x0  }
0x68: {  	s26 =	simm.s32 $0xDC8;
	[sflag:s30] =	ssyncadd.s32 $0xFFFFC180  }
0x69: {  	[tilespmem:s20], [sflag:$0x2] =	stream.indirect.gather [hbm4b:s1+s17], $0x20, s26, s17, $0xb8;
	[tilespmem:$0x142E0] =	vst v63  }
0x6a: {  	s28 =	simm.s32 $0x1D88  }
0x6b: {  	[spmem:s3] =	stream.indirect.scatter.add.f32 [tilespmem:s23], [sflag:$0x6], $0x20, s28, s17, $0xb8;
	[tilespmem:$0x142E0] =	vst v63  }
0x6c: {  	_ =	swait.ge [sflag:s21], $0x3E80  }
0x6d: {  	[sflag:s21] =	ssyncset.done $0x0  }
0x6e: {  	[sflag:s21] =	ssyncadd.s32 $0xFFFFC180  }
0x6f: {  	_ =	swait.ge [sflag:s0], $0x3E80  }
0x70: {  	[sflag:s0] =	ssyncset.done $0x0  }
0x71: {  	s26 =	simm.s32 $0xFC0;
	[sflag:s0] =	ssyncadd.s32 $0xFFFFC180  }
0x72: {  	[tilespmem:s23], [sflag:$0x3] =	stream.indirect.gather [hbm4b:s1+s17], $0x20, s26, s17, $0xb8;
	[tilespmem:$0x142E0] =	vst v63  }
0x73: {  	s28 =	simm.s32 $0x1F80  }
0x74: {  	[spmem:s3] =	stream.indirect.scatter.add.f32 [tilespmem:s18], [sflag:$0x4], $0x20, s28, s17, $0xb8;
	[tilespmem:$0x142E0] =	vst v63  }
0x75: {  	_ =	swait.ge [sflag:s24], $0x3E80  }
0x76: {  	[sflag:s24] =	ssyncset.done $0x0  }
0x77: {  	[sflag:s24] =	ssyncadd.s32 $0xFFFFC180  }
0x78: {  	_ =	swait.ge [sflag:s25], $0x3E80  }
0x79: {  	[sflag:s25] =	ssyncset.done $0x0  }
0x7a: {  	s26 =	simm.s32 $0x11B8;
	[sflag:s25] =	ssyncadd.s32 $0xFFFFC180  }
0x7b: {  	[tilespmem:s18], [sflag:$0x1] =	stream.indirect.gather [hbm4b:s1+s17], $0x20, s26, s17, $0xb8;
	[tilespmem:$0x142E0] =	vst v63  }
0x7c: {  	s28 =	simm.s32 $0x2178  }
0x7d: {  	[spmem:s3] =	stream.indirect.scatter.add.f32 [tilespmem:s20], [sflag:$0x5], $0x20, s28, s17, $0xb8;
	[tilespmem:$0x142E0] =	vst v63  }
0x7e: {  	_ =	swait.ge [sflag:s29], $0x3E80  }
0x7f: {  	[sflag:s29] =	ssyncset.done $0x0  }
0x80: {  	[sflag:s29] =	ssyncadd.s32 $0xFFFFC180  }
0x81: {  	[spmem:s3] =	stream.indirect.scatter.add.f32 [tilespmem:s23], [sflag:$0x6], $0x20, s31, s17, $0xb8;
	[tilespmem:$0x142E0] =	vst v63  }
0x82: {  	_ =	swait.ge [sflag:s21], $0x3E80  }
0x83: {  	[sflag:s21] =	ssyncset.done $0x0  }
0x84: {  	[sflag:s21] =	ssyncadd.s32 $0xFFFFC180  }
0x85: {  	[spmem:s3] =	stream.indirect.scatter.add.f32 [tilespmem:s18], [sflag:$0x4], $0x20, s2, s17, $0xb8;
	[tilespmem:$0x142E0] =	vst v63  }
0x86: {  	_ =	swait.ge [sflag:s30], $0x3E80  }
0x87: {  	[sflag:s30] =	ssyncset.done $0x0  }
0x88: {  	[sflag:s30] =	ssyncadd.s32 $0xFFFFC180  }
0x89: {  	_ =	swait.ge [sflag:s0], $0x3E80  }
0x8a: {  	[sflag:s0] =	ssyncset.done $0x0  }
0x8b: {  	[sflag:s0] =	ssyncadd.s32 $0xFFFFC180  }
0x8c: {  	s26 =	stileid.u32;
	_ =	swait.ge [sflag:s25], $0x3E80  }
0x8d: {  	s19 =	sadd.s32 $0x1, s19;
	s22 =	sshll.u32 s26, $0x6;
	[sflag:s25] =	ssyncset.done $0x0  }
0x8e: {  	p0 =	sne.s32 s19, s13;
	s22 =	sor.u32 $0x1C07, s22;
	[sflag:s25] =	ssyncadd.s32 $0xFFFFC180  }
.Ltmp1:
0x8f: {  	s28 =	sshrl.u32 s5, $0x3;
	[bflag:$0x0] =	sbarrier.arrive $0xFFFF;
	(pc) =	sbr.rel @p0 .LBB2_1-.Ltmp1, $4  }
0x90: {  	[hbm:s12], [sflag:s22] =	dma.local [spmem:s28], $0xA00  }
0x91: {  	_ =	swait.ge [sflag:s15], $0xA00  }
0x92: {  	[sflag:s15] =	ssyncset.done $0x0  }
0x93: {  	[sflag:s15] =	ssyncadd.s32 $0xFFFFF600  }
0x94: {  	_ =	sfence.sel $0x180000  }
0x95: {  	[bflag:$0x0] =	sbarrier.arrive $0xFFFF  }
0x96: {  	_ =	strace $0x9000004D  }
0x97: {  	s0 =	stileid.u32;
	[bflag:$0x2] =	sbarrier.arrive $0xFFFF  }
0x98: {  	p0 =	sne.s32 s0, $0x0;
	s0 =	rddreg [dreg:$0x4]  }
0x99: {  	s0 =	sadd.s32 @!p0 $0x100000, s0  }
0x9a: {  	[sflag:s0] =	ssyncadd.tile.s32 @!p0 $0x1;
	_ =	shalt  }
.Lfunc_end2:
_tile_overlayer_lowered:
.L_overlay_start_2:
0x9b: {  	(tag) =	ssettag $0x2  }
0x9c: {  	s0 =	rddreg [dreg:$0x0];
	s2 =	stileid.u32  }
0x9d: {  	s1 =	rddreg [dreg:$0x1];
	p0 =	sne.s32 s2, $0x0  }
0x9e: {  	s3 =	rddreg [dreg:$0x2];
	[bflag:$0x3] =	sbarrier.arrive $0xFFFF;
	s2 =	simm.s32 @!p0 $0x1C07  }
0x9f: {  	[timem:s3], [sflag:s2] =	dma.local @!p0 [hbm:s0], s1  }
0xa0: {  	s0 =	simm.s32 @!p0 $0x7  }
0xa1: {  	_ =	swait.ge @!p0 [sflag:s0], s1  }
0xa2: {  	s1 =	ssub.s32 @!p0 $0x0, s1;
	[sflag:s0] =	ssyncset.done @!p0 $0x0  }
0xa3: {  	[sflag:s0] =	ssyncadd.s32 @!p0 s1  }
0xa4: {  	[bflag:$0x3] =	sbarrier.arrive $0xFFFF  }
0xa5: {  	_ =	shalt  }

// kernel: kernel.20.cloned.1.call-start
scs
__scs_entry_jumppad:
0x0: {  	(pc) =	sbr.rel $0x88, $3  }
0x1: {  	(tag) =	ssettag $0x0;
	lr =	simm.s32 $0x1  }
0x2: {  	[smem:$0x3F93] =	sst lr;
	_ =	strace $0xD0000000  }
0x3: {  	_ = 	snop  }
0x4: {  	_ = 	snop  }
0x5: {  	_ = 	snop  }
0x6: {  	_ = 	snop  }
0x7: {  	_ = 	snop  }
__scs_overlays_trampoline_lowered:
0x8: {  	[smem:$0x3FA2] =	sst s0  }
0x9: {  	[smem:$0x3FA3] =	sst s1  }
0xa: {  	[smem:$0x3FA4] =	sst s2  }
0xb: {  	[smem:$0x3FA5] =	sst s3  }
0xc: {  	[smem:$0x3FA6] =	sst s4  }
0xd: {  	[smem:$0x3FA7] =	sst s5  }
0xe: {  	[smem:$0x3FA8] =	sst s6  }
0xf: {  	[smem:$0x3FA9] =	sst s7  }
0x10: {  	[smem:$0x3FAA] =	sst s8  }
0x11: {  	[smem:$0x3FAB] =	sst s9;
	s0 =	simm.s32 @!p0 $0x0  }
0x12: {  	s1 =	sld [smem:$0x3F91];
	s0 =	simm.s32 @p0 $0x1  }
0x13: {  	[smem:$0x3FAC] =	sst s0;
	s0 =	simm.s32 @!p1 $0x0  }
0x14: {  	s2 =	sld [smem:$0x3F90];
	s0 =	simm.s32 @p1 $0x1  }
0x15: {  	[smem:$0x3FAD] =	sst s0;
	s0 =	simm.s32 @!p2 $0x0  }
0x16: {  	s3 =	sld [smem:$0x3FDB];
	s0 =	simm.s32 @p2 $0x1  }
0x17: {  	s4 =	simm.s32 $0x1BF5;
	[smem:$0x3FAF] =	sst s0  }
0x18: {  	s0 =	sld [smem:$0x3F92];
	_ =	swait.ge [sflag:s4], $0x0  }
0x19: {  	s7 =	sld [smem:$0x3F93]  }
0x1a: {  	s8 =	sadd.s32 $0xFFFFE003, lr  }
0x1b: {  	s9 =	sadd.s32 $0xFFFFFEF7, lr;
	s5 =	simm.s32 $0xFFFFFFFF;
	p2 =	slt.u32 s8, $0xFFFFF086  }
0x1c: {  	p1 =	slt.u32 s9, $0xF7A;
	s5 =	simm.s32 @!p2 $0x0  }
0x1d: {  	s5 =	simm.s32 @p1 $0x1;
	p0 =	seq.s32 s7, s2  }
0x1e: {  	s7 =	smul.u32 @!p0 $0xF7A, s2;
	p2 =	seq.s32 @!p0 s5, $0x0  }
0x1f: {  	s9 =	smul.u32 $0xF7A, s1;
	s8 =	simm.s32 @!p0 $0x1BF5;
	p2 =	por !p2, p0  }
0x20: {  	[sflag:s8] =	ssyncset.s32 @!p0 $0xFFFFF086;
	s6 =	sadd.s32 @!p0 s3, s7;
	s7 =	simm.s32 @!p0 $0x108  }
0x21: {  	s3 =	sadd.s32 s3, s9;
	s6 =	sadd.s32 @!p0 $0x88, s6;
	s7 =	simm.s32 @p2 $0x1082  }
0x22: {  	[simem:s7], [sflag:s8] =	dma.local @!p0 [hbm:s6], $0xF7A  }
0x23: {  	s9 =	sor.u32 $0xD0000000, s2;
	s6 =	simm.s32 $0x108;
	_ =	swait.ge @!p0 [sflag:s8], $0x0  }
0x24: {  	s3 =	sadd.s32 $0x88, s3;
	s6 =	simm.s32 @!p1 $0x1082;
	[sflag:s4] =	ssyncset.s32 $0xFFFFF086  }
0x25: {  	[simem:s6], [sflag:s4] =	dma.local [hbm:s3], $0xF7A  }
0x26: {  	[smem:$0x3F93] =	sst s1;
	(tag) =	ssettag s2;
	_ =	strace s9  }
0x27: {  	s1 =	sld [smem:$0x3FA3]  }
0x28: {  	s2 =	sld [smem:$0x3FA4]  }
0x29: {  	s4 =	sld [smem:$0x3FA6]  }
0x2a: {  	p0 =	seq.s32 s5, $0x0;
	s5 =	sld [smem:$0x3FA7]  }
0x2b: {  	s6 =	sld [smem:$0x3FA8]  }
0x2c: {  	s7 =	sld [smem:$0x3FA9]  }
0x2d: {  	s3 =	simm.s32 $0x108;
	s8 =	sld [smem:$0x3FAA]  }
0x2e: {  	s3 =	simm.s32 @!p0 $0x1082;
	s9 =	sld [smem:$0x3FAB]  }
0x2f: {  	lr =	sadd.s32 s0, s3;
	s0 =	sld [smem:$0x3FA2]  }
0x30: {  	s3 =	sld [smem:$0x3FA5]  }
0x31: {  	[smem:$0x3FAE] =	sst s10  }
0x32: {  	s10 =	sld [smem:$0x3FAC];
	_ =	sdelay $0x3  }
0x33: {  	p0 =	seq.s32 s10, $0x1;
	s10 =	sld [smem:$0x3FAE];
	_ =	sdelay $0x3  }
0x34: {  	[smem:$0x3FAE] =	sst s10  }
0x35: {  	s10 =	sld [smem:$0x3FAD];
	_ =	sdelay $0x3  }
0x36: {  	p1 =	seq.s32 s10, $0x1;
	s10 =	sld [smem:$0x3FAE];
	_ =	sdelay $0x3  }
0x37: {  	[smem:$0x3FAE] =	sst s10  }
0x38: {  	s10 =	sld [smem:$0x3FAF]  }
0x39: {  	_ = 	snop;
	(pc) =	sbr.ind lr, $3  }
0x3a: {  	_ = 	snop  }
0x3b: {  	_ = 	snop  }
0x3c: {  	p2 =	seq.s32 s10, $0x1;
	s10 =	sld [smem:$0x3FAE]  }
0x3d: {  	_ =	shalt  }
0x3e: {  	_ =	shalt  }
0x3f: {  	_ =	shalt  }
0x40: {  	_ =	shalt  }
0x41: {  	_ =	shalt  }
0x42: {  	_ =	shalt  }
0x43: {  	_ =	shalt  }
0x44: {  	_ =	shalt  }
0x45: {  	_ =	shalt  }
0x46: {  	_ =	shalt  }
0x47: {  	_ =	shalt  }
0x48: {  	_ =	shalt  }
0x49: {  	_ =	shalt  }
0x4a: {  	_ =	shalt  }
0x4b: {  	_ =	shalt  }
0x4c: {  	_ =	shalt  }
0x4d: {  	_ =	shalt  }
0x4e: {  	_ =	shalt  }
0x4f: {  	_ =	shalt  }
0x50: {  	_ =	shalt  }
0x51: {  	_ =	shalt  }
0x52: {  	_ =	shalt  }
0x53: {  	_ =	shalt  }
0x54: {  	_ =	shalt  }
0x55: {  	_ =	shalt  }
0x56: {  	_ =	shalt  }
0x57: {  	_ =	shalt  }
0x58: {  	_ =	shalt  }
0x59: {  	_ =	shalt  }
0x5a: {  	_ =	shalt  }
0x5b: {  	_ =	shalt  }
0x5c: {  	_ =	shalt  }
0x5d: {  	_ =	shalt  }
0x5e: {  	_ =	shalt  }
0x5f: {  	_ =	shalt  }
0x60: {  	_ =	shalt  }
0x61: {  	_ =	shalt  }
0x62: {  	_ =	shalt  }
0x63: {  	_ =	shalt  }
0x64: {  	_ =	shalt  }
0x65: {  	_ =	shalt  }
0x66: {  	_ =	shalt  }
0x67: {  	_ =	shalt  }
0x68: {  	_ =	shalt  }
0x69: {  	_ =	shalt  }
0x6a: {  	_ =	shalt  }
0x6b: {  	_ =	shalt  }
0x6c: {  	_ =	shalt  }
0x6d: {  	_ =	shalt  }
0x6e: {  	_ =	shalt  }
0x6f: {  	_ =	shalt  }
0x70: {  	_ =	shalt  }
0x71: {  	_ =	shalt  }
0x72: {  	_ =	shalt  }
0x73: {  	_ =	shalt  }
0x74: {  	_ =	shalt  }
0x75: {  	_ =	shalt  }
0x76: {  	_ =	shalt  }
0x77: {  	_ =	shalt  }
0x78: {  	_ =	shalt  }
0x79: {  	_ =	shalt  }
0x7a: {  	_ =	shalt  }
0x7b: {  	_ =	shalt  }
0x7c: {  	_ =	shalt  }
0x7d: {  	_ =	shalt  }
0x7e: {  	_ =	shalt  }
0x7f: {  	_ =	shalt  }
0x80: {  	_ =	shalt  }
0x81: {  	_ =	shalt  }
0x82: {  	_ =	shalt  }
0x83: {  	_ =	shalt  }
0x84: {  	_ =	shalt  }
0x85: {  	_ =	shalt  }
0x86: {  	_ =	shalt  }
0x87: {  	_ =	shalt  }
.Lfunc_end0:
.L_simem_size_0:
called_computation.3_lowered:
.L_overlay_start_0:
0x88: {  	s2 =	sld [smem:$0x3FD9]  }
0x89: {  	s3 =	sld [smem:$0x3FFE];
	_ =	sdelay $0x1  }
0x8a: {  	s1 =	srdreg.scid  }
0x8b: {  	s0 =	sand.u32 $0x1, s1  }
0x8c: {  	s14 =	sshll.u32 s0, $0xA;
	s2 =	sadd.s32 s3, s2  }
0x8d: {  	s2 =	sadd.s32 s2, s14  }
0x8e: {  	[smem:$0x3FBA] =	sst s2  }
0x8f: {  	_ = 	snop  }
0x90: {  	s2 =	sld [smem:$0x3FD0];
	_ =	sdelay $0x2  }
0x91: {  	s15 =	simm.s32 $0xA;
	s4 =	simm.s32 $0x10  }
0x92: {  	[smem:s4], [sflag:s15] =	dma.local [hbm:s2], $0x1  }
0x93: {  	_ =	swait.eq [sflag:s15], $0x1  }
0x94: {  	[sflag:s15] =	ssyncset.done $0x0  }
0x95: {  	[sflag:s15] =	ssyncadd.s32 $0xFFFFFFFF  }
0x96: {  	s16 =	sld [smem:$0x10];
	(tm) =	ssettm $0x1  }
0x97: {  	s17 =	sld [smem:$0x3FFB];
	_ =	sdelay $0x3  }
0x98: {  	_ =	strace s17  }
0x99: {  	s3 =	sld [smem:$0x3FFC];
	_ =	sdelay $0x3  }
0x9a: {  	_ =	strace s3  }
0x9b: {  	s3 =	sld [smem:$0x3FFD];
	_ =	sdelay $0x3  }
0x9c: {  	_ =	strace s3  }
0x9d: {  	_ =	strace $0x8FFFFFFF  }
0x9e: {  	s18 =	sld [smem:$0x3FDB];
	_ =	sdelay $0x1  }
0x9f: {  	s19 =	simm.s32 $_scs_section_size  }
0xa0: {  	s5 =	simm.s32 $_size__tile_overlayer_lowered;
	s6 =	simm.s32 $_tile_overlayer_lowered  }
0xa1: {  	s22 =	simm.s32 $0x1BFF;
	s21 =	sshll.u32 s6, $0x1;
	s3 =	sadd.s32 s19, s18  }
0xa2: {  	s7 =	simm.s32 $0x0;
	s20 =	sshll.u32 s5, $0x1;
	s5 =	sadd.s32 s21, s3  }
0xa3: {  	[timem:s7], [sflag:s22] =	dma.local [hbm:s5], s20  }
0xa4: {  	_ =	swait.ge [sflag:s22], s20  }
0xa5: {  	s4 =	ssub.s32 $0x0, s20;
	[sflag:s22] =	ssyncset.done $0x0  }
0xa6: {  	[sflag:s22] =	ssyncadd.s32 s4;
	_ =	sdelay $0x1  }
0xa7: {  	s23 =	simm.s32 $0x1B8B  }
0xa8: {  	_ =	swait.ge [sflag:s23], $0x1  }
0xa9: {  	[sflag:s23] =	ssyncset.done $0x0  }
0xaa: {  	s25 =	simm.s32 $0x1B8E;
	s24 =	sld [smem:$0x3FFE];
	[sflag:s23] =	ssyncadd.s32 $0xFFFFFFFF  }
0xab: {  	s26 =	simm.s32 $execute0_lowered;
	[smem:$0x3FD2] =	sst s25  }
0xac: {  	s5 =	sshll.u32 s26, $0x1;
	_ =	strace $0x8000004F;
	[dreg:$0x1] =	wrdreg $0xFFFFFFFF  }
0xad: {  	s28 =	simm.s32 $_size_execute0_lowered;
	s3 =	sadd.s32 s3, s5;
	[dreg:$0x0] =	wrdreg $0x0  }
0xae: {  	s5 =	sshll.u32 s28, $0x1;
	[dreg:$0x2] =	wrdreg s3  }
0xaf: {  	[dreg:$0x3] =	wrdreg s5  }
0xb0: {  	[dreg:$0x4] =	wrdreg $0xC0  }
0xb1: {  	_ =	task [dreg:s7], $0x5FFFF  }
0xb2: {  	[dreg:$0x1] =	wrdreg $0xFFFFFFFF  }
0xb3: {  	[dreg:$0x0] =	wrdreg $0x60  }
0xb4: {  	[dreg:$0x2] =	wrdreg s16  }
0xb5: {  	[dreg:$0x3] =	wrdreg s24  }
0xb6: {  	[dreg:$0x4] =	wrdreg $0x141600  }
0xb7: {  	[dreg:$0x5] =	wrdreg $0x9  }
0xb8: {  	_ =	task.clear_ibuf [dreg:s7], $0x6FFFF;
	_ =	strace $0x9000004F  }
0xb9: {  	s29 =	simm.s32 $0x9;
	_ =	strace $0x80000051  }
0xba: {  	_ =	swait.ge [sflag:s29], $0x1  }
0xbb: {  	[sflag:s29] =	ssyncadd.s32 $0xFFFFFFFF  }
0xbc: {  	_ =	strace $0x90000051  }
0xbd: {  	_ =	sfence  }
0xbe: {  	s30 =	sld [smem:$0x0];
	_ =	sdelay $0x2  }
0xbf: {  	s31 =	sshll.u32 s1, $0xD;
	s1 =	sshrl.u32 s1, $0x2  }
0xc0: {  	s3 =	sand.u32 $0x4000, s31;
	s1 =	sadd.s32 s1, s30  }
0xc1: {  	s0 =	sor.u32 s3, s0;
	s1 =	sshll.u32 s1, $0x11  }
0xc2: {  	s0 =	sor.u32 s1, s0  }
0xc3: {  	s0 =	sadd.s32 $0x8F2B, s0  }
0xc4: {  	[sflag:s0] =	ssyncadd.remote.s32 $0x1  }
0xc5: {  	_ =	sfence.sel $0xFFFF  }
0xc6: {  	[dreg:$0x0] =	wrdreg $0xFFFFFFFF;
	(pc) =	sbr.abs _section_cstart, $3  }
0xc7: {  	[dreg:$0x1] =	wrdreg $0xFFFFFFFF  }
0xc8: {  	_ =	task.clear_ibuf [dreg:s7], $0x2FFFF;
	_ =	strace $0x9FFFFFFF  }
0xc9: {  	(tm) =	ssettm $0x7FFFFFFF  }
tec
execute0_lowered:
.L_overlay_start_1:
0x0: {  	(tag) =	ssettag $0x1  }
0x1: {  	s1 =	rddreg [dreg:$0x0]  }
0x2: {  	s0 =	srdreg.scid;
	s6 =	rddreg [dreg:$0x1]  }
0x3: {  	s7 =	stileid.u32;
	s3 =	rddreg [dreg:$0x2]  }
0x4: {  	s4 =	simm.s32 $0x0;
	s14 =	simm.s32 $0x12160;
	s15 =	simm.s32 $0x5  }
0x5: {  	s16 =	simm.s32 $0x13B0;
	s17 =	simm.s32 $0x1F4;
	s18 =	simm.s32 $0x2760  }
0x6: {  	s19 =	simm.s32 $0x1;
	s21 =	simm.s32 $0xA460;
	s22 =	simm.s32 $0x2  }
0x7: {  	s23 =	simm.s32 $0x3;
	s26 =	simm.s32 $0x4;
	s29 =	simm.s32 $0xFC0  }
0x8: {  	s30 =	simm.s32 $0x2178;
	s31 =	simm.s32 $0x11B8;
	s20 =	simm.s32 $0x0  }
0x9: {  	s0 =	sand.u32 $0x1, s0;
	s2 =	sshll.u32 s7, $0x1;
	s5 =	smul.u32 $0x1400, s7  }
0xa: {  	[smem:$0x7FF] =	sst s4;
	s7 =	smul.u32 $0x28000, s7;
	s2 =	sor.u32 s0, s2  }
0xb: {  	_ =	strace $0x80000050;
	s8 =	smul.u32 $0x14000, s0;
	s0 =	ssub.s32 $0x2, s0  }
0xc: {  	s2 =	smul.u32 $0x276, s2;
	s7 =	sshrl.u32 s7, $0x2;
	s9 =	sshrl.u32 s0, $0x1  }
0xd: {  	s8 =	sadd.s32 s5, s8;
	s5 =	sadd.s32 s7, s3;
	s0 =	ssub.s32 s0, s9  }
0xe: {  	s2 =	sadd.s32 s2, s6;
	s12 =	sadd.s32 s8, s6;
	s6 =	sadd.s32 $0x2000, s5  }
0xf: {  	s7 =	sadd.s32 $0x4000, s5;
	s8 =	sadd.s32 $0x6000, s5;
	s9 =	sadd.s32 $0x8000, s5  }
0x10: {  	s13 =	smax.u32 s0, $0x1;
	s0 =	simm.s32 $0x2568;
	s10 =	sadd.s32 $0x7600, s2  }
0x11: {  	v0 =	vimm.f32 $0.0e+00;
	s11 =	sadd.s32 $0x2600, s2;
	s12 =	sadd.s32 $0xC600, s12;
	s2 =	simm.s32 $0x2370  }
.LBB2_1:
0x12: {  	s25 =	simm.s32 $0x100;
	s24 =	simm.s32 $0x0  }
.LBB2_2:
0x13: {  	p0 =	sne.s32 s25, $0x7F00;
	[tilespmem:s24+$0x12190] =	vst v0;
	s28 =	smov.u32 s25;
	s25 =	sadd.s32 $0x100, s25  }
.Ltmp0:
0x14: {  	[tilespmem:s24+$0x12180] =	vst v0;
	(pc) =	sbr.rel @p0 .LBB2_2-.Ltmp0, $3  }
0x15: {  	[tilespmem:s24+$0x12160] =	vst v0  }
0x16: {  	[tilespmem:s24+$0x12170] =	vst v0;
	_ =	sdelay $0x1  }
0x17: {  	s24 =	sshra.s32 s28, $0x2  }
0x18: {  	[tilespmem:s24+$0x12190] =	vst v0  }
0x19: {  	[tilespmem:s24+$0x12180] =	vst v0  }
0x1a: {  	[tilespmem:s24+$0x12160] =	vst v0  }
0x1b: {  	[tilespmem:s24+$0x12170] =	vst v0  }
0x1c: {  	[spmem:s5] =	stream.linear.scatter [tilespmem:s14], [sflag:$0x5], $0x2000, $0x38;
	[tilespmem:$0x1E160] =	vst v63  }
0x1d: {  	_ =	swait.ge [sflag:s15], $0x2000  }
0x1e: {  	[sflag:s15] =	ssyncset.done $0x0  }
0x1f: {  	[sflag:s15] =	ssyncadd.s32 $0xFFFFE000  }
0x20: {  	[spmem:s6] =	stream.linear.scatter [tilespmem:s14], [sflag:$0x5], $0x2000, $0x38;
	[tilespmem:$0x1E160] =	vst v63  }
0x21: {  	_ =	swait.ge [sflag:s15], $0x2000  }
0x22: {  	[sflag:s15] =	ssyncset.done $0x0  }
0x23: {  	[sflag:s15] =	ssyncadd.s32 $0xFFFFE000  }
0x24: {  	[spmem:s7] =	stream.linear.scatter [tilespmem:s14], [sflag:$0x5], $0x2000, $0x38;
	[tilespmem:$0x1E160] =	vst v63  }
0x25: {  	_ =	swait.ge [sflag:s15], $0x2000  }
0x26: {  	[sflag:s15] =	ssyncset.done $0x0  }
0x27: {  	[sflag:s15] =	ssyncadd.s32 $0xFFFFE000  }
0x28: {  	[spmem:s8] =	stream.linear.scatter [tilespmem:s14], [sflag:$0x5], $0x2000, $0x38;
	[tilespmem:$0x1E160] =	vst v63  }
0x29: {  	_ =	swait.ge [sflag:s15], $0x2000  }
0x2a: {  	[sflag:s15] =	ssyncset.done $0x0  }
0x2b: {  	[sflag:s15] =	ssyncadd.s32 $0xFFFFE000  }
0x2c: {  	[spmem:s9] =	stream.linear.scatter [tilespmem:s14], [sflag:$0x5], $0x2000, $0x38;
	[tilespmem:$0x1E160] =	vst v63  }
0x2d: {  	_ =	swait.ge [sflag:s15], $0x2000  }
0x2e: {  	[sflag:s15] =	ssyncset.done $0x0  }
0x2f: {  	[sflag:s15] =	ssyncadd.s32 $0xFFFFE000  }
0x30: {  	[tilespmem:s4], [sflag:$0x5] =	stream.linear.gather [hbm4b:s10+s4], $0x13B0, $0x38;
	[tilespmem:$0x1E160] =	vst v63  }
0x31: {  	_ =	swait.ge [sflag:s15], $0x13B0  }
0x32: {  	[sflag:s15] =	ssyncset.done $0x0  }
0x33: {  	[sflag:s15] =	ssyncadd.s32 $0xFFFFEC50  }
0x34: {  	[tilespmem:s16], [sflag:$0x5] =	stream.linear.gather [hbm4b:s11+s4], $0x13B0, $0x38;
	[tilespmem:$0x1E160] =	vst v63  }
0x35: {  	_ =	swait.ge [sflag:s15], $0x13B0  }
0x36: {  	[sflag:s15] =	ssyncset.done $0x0  }
0x37: {  	[sflag:s15] =	ssyncadd.s32 $0xFFFFEC50  }
0x38: {  	[bflag:$0x0] =	sbarrier.arrive $0xFFFF  }
0x39: {  	[tilespmem:s18], [sflag:$0x1] =	stream.indirect.gather [hbm4b:s1+s17], $0x40, s4, s17, $0xb8;
	[tilespmem:$0x1E160] =	vst v63  }
0x3a: {  	_ =	swait.ge [sflag:s19], $0x7D00  }
0x3b: {  	[sflag:s19] =	ssyncset.done $0x0  }
0x3c: {  	s25 =	simm.s32 $0x1F8;
	[sflag:s19] =	ssyncadd.s32 $0xFFFF8300  }
0x3d: {  	[tilespmem:s21], [sflag:$0x2] =	stream.indirect.gather [hbm4b:s1+s17], $0x40, s25, s17, $0xb8;
	[tilespmem:$0x1E160] =	vst v63  }
0x3e: {  	_ = 	snop  }
0x3f: {  	[spmem:s3] =	stream.indirect.scatter.add.f32 [tilespmem:s18], [sflag:$0x3], $0x40, s16, s17, $0xb8;
	[tilespmem:$0x1E160] =	vst v63  }
0x40: {  	_ =	swait.ge [sflag:s22], $0x7D00  }
0x41: {  	[sflag:s22] =	ssyncset.done $0x0  }
0x42: {  	[sflag:s22] =	ssyncadd.s32 $0xFFFF8300  }
0x43: {  	_ =	swait.ge [sflag:s23], $0x7D00  }
0x44: {  	[sflag:s23] =	ssyncset.done $0x0  }
0x45: {  	s28 =	simm.s32 $0x3F0;
	[sflag:s23] =	ssyncadd.s32 $0xFFFF8300  }
0x46: {  	[tilespmem:s18], [sflag:$0x1] =	stream.indirect.gather [hbm4b:s1+s17], $0x40, s28, s17, $0xb8;
	[tilespmem:$0x1E160] =	vst v63  }
0x47: {  	s25 =	simm.s32 $0x15A8  }
0x48: {  	[spmem:s3] =	stream.indirect.scatter.add.f32 [tilespmem:s21], [sflag:$0x4], $0x40, s25, s17, $0xb8;
	[tilespmem:$0x1E160] =	vst v63  }
0x49: {  	_ =	swait.ge [sflag:s19], $0x7D00  }
0x4a: {  	[sflag:s19] =	ssyncset.done $0x0  }
0x4b: {  	[sflag:s19] =	ssyncadd.s32 $0xFFFF8300  }
0x4c: {  	_ =	swait.ge [sflag:s26], $0x7D00  }
0x4d: {  	[sflag:s26] =	ssyncset.done $0x0  }
0x4e: {  	s28 =	simm.s32 $0x5E8;
	[sflag:s26] =	ssyncadd.s32 $0xFFFF8300  }
0x4f: {  	[tilespmem:s21], [sflag:$0x2] =	stream.indirect.gather [hbm4b:s1+s17], $0x40, s28, s17, $0xb8;
	[tilespmem:$0x1E160] =	vst v63  }
0x50: {  	s25 =	simm.s32 $0x17A0  }
0x51: {  	[spmem:s3] =	stream.indirect.scatter.add.f32 [tilespmem:s18], [sflag:$0x3], $0x40, s25, s17, $0xb8;
	[tilespmem:$0x1E160] =	vst v63  }
0x52: {  	_ =	swait.ge [sflag:s22], $0x7D00  }
0x53: {  	[sflag:s22] =	ssyncset.done $0x0  }
0x54: {  	[sflag:s22] =	ssyncadd.s32 $0xFFFF8300  }
0x55: {  	_ =	swait.ge [sflag:s23], $0x7D00  }
0x56: {  	[sflag:s23] =	ssyncset.done $0x0  }
0x57: {  	s28 =	simm.s32 $0x7E0;
	[sflag:s23] =	ssyncadd.s32 $0xFFFF8300  }
0x58: {  	[tilespmem:s18], [sflag:$0x1] =	stream.indirect.gather [hbm4b:s1+s17], $0x40, s28, s17, $0xb8;
	[tilespmem:$0x1E160] =	vst v63  }
0x59: {  	s25 =	simm.s32 $0x1998  }
0x5a: {  	[spmem:s3] =	stream.indirect.scatter.add.f32 [tilespmem:s21], [sflag:$0x4], $0x40, s25, s17, $0xb8;
	[tilespmem:$0x1E160] =	vst v63  }
0x5b: {  	_ =	swait.ge [sflag:s19], $0x7D00  }
0x5c: {  	[sflag:s19] =	ssyncset.done $0x0  }
0x5d: {  	[sflag:s19] =	ssyncadd.s32 $0xFFFF8300  }
0x5e: {  	_ =	swait.ge [sflag:s26], $0x7D00  }
0x5f: {  	[sflag:s26] =	ssyncset.done $0x0  }
0x60: {  	s28 =	simm.s32 $0x9D8;
	[sflag:s26] =	ssyncadd.s32 $0xFFFF8300  }
0x61: {  	[tilespmem:s21], [sflag:$0x2] =	stream.indirect.gather [hbm4b:s1+s17], $0x40, s28, s17, $0xb8;
	[tilespmem:$0x1E160] =	vst v63  }
0x62: {  	s25 =	simm.s32 $0x1B90  }
0x63: {  	[spmem:s3] =	stream.indirect.scatter.add.f32 [tilespmem:s18], [sflag:$0x3], $0x40, s25, s17, $0xb8;
	[tilespmem:$0x1E160] =	vst v63  }
0x64: {  	_ =	swait.ge [sflag:s22], $0x7D00  }
0x65: {  	[sflag:s22] =	ssyncset.done $0x0  }
0x66: {  	[sflag:s22] =	ssyncadd.s32 $0xFFFF8300  }
0x67: {  	_ =	swait.ge [sflag:s23], $0x7D00  }
0x68: {  	[sflag:s23] =	ssyncset.done $0x0  }
0x69: {  	s28 =	simm.s32 $0xBD0;
	[sflag:s23] =	ssyncadd.s32 $0xFFFF8300  }
0x6a: {  	[tilespmem:s18], [sflag:$0x1] =	stream.indirect.gather [hbm4b:s1+s17], $0x40, s28, s17, $0xb8;
	[tilespmem:$0x1E160] =	vst v63  }
0x6b: {  	s25 =	simm.s32 $0x1D88  }
0x6c: {  	[spmem:s3] =	stream.indirect.scatter.add.f32 [tilespmem:s21], [sflag:$0x4], $0x40, s25, s17, $0xb8;
	[tilespmem:$0x1E160] =	vst v63  }
0x6d: {  	_ =	swait.ge [sflag:s19], $0x7D00  }
0x6e: {  	[sflag:s19] =	ssyncset.done $0x0  }
0x6f: {  	[sflag:s19] =	ssyncadd.s32 $0xFFFF8300  }
0x70: {  	_ =	swait.ge [sflag:s26], $0x7D00  }
0x71: {  	[sflag:s26] =	ssyncset.done $0x0  }
0x72: {  	s28 =	simm.s32 $0xDC8;
	[sflag:s26] =	ssyncadd.s32 $0xFFFF8300  }
0x73: {  	[tilespmem:s21], [sflag:$0x2] =	stream.indirect.gather [hbm4b:s1+s17], $0x40, s28, s17, $0xb8;
	[tilespmem:$0x1E160] =	vst v63  }
0x74: {  	s25 =	simm.s32 $0x1F80  }
0x75: {  	[spmem:s3] =	stream.indirect.scatter.add.f32 [tilespmem:s18], [sflag:$0x3], $0x40, s25, s17, $0xb8;
	[tilespmem:$0x1E160] =	vst v63  }
0x76: {  	_ =	swait.ge [sflag:s22], $0x7D00  }
0x77: {  	[sflag:s22] =	ssyncset.done $0x0  }
0x78: {  	[sflag:s22] =	ssyncadd.s32 $0xFFFF8300  }
0x79: {  	_ =	swait.ge [sflag:s23], $0x7D00  }
0x7a: {  	[sflag:s23] =	ssyncset.done $0x0  }
0x7b: {  	[sflag:s23] =	ssyncadd.s32 $0xFFFF8300  }
0x7c: {  	[tilespmem:s18], [sflag:$0x1] =	stream.indirect.gather [hbm4b:s1+s17], $0x40, s29, s17, $0xb8;
	[tilespmem:$0x1E160] =	vst v63  }
0x7d: {  	_ = 	snop  }
0x7e: {  	[spmem:s3] =	stream.indirect.scatter.add.f32 [tilespmem:s21], [sflag:$0x4], $0x40, s30, s17, $0xb8;
	[tilespmem:$0x1E160] =	vst v63  }
0x7f: {  	_ =	swait.ge [sflag:s19], $0x7D00  }
0x80: {  	[sflag:s19] =	ssyncset.done $0x0  }
0x81: {  	[sflag:s19] =	ssyncadd.s32 $0xFFFF8300  }
0x82: {  	_ =	swait.ge [sflag:s26], $0x7D00  }
0x83: {  	[sflag:s26] =	ssyncset.done $0x0  }
0x84: {  	[sflag:s26] =	ssyncadd.s32 $0xFFFF8300  }
0x85: {  	[tilespmem:s21], [sflag:$0x2] =	stream.indirect.gather [hbm4b:s1+s17], $0x40, s31, s17, $0xb8;
	[tilespmem:$0x1E160] =	vst v63  }
0x86: {  	_ = 	snop  }
0x87: {  	[spmem:s3] =	stream.indirect.scatter.add.f32 [tilespmem:s18], [sflag:$0x3], $0x40, s2, s17, $0xb8;
	[tilespmem:$0x1E160] =	vst v63  }
0x88: {  	_ =	swait.ge [sflag:s22], $0x7D00  }
0x89: {  	[sflag:s22] =	ssyncset.done $0x0  }
0x8a: {  	[sflag:s22] =	ssyncadd.s32 $0xFFFF8300  }
0x8b: {  	[spmem:s3] =	stream.indirect.scatter.add.f32 [tilespmem:s21], [sflag:$0x4], $0x40, s0, s17, $0xb8;
	[tilespmem:$0x1E160] =	vst v63  }
0x8c: {  	_ =	swait.ge [sflag:s23], $0x7D00  }
0x8d: {  	[sflag:s23] =	ssyncset.done $0x0  }
0x8e: {  	[sflag:s23] =	ssyncadd.s32 $0xFFFF8300  }
0x8f: {  	s28 =	stileid.u32;
	_ =	swait.ge [sflag:s26], $0x7D00  }
0x90: {  	s20 =	sadd.s32 $0x1, s20;
	s24 =	sshll.u32 s28, $0x6;
	[sflag:s26] =	ssyncset.done $0x0  }
0x91: {  	p0 =	sne.s32 s20, s13;
	s24 =	sor.u32 $0x1C05, s24;
	[sflag:s26] =	ssyncadd.s32 $0xFFFF8300  }
.Ltmp1:
0x92: {  	s25 =	sshrl.u32 s5, $0x3;
	[bflag:$0x0] =	sbarrier.arrive $0xFFFF;
	(pc) =	sbr.rel @p0 .LBB2_1-.Ltmp1, $4  }
0x93: {  	[hbm:s12], [sflag:s24] =	dma.local [spmem:s25], $0x1400  }
0x94: {  	_ =	swait.ge [sflag:s15], $0x1400  }
0x95: {  	[sflag:s15] =	ssyncset.done $0x0  }
0x96: {  	[sflag:s15] =	ssyncadd.s32 $0xFFFFEC00  }
0x97: {  	_ =	sfence.sel $0x180000  }
0x98: {  	[bflag:$0x0] =	sbarrier.arrive $0xFFFF  }
0x99: {  	_ =	strace $0x90000050  }
0x9a: {  	s0 =	stileid.u32;
	[bflag:$0x2] =	sbarrier.arrive $0xFFFF  }
0x9b: {  	p0 =	sne.s32 s0, $0x0;
	s0 =	rddreg [dreg:$0x3]  }
0x9c: {  	s0 =	sadd.s32 @!p0 $0x100000, s0  }
0x9d: {  	[sflag:s0] =	ssyncadd.tile.s32 @!p0 $0x1;
	_ =	shalt  }
.Lfunc_end2:
_tile_overlayer_lowered:
.L_overlay_start_2:
0x9e: {  	(tag) =	ssettag $0x2  }
0x9f: {  	s0 =	rddreg [dreg:$0x0];
	s2 =	stileid.u32  }
0xa0: {  	s1 =	rddreg [dreg:$0x1];
	p0 =	sne.s32 s2, $0x0  }
0xa1: {  	s3 =	rddreg [dreg:$0x2];
	[bflag:$0x3] =	sbarrier.arrive $0xFFFF;
	s2 =	simm.s32 @!p0 $0x1C05  }
0xa2: {  	[timem:s3], [sflag:s2] =	dma.local @!p0 [hbm:s0], s1  }
0xa3: {  	s0 =	simm.s32 @!p0 $0x5  }
0xa4: {  	_ =	swait.ge @!p0 [sflag:s0], s1  }
0xa5: {  	s1 =	ssub.s32 @!p0 $0x0, s1;
	[sflag:s0] =	ssyncset.done @!p0 $0x0  }
0xa6: {  	[sflag:s0] =	ssyncadd.s32 @!p0 s1  }
0xa7: {  	[bflag:$0x3] =	sbarrier.arrive $0xFFFF  }
0xa8: {  	_ =	shalt  }

</sc_bundles>
